<compile_context>
chip_gen: v7x
topology: tpu7x:2x2x1
jax: 0.10.2.dev20260603
libtpu: 0.0.44.dev20260713+nightly
codegen_flags: <defaults>
</compile_context>

<pallas_src>
import functools

import jax
import jax.numpy as jnp
from jax import lax
from jax.experimental import pallas as pl
from jax.experimental.pallas import tpu as pltpu
from jax.experimental.pallas import tpu_sc as plsc

DIM = 64
DPAD = 128
RELA_NUM = 3
B, L, N = 1024, 50, 16
BL = B * L
NW = 32
PW = BL // NW
P = 16
NIT = PW // P
NC = P * N // 128
NROWS = BL * N // 128
WR = NROWS // NW


def _body(seq_hbm, nbr_hbm, rel_hbm, tab_hbm, wb_hbm, r_hbm, out_hbm,
          seq_idx_v, nbr_idx_v, rel_v, wb_v, r_v,
          seq_rows_v, nbr_rows_v, out_v, sem_in0, sem_in1, sem_out0, sem_out1):
    wid = lax.axis_index("s") * 2 + lax.axis_index("c")
    sem_in = (sem_in0, sem_in1)
    sem_out = (sem_out0, sem_out1)

    pltpu.sync_copy(wb_hbm, wb_v)
    pltpu.sync_copy(r_hbm, r_v)
    wb = wb_v[pl.ds(0, 16)]
    m = jnp.maximum(jnp.maximum(wb[0], wb[1]), wb[2])
    e = jnp.exp(wb - m)
    beta = e / (e[0] + e[1] + e[2])
    w_r = []
    for r in range(RELA_NUM):
        t = r_v[r, pl.ds(0, 16)] * beta
        w_r.append(t[0] + t[1] + t[2])

    pltpu.sync_copy(seq_hbm.at[pl.ds(wid * PW, PW)], seq_idx_v)
    pltpu.sync_copy(nbr_hbm.at[pl.ds(wid * WR, WR)], nbr_idx_v)
    pltpu.sync_copy(rel_hbm.at[pl.ds(wid * WR, WR)], rel_v)

    def fire(it, slot):
        pltpu.async_copy(tab_hbm.at[seq_idx_v.at[pl.ds(it * P, P)]],
                         seq_rows_v.at[slot], sem_in[slot])
        for c in range(NC):
            pltpu.async_copy(tab_hbm.at[nbr_idx_v.at[it * NC + c]],
                             nbr_rows_v.at[slot, pl.ds(c * 128, 128)],
                             sem_in[slot])

    def wait_rows(it, slot):
        pltpu.make_async_copy(tab_hbm.at[seq_idx_v.at[pl.ds(it * P, P)]],
                              seq_rows_v.at[slot], sem_in[slot]).wait()
        for c in range(NC):
            pltpu.make_async_copy(tab_hbm.at[nbr_idx_v.at[it * NC + c]],
                                  nbr_rows_v.at[slot, pl.ds(c * 128, 128)],
                                  sem_in[slot]).wait()

    def drain_out(slot):
        pltpu.make_async_copy(out_v.at[slot],
                              out_hbm.at[pl.ds(0, P)], sem_out[slot]).wait()

    def compute(it, slot):
        base = wid * PW + it * P
        wait_rows(it, slot)

        @pl.when(it >= 2)
        def _():
            drain_out(slot)

        lane = lax.iota(jnp.int32, 16)
        bidx = [lane ^ k for k in (8, 4, 2, 1)]
        nidx = [jnp.full((16,), n, jnp.int32) for n in range(N)]

        def p_body(p, c2):
            ri = p // 8
            cb = (p % 8) * 16
            accs = [seq_rows_v[slot, p, pl.ds(d * 16, 16)] for d in range(4)]
            rel_vec = rel_v[it * NC + ri, pl.ds(cb, 16)]
            w_vec = jnp.where(rel_vec == 0, w_r[0],
                              jnp.where(rel_vec == 1, w_r[1], w_r[2]))
            for n in range(N):
                w_n = w_vec.at[nidx[n]].get(mode="promise_in_bounds")
                row = p * N + n
                for d in range(4):
                    accs[d] = accs[d] + w_n * nbr_rows_v[slot, row,
                                                         pl.ds(d * 16, 16)]
            ssv = accs[0] * accs[0]
            for d in range(1, 4):
                ssv = ssv + accs[d] * accs[d]
            for ix in bidx:
                ssv = ssv + ssv.at[ix].get(mode="promise_in_bounds")
            x = jnp.maximum(ssv, jnp.float32(1e-24))
            yi = jnp.int32(0x5F3759DF) - lax.shift_right_logical(
                lax.bitcast_convert_type(x, jnp.int32), 1)
            y = lax.bitcast_convert_type(yi, jnp.float32)
            for _ in range(3):
                y = y * (1.5 - 0.5 * x * y * y)
            for d in range(4):
                out_v[slot, p, pl.ds(d * 16, 16)] = accs[d] * y
            return c2

        lax.fori_loop(0, P, p_body, 0)
        pltpu.async_copy(out_v.at[slot], out_hbm.at[pl.ds(base, P)],
                         sem_out[slot])

    fire(0, 0)

    def g_body(g, carry):
        it = g * 2
        fire(it + 1, 1)
        compute(it, 0)

        @pl.when(it + 2 < NIT)
        def _():
            fire(it + 2, 0)

        compute(it + 1, 1)
        return carry

    lax.fori_loop(0, NIT // 2, g_body, 0)
    drain_out(0)
    drain_out(1)


@jax.jit
def _run(seq_flat, nbr2d, rel2d, uem, wb_pad, r_pad):
    mesh = plsc.VectorSubcoreMesh(core_axis_name="c", subcore_axis_name="s")
    k = functools.partial(
        pl.kernel,
        mesh=mesh,
        compiler_params=pltpu.CompilerParams(use_tc_tiling_on_sc=True),
        out_type=jax.ShapeDtypeStruct((BL, DPAD), jnp.float32),
        scratch_types=[
            pltpu.VMEM((PW,), jnp.int32),
            pltpu.VMEM((WR, 128), jnp.int32),
            pltpu.VMEM((WR, 128), jnp.int32),
            pltpu.VMEM((128,), jnp.float32),
            pltpu.VMEM((8, 128), jnp.float32),
            pltpu.VMEM((2, P, DPAD), jnp.float32),
            pltpu.VMEM((2, P * N, DPAD), jnp.float32),
            pltpu.VMEM((2, P, DPAD), jnp.float32),
            pltpu.SemaphoreType.DMA,
            pltpu.SemaphoreType.DMA,
            pltpu.SemaphoreType.DMA,
            pltpu.SemaphoreType.DMA,
        ],
    )(_body)
    return k(seq_flat, nbr2d, rel2d, uem, wb_pad, r_pad)


def kernel(sequence, seq_neighbor, rel_neigh, UEm, R, weight_b):
    UEm = jnp.pad(UEm, ((0, 0), (0, DPAD - DIM)))
    seq_flat = sequence.reshape(BL)
    nbr2d = seq_neighbor.reshape(NROWS, 128)
    rel2d = rel_neigh.reshape(NROWS, 128)
    wb_pad = jnp.full((128,), -1e30, jnp.float32).at[:RELA_NUM].set(weight_b[:, 0])
    r_pad = jnp.zeros((8, 128), jnp.float32).at[:RELA_NUM, :RELA_NUM].set(R)
    out = _run(seq_flat, nbr2d, rel2d, UEm, wb_pad, r_pad)
    return out[:, :DIM].reshape(B, L, DIM)

# --- scband reference (transcript-rebuilt; emitter-appended) ---
"""Pipeline reference for scband-sub-gl-78975858639097 (READ-ONLY COPY).

The authoritative reference and input builder live on the scoring server;
editing this copy changes nothing except your own understanding.
"""

import jax, jax.numpy as jnp
import numpy as np

USER_NUM = 1000000
DIM = 64
RELA_NUM = 3
B, L, N = 1024, 50, 16


def setup_inputs(seed: int = 0) -> dict:
    key = jax.random.key(seed)
    k1, k2, k3, k4, k5, k6 = jax.random.split(key, 6)
    sequence = jax.random.randint(k1, (B, L), 0, USER_NUM, dtype=jnp.int64 if jax.config.jax_enable_x64 else jnp.int32).astype(jnp.int32)
    seq_neighbor = jax.random.randint(k2, (B, L, N), 0, USER_NUM).astype(jnp.int32)
    rel_neigh = jax.random.randint(k3, (B, L, N), 0, RELA_NUM).astype(jnp.int32)
    UEm = jax.random.normal(k4, (USER_NUM, DIM), dtype=jnp.float32) * 0.02
    UEm = UEm.at[0].set(0.0)  # padding_idx=0
    R = jax.random.normal(k5, (RELA_NUM, RELA_NUM), dtype=jnp.float32)
    R = R.at[0].set(0.0)  # padding_idx=0 on relation encoder table
    weight_b = jax.random.normal(k6, (RELA_NUM, 1), dtype=jnp.float32)
    return {"sequence": sequence, "seq_neighbor": seq_neighbor, "rel_neigh": rel_neigh,
            "UEm": UEm, "R": R, "weight_b": weight_b}


def reference(sequence, seq_neighbor, rel_neigh, UEm, R, weight_b):
    # seq_embed = F.embedding(sequence, UEm)
    seq_embed = jnp.take(UEm, sequence, axis=0)                 # [B, L, D]
    # neighbor_embed = F.embedding(seq_neighbor, UEm)
    neighbor_embed = jnp.take(UEm, seq_neighbor, axis=0)        # [B, L, N, D]
    # relation_weight = F.embedding(rel_neigh, relation_table)
    relation_weight = jnp.take(R, rel_neigh, axis=0)            # [B, L, N, rela_num]
    beta = jax.nn.softmax(weight_b, axis=0)                     # [rela_num, 1]
    temp = jnp.matmul(relation_weight.astype(jnp.float32), beta)  # [B, L, N, 1]
    # nn.Dropout in eval mode == identity
    neighbor = temp * neighbor_embed                            # [B, L, N, D]
    # SumAggregation with no index reduces over dim=-2, then squeeze
    aggregated_neighbors = jnp.sum(neighbor, axis=-2)           # [B, L, D]
    cas_h = seq_embed + aggregated_neighbors
    # F.normalize(cas_h, p=2, dim=2)
    norm = jnp.maximum(jnp.linalg.norm(cas_h, axis=2, keepdims=True), 1e-12)
    return cas_h / norm

if __name__ == "__main__":
    import jax
    _d = setup_inputs()
    print(jax.jit(kernel)(*tuple(_d.values())))

</pallas_src>

<mosaic_0001>
#map = affine_map<(d0, d1) -> (0)>
#map1 = affine_map<(d0, d1) -> (0, 0)>
module attributes {stable_mosaic.version = 14 : i64} {
  func.func @_body(%arg0: i32, %arg1: i32, %arg2: memref<51200xi32, #tpu.memory_space<hbm>>, %arg3: memref<6400x128xi32, #tpu.memory_space<hbm>>, %arg4: memref<6400x128xi32, #tpu.memory_space<hbm>>, %arg5: memref<1000000x128xf32, #tpu.memory_space<hbm>>, %arg6: memref<128xf32, #tpu.memory_space<hbm>>, %arg7: memref<8x128xf32, #tpu.memory_space<hbm>>, %arg8: memref<51200x128xf32, #tpu.memory_space<hbm>>, %arg9: memref<1600xi32, #tpu.memory_space<vmem>>, %arg10: memref<200x128xi32, #tpu.memory_space<vmem>>, %arg11: memref<200x128xi32, #tpu.memory_space<vmem>>, %arg12: memref<128xf32, #tpu.memory_space<vmem>>, %arg13: memref<8x128xf32, #tpu.memory_space<vmem>>, %arg14: memref<2x16x128xf32, #tpu.memory_space<vmem>>, %arg15: memref<2x256x128xf32, #tpu.memory_space<vmem>>, %arg16: memref<2x16x128xf32, #tpu.memory_space<vmem>>, %arg17: memref<!tpu.dma_semaphore, #tpu.memory_space<semaphore_mem>>, %arg18: memref<!tpu.dma_semaphore, #tpu.memory_space<semaphore_mem>>, %arg19: memref<!tpu.dma_semaphore, #tpu.memory_space<semaphore_mem>>, %arg20: memref<!tpu.dma_semaphore, #tpu.memory_space<semaphore_mem>>) attributes {dimension_semantics = [#tpu.dimension_semantics<core_parallel>, #tpu.dimension_semantics<subcore_parallel>], iteration_bounds = array<i64: 2, 16>, scalar_prefetch = 0 : i64, scratch_operands = 12 : i64, tpu.core_type = #tpu.core_type<sc_vector_subcore>, window_params = [{transform_indices = #map}, {transform_indices = #map1}, {transform_indices = #map1}, {transform_indices = #map1}, {transform_indices = #map}, {transform_indices = #map1}, {transform_indices = #map1}]} {
    %mul3A = arith.constant 2 : i32
    %mul3A_0 = arith.muli %arg1, %mul3A : i32
    %add3A = arith.addi %mul3A_0, %arg0 : i32
    "tpu.region"() ({
      %run_scoped3A = tpu.sem_alloc : memref<!tpu.dma_semaphore, #tpu.memory_space<semaphore_mem>>
      tpu.enqueue_dma source(%arg6 : memref<128xf32, #tpu.memory_space<hbm>>) target(%arg12 : memref<128xf32, #tpu.memory_space<vmem>>) target_semaphore(%run_scoped3A : memref<!tpu.dma_semaphore, #tpu.memory_space<semaphore_mem>>)
      tpu.wait_dma2 semaphore(%run_scoped3A : memref<!tpu.dma_semaphore, #tpu.memory_space<semaphore_mem>>) src(%arg6 : memref<128xf32, #tpu.memory_space<hbm>>) dst(%arg12 : memref<128xf32, #tpu.memory_space<vmem>>)
      tpu.yield
    }) : () -> ()
    "tpu.region"() ({
      %run_scoped3A = tpu.sem_alloc : memref<!tpu.dma_semaphore, #tpu.memory_space<semaphore_mem>>
      tpu.enqueue_dma source(%arg7 : memref<8x128xf32, #tpu.memory_space<hbm>>) target(%arg13 : memref<8x128xf32, #tpu.memory_space<vmem>>) target_semaphore(%run_scoped3A : memref<!tpu.dma_semaphore, #tpu.memory_space<semaphore_mem>>)
      tpu.wait_dma2 semaphore(%run_scoped3A : memref<!tpu.dma_semaphore, #tpu.memory_space<semaphore_mem>>) src(%arg7 : memref<8x128xf32, #tpu.memory_space<hbm>>) dst(%arg13 : memref<8x128xf32, #tpu.memory_space<vmem>>)
      tpu.yield
    }) : () -> ()
    %get3A = arith.constant 0 : index
    %get3A_1 = tpu.vector_load %arg12[%get3A] {strides = array<i32>} : memref<128xf32, #tpu.memory_space<vmem>>, vector<16xf32>,
    %get3A_2 = vector.shape_cast %get3A_1 : vector<16xf32> to vector<16xf32>
    %slice3A = vector.extract_strided_slice %get3A_2 {offsets = [0], sizes = [1], strides = [1]} : vector<16xf32> to vector<1xf32>
    %squeeze3A = vector.extract %slice3A[0] : f32 from vector<1xf32>
    %slice3A_3 = vector.extract_strided_slice %get3A_2 {offsets = [1], sizes = [1], strides = [1]} : vector<16xf32> to vector<1xf32>
    %squeeze3A_4 = vector.extract %slice3A_3[0] : f32 from vector<1xf32>
    %max3A = arith.maximumf %squeeze3A, %squeeze3A_4 : f32
    %slice3A_5 = vector.extract_strided_slice %get3A_2 {offsets = [2], sizes = [1], strides = [1]} : vector<16xf32> to vector<1xf32>
    %squeeze3A_6 = vector.extract %slice3A_5[0] : f32 from vector<1xf32>
    %max3A_7 = arith.maximumf %max3A, %squeeze3A_6 : f32
    %sub3A = vector.broadcast %max3A_7 : f32 to vector<16xf32>
    %sub3A_8 = arith.subf %get3A_2, %sub3A : vector<16xf32>
    %exp3A = math.exp %sub3A_8 : vector<16xf32>
    %slice3A_9 = vector.extract_strided_slice %exp3A {offsets = [0], sizes = [1], strides = [1]} : vector<16xf32> to vector<1xf32>
    %squeeze3A_10 = vector.extract %slice3A_9[0] : f32 from vector<1xf32>
    %slice3A_11 = vector.extract_strided_slice %exp3A {offsets = [1], sizes = [1], strides = [1]} : vector<16xf32> to vector<1xf32>
    %squeeze3A_12 = vector.extract %slice3A_11[0] : f32 from vector<1xf32>
    %add3A_13 = arith.addf %squeeze3A_10, %squeeze3A_12 : f32
    %slice3A_14 = vector.extract_strided_slice %exp3A {offsets = [2], sizes = [1], strides = [1]} : vector<16xf32> to vector<1xf32>
    %squeeze3A_15 = vector.extract %slice3A_14[0] : f32 from vector<1xf32>
    %add3A_16 = arith.addf %add3A_13, %squeeze3A_15 : f32
    %div3A = vector.broadcast %add3A_16 : f32 to vector<16xf32>
    %div3A_17 = arith.divf %exp3A, %div3A : vector<16xf32>
    %get3A_18 = arith.constant 0 : i32
    %get3A_19 = arith.index_cast %get3A_18 : i32 to index
    %get3A_20 = arith.constant 0 : index
    %get3A_21 = tpu.vector_load %arg13[%get3A_19, %get3A_20] {strides = array<i32>} : memref<8x128xf32, #tpu.memory_space<vmem>>, vector<1x16xf32>,
    %get3A_22 = vector.shape_cast %get3A_21 : vector<1x16xf32> to vector<16xf32>
    %mul3A_23 = arith.mulf %get3A_22, %div3A_17 : vector<16xf32>
    %slice3A_24 = vector.extract_strided_slice %mul3A_23 {offsets = [0], sizes = [1], strides = [1]} : vector<16xf32> to vector<1xf32>
    %squeeze3A_25 = vector.extract %slice3A_24[0] : f32 from vector<1xf32>
    %slice3A_26 = vector.extract_strided_slice %mul3A_23 {offsets = [1], sizes = [1], strides = [1]} : vector<16xf32> to vector<1xf32>
    %squeeze3A_27 = vector.extract %slice3A_26[0] : f32 from vector<1xf32>
    %add3A_28 = arith.addf %squeeze3A_25, %squeeze3A_27 : f32
    %slice3A_29 = vector.extract_strided_slice %mul3A_23 {offsets = [2], sizes = [1], strides = [1]} : vector<16xf32> to vector<1xf32>
    %squeeze3A_30 = vector.extract %slice3A_29[0] : f32 from vector<1xf32>
    %add3A_31 = arith.addf %add3A_28, %squeeze3A_30 : f32
    %get3A_32 = arith.constant 1 : i32
    %get3A_33 = arith.index_cast %get3A_32 : i32 to index
    %get3A_34 = arith.constant 0 : index
    %get3A_35 = tpu.vector_load %arg13[%get3A_33, %get3A_34] {strides = array<i32>} : memref<8x128xf32, #tpu.memory_space<vmem>>, vector<1x16xf32>,
    %get3A_36 = vector.shape_cast %get3A_35 : vector<1x16xf32> to vector<16xf32>
    %mul3A_37 = arith.mulf %get3A_36, %div3A_17 : vector<16xf32>
    %slice3A_38 = vector.extract_strided_slice %mul3A_37 {offsets = [0], sizes = [1], strides = [1]} : vector<16xf32> to vector<1xf32>
    %squeeze3A_39 = vector.extract %slice3A_38[0] : f32 from vector<1xf32>
    %slice3A_40 = vector.extract_strided_slice %mul3A_37 {offsets = [1], sizes = [1], strides = [1]} : vector<16xf32> to vector<1xf32>
    %squeeze3A_41 = vector.extract %slice3A_40[0] : f32 from vector<1xf32>
    %add3A_42 = arith.addf %squeeze3A_39, %squeeze3A_41 : f32
    %slice3A_43 = vector.extract_strided_slice %mul3A_37 {offsets = [2], sizes = [1], strides = [1]} : vector<16xf32> to vector<1xf32>
    %squeeze3A_44 = vector.extract %slice3A_43[0] : f32 from vector<1xf32>
    %add3A_45 = arith.addf %add3A_42, %squeeze3A_44 : f32
    %get3A_46 = arith.constant 2 : i32
    %get3A_47 = arith.index_cast %get3A_46 : i32 to index
    %get3A_48 = arith.constant 0 : index
    %get3A_49 = tpu.vector_load %arg13[%get3A_47, %get3A_48] {strides = array<i32>} : memref<8x128xf32, #tpu.memory_space<vmem>>, vector<1x16xf32>,
    %get3A_50 = vector.shape_cast %get3A_49 : vector<1x16xf32> to vector<16xf32>
    %mul3A_51 = arith.mulf %get3A_50, %div3A_17 : vector<16xf32>
    %slice3A_52 = vector.extract_strided_slice %mul3A_51 {offsets = [0], sizes = [1], strides = [1]} : vector<16xf32> to vector<1xf32>
    %squeeze3A_53 = vector.extract %slice3A_52[0] : f32 from vector<1xf32>
    %slice3A_54 = vector.extract_strided_slice %mul3A_51 {offsets = [1], sizes = [1], strides = [1]} : vector<16xf32> to vector<1xf32>
    %squeeze3A_55 = vector.extract %slice3A_54[0] : f32 from vector<1xf32>
    %add3A_56 = arith.addf %squeeze3A_53, %squeeze3A_55 : f32
    %slice3A_57 = vector.extract_strided_slice %mul3A_51 {offsets = [2], sizes = [1], strides = [1]} : vector<16xf32> to vector<1xf32>
    %squeeze3A_58 = vector.extract %slice3A_57[0] : f32 from vector<1xf32>
    %add3A_59 = arith.addf %add3A_56, %squeeze3A_58 : f32
    %mul3A_60 = arith.constant 1600 : i32
    %mul3A_61 = arith.muli %add3A, %mul3A_60 : i32
    "tpu.region"() ({
      %run_scoped3A = tpu.sem_alloc : memref<!tpu.dma_semaphore, #tpu.memory_space<semaphore_mem>>
      %dma_start3A_133 = tpu.memref_slice %arg2[%mul3A_61] : memref<51200xi32, #tpu.memory_space<hbm>> -> memref<1600xi32, #tpu.memory_space<hbm>>
      %dma_start3A_134 = tpu.memref_slice %arg2[%mul3A_61] : memref<51200xi32, #tpu.memory_space<hbm>> -> memref<1600xi32, #tpu.memory_space<hbm>>
      tpu.enqueue_dma source(%dma_start3A_134 : memref<1600xi32, #tpu.memory_space<hbm>>) target(%arg9 : memref<1600xi32, #tpu.memory_space<vmem>>) target_semaphore(%run_scoped3A : memref<!tpu.dma_semaphore, #tpu.memory_space<semaphore_mem>>)
      %dma_wait3A_135 = tpu.memref_slice %arg2[%mul3A_61] : memref<51200xi32, #tpu.memory_space<hbm>> -> memref<1600xi32, #tpu.memory_space<hbm>>
      %dma_wait3A_136 = tpu.memref_slice %arg2[%mul3A_61] : memref<51200xi32, #tpu.memory_space<hbm>> -> memref<1600xi32, #tpu.memory_space<hbm>>
      tpu.wait_dma2 semaphore(%run_scoped3A : memref<!tpu.dma_semaphore, #tpu.memory_space<semaphore_mem>>) src(%dma_wait3A_136 : memref<1600xi32, #tpu.memory_space<hbm>>) dst(%arg9 : memref<1600xi32, #tpu.memory_space<vmem>>)
      tpu.yield
    }) : () -> ()
    %mul3A_62 = arith.constant 200 : i32
    %mul3A_63 = arith.muli %add3A, %mul3A_62 : i32
    "tpu.region"() ({
      %run_scoped3A = tpu.sem_alloc : memref<!tpu.dma_semaphore, #tpu.memory_space<semaphore_mem>>
      %dma_start3A_133 = arith.constant 0 : i32
      %dma_start3A_134 = tpu.memref_slice %arg3[%mul3A_63, %dma_start3A_133] : memref<6400x128xi32, #tpu.memory_space<hbm>> -> memref<200x128xi32, #tpu.memory_space<hbm>>
      %dma_start3A_135 = arith.constant 0 : i32
      %dma_start3A_136 = tpu.memref_slice %arg3[%mul3A_63, %dma_start3A_135] : memref<6400x128xi32, #tpu.memory_space<hbm>> -> memref<200x128xi32, #tpu.memory_space<hbm>>
      tpu.enqueue_dma source(%dma_start3A_136 : memref<200x128xi32, #tpu.memory_space<hbm>>) target(%arg10 : memref<200x128xi32, #tpu.memory_space<vmem>>) target_semaphore(%run_scoped3A : memref<!tpu.dma_semaphore, #tpu.memory_space<semaphore_mem>>)
      %dma_wait3A_137 = arith.constant 0 : i32
      %dma_wait3A_138 = tpu.memref_slice %arg3[%mul3A_63, %dma_wait3A_137] : memref<6400x128xi32, #tpu.memory_space<hbm>> -> memref<200x128xi32, #tpu.memory_space<hbm>>
      %dma_wait3A_139 = arith.constant 0 : i32
      %dma_wait3A_140 = tpu.memref_slice %arg3[%mul3A_63, %dma_wait3A_139] : memref<6400x128xi32, #tpu.memory_space<hbm>> -> memref<200x128xi32, #tpu.memory_space<hbm>>
      tpu.wait_dma2 semaphore(%run_scoped3A : memref<!tpu.dma_semaphore, #tpu.memory_space<semaphore_mem>>) src(%dma_wait3A_140 : memref<200x128xi32, #tpu.memory_space<hbm>>) dst(%arg10 : memref<200x128xi32, #tpu.memory_space<vmem>>)
      tpu.yield
    }) : () -> ()
    %mul3A_64 = arith.constant 200 : i32
    %mul3A_65 = arith.muli %add3A, %mul3A_64 : i32
    "tpu.region"() ({
      %run_scoped3A = tpu.sem_alloc : memref<!tpu.dma_semaphore, #tpu.memory_space<semaphore_mem>>
      %dma_start3A_133 = arith.constant 0 : i32
      %dma_start3A_134 = tpu.memref_slice %arg4[%mul3A_65, %dma_start3A_133] : memref<6400x128xi32, #tpu.memory_space<hbm>> -> memref<200x128xi32, #tpu.memory_space<hbm>>
      %dma_start3A_135 = arith.constant 0 : i32
      %dma_start3A_136 = tpu.memref_slice %arg4[%mul3A_65, %dma_start3A_135] : memref<6400x128xi32, #tpu.memory_space<hbm>> -> memref<200x128xi32, #tpu.memory_space<hbm>>
      tpu.enqueue_dma source(%dma_start3A_136 : memref<200x128xi32, #tpu.memory_space<hbm>>) target(%arg11 : memref<200x128xi32, #tpu.memory_space<vmem>>) target_semaphore(%run_scoped3A : memref<!tpu.dma_semaphore, #tpu.memory_space<semaphore_mem>>)
      %dma_wait3A_137 = arith.constant 0 : i32
      %dma_wait3A_138 = tpu.memref_slice %arg4[%mul3A_65, %dma_wait3A_137] : memref<6400x128xi32, #tpu.memory_space<hbm>> -> memref<200x128xi32, #tpu.memory_space<hbm>>
      %dma_wait3A_139 = arith.constant 0 : i32
      %dma_wait3A_140 = tpu.memref_slice %arg4[%mul3A_65, %dma_wait3A_139] : memref<6400x128xi32, #tpu.memory_space<hbm>> -> memref<200x128xi32, #tpu.memory_space<hbm>>
      tpu.wait_dma2 semaphore(%run_scoped3A : memref<!tpu.dma_semaphore, #tpu.memory_space<semaphore_mem>>) src(%dma_wait3A_140 : memref<200x128xi32, #tpu.memory_space<hbm>>) dst(%arg11 : memref<200x128xi32, #tpu.memory_space<vmem>>)
      tpu.yield
    }) : () -> ()
    %dma_start3A = arith.constant 0 : i32
    %dma_start3A_66 = arith.constant 0 : i32
    %dma_start3A_67 = arith.constant 0 : i32
    %dma_start3A_68 = tpu.memref_slice %arg14[%dma_start3A, %dma_start3A_66, %dma_start3A_67] : memref<2x16x128xf32, #tpu.memory_space<vmem>> -> memref<1x16x128xf32, #tpu.memory_space<vmem>>
    %dma_start3A_69 = tpu.memref_squeeze %dma_start3A_68 : memref<1x16x128xf32, #tpu.memory_space<vmem>> -> memref<16x128xf32, #tpu.memory_space<vmem>>
    %dma_start3A_70 = arith.constant 0 : i32
    %dma_start3A_71 = tpu.memref_slice %arg9[%dma_start3A_70] : memref<1600xi32, #tpu.memory_space<vmem>> -> memref<16xi32, #tpu.memory_space<vmem>>
    %dma_start3A_72 = arith.constant 0 : i32
    %dma_start3A_73 = arith.constant 0 : i32
    %dma_start3A_74 = tpu.memref_slice %arg5[%dma_start3A_72, %dma_start3A_73] : memref<1000000x128xf32, #tpu.memory_space<hbm>> -> memref<1000000x128xf32, #tpu.memory_space<hbm>>
    tpu.enqueue_indirect_dma source(%dma_start3A_74 : memref<1000000x128xf32, #tpu.memory_space<hbm>>) target(%dma_start3A_69 : memref<16x128xf32, #tpu.memory_space<vmem>>) offsets(%dma_start3A_71 : memref<16xi32, #tpu.memory_space<vmem>>) semaphore(%arg17 : memref<!tpu.dma_semaphore, #tpu.memory_space<semaphore_mem>>)
    %dma_start3A_75 = arith.constant 0 : i32
    %dma_start3A_76 = arith.constant 0 : i32
    %dma_start3A_77 = arith.constant 0 : i32
    %dma_start3A_78 = arith.constant 0 : i32
    %dma_start3A_79 = tpu.memref_slice %arg15[%dma_start3A_76, %dma_start3A_77, %dma_start3A_78] : memref<2x256x128xf32, #tpu.memory_space<vmem>> -> memref<1x128x128xf32, #tpu.memory_space<vmem>>
    %dma_start3A_80 = tpu.memref_squeeze %dma_start3A_79 : memref<1x128x128xf32, #tpu.memory_space<vmem>> -> memref<128x128xf32, #tpu.memory_space<vmem>>
    %dma_start3A_81 = arith.constant 0 : i32
    %dma_start3A_82 = tpu.memref_slice %arg10[%dma_start3A_75, %dma_start3A_81] : memref<200x128xi32, #tpu.memory_space<vmem>> -> memref<1x128xi32, #tpu.memory_space<vmem>>
    %dma_start3A_83 = tpu.memref_squeeze %dma_start3A_82 : memref<1x128xi32, #tpu.memory_space<vmem>> -> memref<128xi32, #tpu.memory_space<vmem>>
    %dma_start3A_84 = arith.constant 0 : i32
    %dma_start3A_85 = arith.constant 0 : i32
    %dma_start3A_86 = tpu.memref_slice %arg5[%dma_start3A_84, %dma_start3A_85] : memref<1000000x128xf32, #tpu.memory_space<hbm>> -> memref<1000000x128xf32, #tpu.memory_space<hbm>>
    tpu.enqueue_indirect_dma source(%dma_start3A_86 : memref<1000000x128xf32, #tpu.memory_space<hbm>>) target(%dma_start3A_80 : memref<128x128xf32, #tpu.memory_space<vmem>>) offsets(%dma_start3A_83 : memref<128xi32, #tpu.memory_space<vmem>>) semaphore(%arg17 : memref<!tpu.dma_semaphore, #tpu.memory_space<semaphore_mem>>)
    %dma_start3A_87 = arith.constant 1 : i32
    %dma_start3A_88 = arith.constant 0 : i32
    %dma_start3A_89 = arith.constant 128 : i32
    %dma_start3A_90 = arith.constant 0 : i32
    %dma_start3A_91 = tpu.memref_slice %arg15[%dma_start3A_88, %dma_start3A_89, %dma_start3A_90] : memref<2x256x128xf32, #tpu.memory_space<vmem>> -> memref<1x128x128xf32, #tpu.memory_space<vmem>>
    %dma_start3A_92 = tpu.memref_squeeze %dma_start3A_91 : memref<1x128x128xf32, #tpu.memory_space<vmem>> -> memref<128x128xf32, #tpu.memory_space<vmem>>
    %dma_start3A_93 = arith.constant 0 : i32
    %dma_start3A_94 = tpu.memref_slice %arg10[%dma_start3A_87, %dma_start3A_93] : memref<200x128xi32, #tpu.memory_space<vmem>> -> memref<1x128xi32, #tpu.memory_space<vmem>>
    %dma_start3A_95 = tpu.memref_squeeze %dma_start3A_94 : memref<1x128xi32, #tpu.memory_space<vmem>> -> memref<128xi32, #tpu.memory_space<vmem>>
    %dma_start3A_96 = arith.constant 0 : i32
    %dma_start3A_97 = arith.constant 0 : i32
    %dma_start3A_98 = tpu.memref_slice %arg5[%dma_start3A_96, %dma_start3A_97] : memref<1000000x128xf32, #tpu.memory_space<hbm>> -> memref<1000000x128xf32, #tpu.memory_space<hbm>>
    tpu.enqueue_indirect_dma source(%dma_start3A_98 : memref<1000000x128xf32, #tpu.memory_space<hbm>>) target(%dma_start3A_92 : memref<128x128xf32, #tpu.memory_space<vmem>>) offsets(%dma_start3A_95 : memref<128xi32, #tpu.memory_space<vmem>>) semaphore(%arg17 : memref<!tpu.dma_semaphore, #tpu.memory_space<semaphore_mem>>)
    %scan3A = arith.constant 0 : i32
    %scan3A_99 = arith.constant 0 : i32
    %scan3A_100 = arith.constant 50 : i32
    %scan3A_101 = arith.addi %scan3A_99, %scan3A_100 : i32
    %scan3A_102 = arith.constant 1 : i32
    scf.for %scan3A_133 = %scan3A_99 to %scan3A_101 step %scan3A_102  : i32 {
      %mul3A_134 = arith.constant 2 : i32
      %mul3A_135 = arith.muli %scan3A_133, %mul3A_134 : i32
      %add3A_136 = arith.constant 1 : i32
      %add3A_137 = arith.addi %mul3A_135, %add3A_136 : i32
      %mul3A_138 = arith.constant 16 : i32
      %mul3A_139 = arith.muli %add3A_137, %mul3A_138 : i32
      %dma_start3A_140 = arith.constant 1 : i32
      %dma_start3A_141 = arith.constant 0 : i32
      %dma_start3A_142 = arith.constant 0 : i32
      %dma_start3A_143 = tpu.memref_slice %arg14[%dma_start3A_140, %dma_start3A_141, %dma_start3A_142] : memref<2x16x128xf32, #tpu.memory_space<vmem>> -> memref<1x16x128xf32, #tpu.memory_space<vmem>>
      %dma_start3A_144 = tpu.memref_squeeze %dma_start3A_143 : memref<1x16x128xf32, #tpu.memory_space<vmem>> -> memref<16x128xf32, #tpu.memory_space<vmem>>
      %dma_start3A_145 = tpu.memref_slice %arg9[%mul3A_139] : memref<1600xi32, #tpu.memory_space<vmem>> -> memref<16xi32, #tpu.memory_space<vmem>>
      %dma_start3A_146 = arith.constant 0 : i32
      %dma_start3A_147 = arith.constant 0 : i32
      %dma_start3A_148 = tpu.memref_slice %arg5[%dma_start3A_146, %dma_start3A_147] : memref<1000000x128xf32, #tpu.memory_space<hbm>> -> memref<1000000x128xf32, #tpu.memory_space<hbm>>
      tpu.enqueue_indirect_dma source(%dma_start3A_148 : memref<1000000x128xf32, #tpu.memory_space<hbm>>) target(%dma_start3A_144 : memref<16x128xf32, #tpu.memory_space<vmem>>) offsets(%dma_start3A_145 : memref<16xi32, #tpu.memory_space<vmem>>) semaphore(%arg18 : memref<!tpu.dma_semaphore, #tpu.memory_space<semaphore_mem>>)
      %mul3A_149 = arith.constant 2 : i32
      %mul3A_150 = arith.muli %add3A_137, %mul3A_149 : i32
      %add3A_151 = arith.constant 0 : i32
      %add3A_152 = arith.addi %mul3A_150, %add3A_151 : i32
      %dma_start3A_153 = arith.constant 1 : i32
      %dma_start3A_154 = arith.constant 0 : i32
      %dma_start3A_155 = arith.constant 0 : i32
      %dma_start3A_156 = tpu.memref_slice %arg15[%dma_start3A_153, %dma_start3A_154, %dma_start3A_155] : memref<2x256x128xf32, #tpu.memory_space<vmem>> -> memref<1x128x128xf32, #tpu.memory_space<vmem>>
      %dma_start3A_157 = tpu.memref_squeeze %dma_start3A_156 : memref<1x128x128xf32, #tpu.memory_space<vmem>> -> memref<128x128xf32, #tpu.memory_space<vmem>>
      %dma_start3A_158 = arith.constant 0 : i32
      %dma_start3A_159 = tpu.memref_slice %arg10[%add3A_152, %dma_start3A_158] : memref<200x128xi32, #tpu.memory_space<vmem>> -> memref<1x128xi32, #tpu.memory_space<vmem>>
      %dma_start3A_160 = tpu.memref_squeeze %dma_start3A_159 : memref<1x128xi32, #tpu.memory_space<vmem>> -> memref<128xi32, #tpu.memory_space<vmem>>
      %dma_start3A_161 = arith.constant 0 : i32
      %dma_start3A_162 = arith.constant 0 : i32
      %dma_start3A_163 = tpu.memref_slice %arg5[%dma_start3A_161, %dma_start3A_162] : memref<1000000x128xf32, #tpu.memory_space<hbm>> -> memref<1000000x128xf32, #tpu.memory_space<hbm>>
      tpu.enqueue_indirect_dma source(%dma_start3A_163 : memref<1000000x128xf32, #tpu.memory_space<hbm>>) target(%dma_start3A_157 : memref<128x128xf32, #tpu.memory_space<vmem>>) offsets(%dma_start3A_160 : memref<128xi32, #tpu.memory_space<vmem>>) semaphore(%arg18 : memref<!tpu.dma_semaphore, #tpu.memory_space<semaphore_mem>>)
      %mul3A_164 = arith.constant 2 : i32
      %mul3A_165 = arith.muli %add3A_137, %mul3A_164 : i32
      %add3A_166 = arith.constant 1 : i32
      %add3A_167 = arith.addi %mul3A_165, %add3A_166 : i32
      %dma_start3A_168 = arith.constant 1 : i32
      %dma_start3A_169 = arith.constant 128 : i32
      %dma_start3A_170 = arith.constant 0 : i32
      %dma_start3A_171 = tpu.memref_slice %arg15[%dma_start3A_168, %dma_start3A_169, %dma_start3A_170] : memref<2x256x128xf32, #tpu.memory_space<vmem>> -> memref<1x128x128xf32, #tpu.memory_space<vmem>>
      %dma_start3A_172 = tpu.memref_squeeze %dma_start3A_171 : memref<1x128x128xf32, #tpu.memory_space<vmem>> -> memref<128x128xf32, #tpu.memory_space<vmem>>
      %dma_start3A_173 = arith.constant 0 : i32
      %dma_start3A_174 = tpu.memref_slice %arg10[%add3A_167, %dma_start3A_173] : memref<200x128xi32, #tpu.memory_space<vmem>> -> memref<1x128xi32, #tpu.memory_space<vmem>>
      %dma_start3A_175 = tpu.memref_squeeze %dma_start3A_174 : memref<1x128xi32, #tpu.memory_space<vmem>> -> memref<128xi32, #tpu.memory_space<vmem>>
      %dma_start3A_176 = arith.constant 0 : i32
      %dma_start3A_177 = arith.constant 0 : i32
      %dma_start3A_178 = tpu.memref_slice %arg5[%dma_start3A_176, %dma_start3A_177] : memref<1000000x128xf32, #tpu.memory_space<hbm>> -> memref<1000000x128xf32, #tpu.memory_space<hbm>>
      tpu.enqueue_indirect_dma source(%dma_start3A_178 : memref<1000000x128xf32, #tpu.memory_space<hbm>>) target(%dma_start3A_172 : memref<128x128xf32, #tpu.memory_space<vmem>>) offsets(%dma_start3A_175 : memref<128xi32, #tpu.memory_space<vmem>>) semaphore(%arg18 : memref<!tpu.dma_semaphore, #tpu.memory_space<semaphore_mem>>)
      %mul3A_179 = arith.constant 1600 : i32
      %mul3A_180 = arith.muli %add3A, %mul3A_179 : i32
      %mul3A_181 = arith.constant 16 : i32
      %mul3A_182 = arith.muli %mul3A_135, %mul3A_181 : i32
      %add3A_183 = arith.addi %mul3A_180, %mul3A_182 : i32
      %mul3A_184 = arith.constant 16 : i32
      %mul3A_185 = arith.muli %mul3A_135, %mul3A_184 : i32
      %dma_wait3A_186 = arith.constant 0 : i32
      %dma_wait3A_187 = arith.constant 0 : i32
      %dma_wait3A_188 = arith.constant 0 : i32
      %dma_wait3A_189 = tpu.memref_slice %arg14[%dma_wait3A_186, %dma_wait3A_187, %dma_wait3A_188] : memref<2x16x128xf32, #tpu.memory_space<vmem>> -> memref<1x16x128xf32, #tpu.memory_space<vmem>>
      %dma_wait3A_190 = tpu.memref_squeeze %dma_wait3A_189 : memref<1x16x128xf32, #tpu.memory_space<vmem>> -> memref<16x128xf32, #tpu.memory_space<vmem>>
      %dma_wait3A_191 = tpu.memref_slice %arg9[%mul3A_185] : memref<1600xi32, #tpu.memory_space<vmem>> -> memref<16xi32, #tpu.memory_space<vmem>>
      %dma_wait3A_192 = arith.constant 0 : i32
      %dma_wait3A_193 = arith.constant 0 : i32
      %dma_wait3A_194 = tpu.memref_slice %arg5[%dma_wait3A_192, %dma_wait3A_193] : memref<1000000x128xf32, #tpu.memory_space<hbm>> -> memref<1000000x128xf32, #tpu.memory_space<hbm>>
      tpu.wait_indirect_dma semaphore(%arg17 : memref<!tpu.dma_semaphore, #tpu.memory_space<semaphore_mem>>) src(%dma_wait3A_194 : memref<1000000x128xf32, #tpu.memory_space<hbm>>) dst(%dma_wait3A_190 : memref<16x128xf32, #tpu.memory_space<vmem>>)
      %mul3A_195 = arith.constant 2 : i32
      %mul3A_196 = arith.muli %mul3A_135, %mul3A_195 : i32
      %add3A_197 = arith.constant 0 : i32
      %add3A_198 = arith.addi %mul3A_196, %add3A_197 : i32
      %dma_wait3A_199 = arith.constant 0 : i32
      %dma_wait3A_200 = arith.constant 0 : i32
      %dma_wait3A_201 = arith.constant 0 : i32
      %dma_wait3A_202 = tpu.memref_slice %arg15[%dma_wait3A_199, %dma_wait3A_200, %dma_wait3A_201] : memref<2x256x128xf32, #tpu.memory_space<vmem>> -> memref<1x128x128xf32, #tpu.memory_space<vmem>>
      %dma_wait3A_203 = tpu.memref_squeeze %dma_wait3A_202 : memref<1x128x128xf32, #tpu.memory_space<vmem>> -> memref<128x128xf32, #tpu.memory_space<vmem>>
      %dma_wait3A_204 = arith.constant 0 : i32
      %dma_wait3A_205 = tpu.memref_slice %arg10[%add3A_198, %dma_wait3A_204] : memref<200x128xi32, #tpu.memory_space<vmem>> -> memref<1x128xi32, #tpu.memory_space<vmem>>
      %dma_wait3A_206 = tpu.memref_squeeze %dma_wait3A_205 : memref<1x128xi32, #tpu.memory_space<vmem>> -> memref<128xi32, #tpu.memory_space<vmem>>
      %dma_wait3A_207 = arith.constant 0 : i32
      %dma_wait3A_208 = arith.constant 0 : i32
      %dma_wait3A_209 = tpu.memref_slice %arg5[%dma_wait3A_207, %dma_wait3A_208] : memref<1000000x128xf32, #tpu.memory_space<hbm>> -> memref<1000000x128xf32, #tpu.memory_space<hbm>>
      tpu.wait_indirect_dma semaphore(%arg17 : memref<!tpu.dma_semaphore, #tpu.memory_space<semaphore_mem>>) src(%dma_wait3A_209 : memref<1000000x128xf32, #tpu.memory_space<hbm>>) dst(%dma_wait3A_203 : memref<128x128xf32, #tpu.memory_space<vmem>>)
      %mul3A_210 = arith.constant 2 : i32
      %mul3A_211 = arith.muli %mul3A_135, %mul3A_210 : i32
      %add3A_212 = arith.constant 1 : i32
      %add3A_213 = arith.addi %mul3A_211, %add3A_212 : i32
      %dma_wait3A_214 = arith.constant 0 : i32
      %dma_wait3A_215 = arith.constant 128 : i32
      %dma_wait3A_216 = arith.constant 0 : i32
      %dma_wait3A_217 = tpu.memref_slice %arg15[%dma_wait3A_214, %dma_wait3A_215, %dma_wait3A_216] : memref<2x256x128xf32, #tpu.memory_space<vmem>> -> memref<1x128x128xf32, #tpu.memory_space<vmem>>
      %dma_wait3A_218 = tpu.memref_squeeze %dma_wait3A_217 : memref<1x128x128xf32, #tpu.memory_space<vmem>> -> memref<128x128xf32, #tpu.memory_space<vmem>>
      %dma_wait3A_219 = arith.constant 0 : i32
      %dma_wait3A_220 = tpu.memref_slice %arg10[%add3A_213, %dma_wait3A_219] : memref<200x128xi32, #tpu.memory_space<vmem>> -> memref<1x128xi32, #tpu.memory_space<vmem>>
      %dma_wait3A_221 = tpu.memref_squeeze %dma_wait3A_220 : memref<1x128xi32, #tpu.memory_space<vmem>> -> memref<128xi32, #tpu.memory_space<vmem>>
      %dma_wait3A_222 = arith.constant 0 : i32
      %dma_wait3A_223 = arith.constant 0 : i32
      %dma_wait3A_224 = tpu.memref_slice %arg5[%dma_wait3A_222, %dma_wait3A_223] : memref<1000000x128xf32, #tpu.memory_space<hbm>> -> memref<1000000x128xf32, #tpu.memory_space<hbm>>
      tpu.wait_indirect_dma semaphore(%arg17 : memref<!tpu.dma_semaphore, #tpu.memory_space<semaphore_mem>>) src(%dma_wait3A_224 : memref<1000000x128xf32, #tpu.memory_space<hbm>>) dst(%dma_wait3A_218 : memref<128x128xf32, #tpu.memory_space<vmem>>)
      %ge3A = arith.constant 2 : i32
      %ge3A_225 = arith.cmpi sge, %mul3A_135, %ge3A : i32
      %convert_element_type3A = arith.extui %ge3A_225 : i1 to i32
      %cond3A = arith.constant 0 : i32
      %cond3A_226 = arith.cmpi ne, %convert_element_type3A, %cond3A : i32
      scf.if %cond3A_226 {
        %dma_wait3A_411 = arith.constant 0 : i32
        %dma_wait3A_412 = arith.constant 0 : i32
        %dma_wait3A_413 = arith.constant 0 : i32
        %dma_wait3A_414 = tpu.memref_slice %arg16[%dma_wait3A_411, %dma_wait3A_412, %dma_wait3A_413] : memref<2x16x128xf32, #tpu.memory_space<vmem>> -> memref<1x16x128xf32, #tpu.memory_space<vmem>>
        %dma_wait3A_415 = tpu.memref_squeeze %dma_wait3A_414 : memref<1x16x128xf32, #tpu.memory_space<vmem>> -> memref<16x128xf32, #tpu.memory_space<vmem>>
        %dma_wait3A_416 = arith.constant 0 : i32
        %dma_wait3A_417 = arith.constant 0 : i32
        %dma_wait3A_418 = tpu.memref_slice %arg8[%dma_wait3A_416, %dma_wait3A_417] : memref<51200x128xf32, #tpu.memory_space<hbm>> -> memref<16x128xf32, #tpu.memory_space<hbm>>
        %dma_wait3A_419 = arith.constant 0 : i32
        %dma_wait3A_420 = arith.constant 0 : i32
        %dma_wait3A_421 = tpu.memref_slice %arg8[%dma_wait3A_419, %dma_wait3A_420] : memref<51200x128xf32, #tpu.memory_space<hbm>> -> memref<16x128xf32, #tpu.memory_space<hbm>>
        %dma_wait3A_422 = arith.constant 0 : i32
        %dma_wait3A_423 = arith.constant 0 : i32
        %dma_wait3A_424 = tpu.memref_slice %arg16[%dma_wait3A_411, %dma_wait3A_422, %dma_wait3A_423] : memref<2x16x128xf32, #tpu.memory_space<vmem>> -> memref<1x16x128xf32, #tpu.memory_space<vmem>>
        %dma_wait3A_425 = tpu.memref_squeeze %dma_wait3A_424 : memref<1x16x128xf32, #tpu.memory_space<vmem>> -> memref<16x128xf32, #tpu.memory_space<vmem>>
        tpu.wait_dma2 semaphore(%arg19 : memref<!tpu.dma_semaphore, #tpu.memory_space<semaphore_mem>>) src(%dma_wait3A_425 : memref<16x128xf32, #tpu.memory_space<vmem>>) dst(%dma_wait3A_421 : memref<16x128xf32, #tpu.memory_space<hbm>>)
      } else {
      }
      %iota3A = tpu.iota {dimensions = array<i32: 0>} : vector<16xi32>
      %xor3A = arith.constant 8 : i32
      %xor3A_227 = vector.broadcast %xor3A : i32 to vector<16xi32>
      %xor3A_228 = arith.xori %iota3A, %xor3A_227 : vector<16xi32>
      %xor3A_229 = arith.constant 4 : i32
      %xor3A_230 = vector.broadcast %xor3A_229 : i32 to vector<16xi32>
      %xor3A_231 = arith.xori %iota3A, %xor3A_230 : vector<16xi32>
      %xor3A_232 = arith.constant 2 : i32
      %xor3A_233 = vector.broadcast %xor3A_232 : i32 to vector<16xi32>
      %xor3A_234 = arith.xori %iota3A, %xor3A_233 : vector<16xi32>
      %xor3A_235 = arith.constant 1 : i32
      %xor3A_236 = vector.broadcast %xor3A_235 : i32 to vector<16xi32>
      %xor3A_237 = arith.xori %iota3A, %xor3A_236 : vector<16xi32>
      %broadcast_in_dim3A = arith.constant 0 : i32
      %broadcast_in_dim3A_238 = vector.broadcast %broadcast_in_dim3A : i32 to vector<16xi32>
      %broadcast_in_dim3A_239 = arith.constant 1 : i32
      %broadcast_in_dim3A_240 = vector.broadcast %broadcast_in_dim3A_239 : i32 to vector<16xi32>
      %broadcast_in_dim3A_241 = arith.constant 2 : i32
      %broadcast_in_dim3A_242 = vector.broadcast %broadcast_in_dim3A_241 : i32 to vector<16xi32>
      %broadcast_in_dim3A_243 = arith.constant 3 : i32
      %broadcast_in_dim3A_244 = vector.broadcast %broadcast_in_dim3A_243 : i32 to vector<16xi32>
      %broadcast_in_dim3A_245 = arith.constant 4 : i32
      %broadcast_in_dim3A_246 = vector.broadcast %broadcast_in_dim3A_245 : i32 to vector<16xi32>
      %broadcast_in_dim3A_247 = arith.constant 5 : i32
      %broadcast_in_dim3A_248 = vector.broadcast %broadcast_in_dim3A_247 : i32 to vector<16xi32>
      %broadcast_in_dim3A_249 = arith.constant 6 : i32
      %broadcast_in_dim3A_250 = vector.broadcast %broadcast_in_dim3A_249 : i32 to vector<16xi32>
      %broadcast_in_dim3A_251 = arith.constant 7 : i32
      %broadcast_in_dim3A_252 = vector.broadcast %broadcast_in_dim3A_251 : i32 to vector<16xi32>
      %broadcast_in_dim3A_253 = arith.constant 8 : i32
      %broadcast_in_dim3A_254 = vector.broadcast %broadcast_in_dim3A_253 : i32 to vector<16xi32>
      %broadcast_in_dim3A_255 = arith.constant 9 : i32
      %broadcast_in_dim3A_256 = vector.broadcast %broadcast_in_dim3A_255 : i32 to vector<16xi32>
      %broadcast_in_dim3A_257 = arith.constant 10 : i32
      %broadcast_in_dim3A_258 = vector.broadcast %broadcast_in_dim3A_257 : i32 to vector<16xi32>
      %broadcast_in_dim3A_259 = arith.constant 11 : i32
      %broadcast_in_dim3A_260 = vector.broadcast %broadcast_in_dim3A_259 : i32 to vector<16xi32>
      %broadcast_in_dim3A_261 = arith.constant 12 : i32
      %broadcast_in_dim3A_262 = vector.broadcast %broadcast_in_dim3A_261 : i32 to vector<16xi32>
      %broadcast_in_dim3A_263 = arith.constant 13 : i32
      %broadcast_in_dim3A_264 = vector.broadcast %broadcast_in_dim3A_263 : i32 to vector<16xi32>
      %broadcast_in_dim3A_265 = arith.constant 14 : i32
      %broadcast_in_dim3A_266 = vector.broadcast %broadcast_in_dim3A_265 : i32 to vector<16xi32>
      %broadcast_in_dim3A_267 = arith.constant 15 : i32
      %broadcast_in_dim3A_268 = vector.broadcast %broadcast_in_dim3A_267 : i32 to vector<16xi32>
      %scan3A_269 = arith.constant 0 : i32
      %scan3A_270 = arith.constant 0 : i32
      %scan3A_271 = arith.constant 16 : i32
      %scan3A_272 = arith.addi %scan3A_270, %scan3A_271 : i32
      %scan3A_273 = arith.constant 1 : i32
      scf.for %scan3A_411 = %scan3A_270 to %scan3A_272 step %scan3A_273  : i32 {
        %jit3A = arith.constant 8 : i32
        %div3A_412 = arith.divsi %scan3A_411, %jit3A : i32
        %sign3A = arith.constant 0 : i32
        %sign3A_413 = arith.cmpi sgt, %scan3A_411, %sign3A : i32
        %sign3A_414 = arith.extui %sign3A_413 : i1 to i32
        %sign3A_415 = arith.constant 0 : i32
        %sign3A_416 = arith.cmpi slt, %scan3A_411, %sign3A_415 : i32
        %sign3A_417 = arith.extui %sign3A_416 : i1 to i32
        %sign3A_418 = arith.subi %sign3A_414, %sign3A_417 : i32
        %sign3A_419 = arith.constant 0 : i32
        %sign3A_420 = arith.cmpi sgt, %jit3A, %sign3A_419 : i32
        %sign3A_421 = arith.extui %sign3A_420 : i1 to i32
        %sign3A_422 = arith.constant 0 : i32
        %sign3A_423 = arith.cmpi slt, %jit3A, %sign3A_422 : i32
        %sign3A_424 = arith.extui %sign3A_423 : i1 to i32
        %sign3A_425 = arith.subi %sign3A_421, %sign3A_424 : i32
        %ne3A = arith.cmpi ne, %sign3A_418, %sign3A_425 : i32
        %rem3A = arith.remsi %scan3A_411, %jit3A : i32
        %ne3A_426 = arith.constant 0 : i32
        %ne3A_427 = arith.cmpi ne, %rem3A, %ne3A_426 : i32
        %and3A = arith.andi %ne3A, %ne3A_427 : i1
        %sub3A_428 = arith.constant 1 : i32
        %sub3A_429 = arith.subi %div3A_412, %sub3A_428 : i32
        %select_n3A = arith.select %and3A, %sub3A_429, %div3A_412 : i32
        %jit3A_430 = arith.constant 8 : i32
        %eq3A = arith.constant 0 : i32
        %eq3A_431 = arith.cmpi eq, %jit3A_430, %eq3A : i32
        %jit3A_432 = arith.constant 1 : i32
        %select_n3A_433 = arith.select %eq3A_431, %jit3A_432, %jit3A_430 : i32
        %rem3A_434 = arith.remsi %scan3A_411, %select_n3A_433 : i32
        %ne3A_435 = arith.constant 0 : i32
        %ne3A_436 = arith.cmpi ne, %rem3A_434, %ne3A_435 : i32
        %lt3A_437 = arith.constant 0 : i32
        %lt3A_438 = arith.cmpi slt, %rem3A_434, %lt3A_437 : i32
        %lt3A_439 = arith.constant 0 : i32
        %lt3A_440 = arith.cmpi slt, %select_n3A_433, %lt3A_439 : i32
        %ne3A_441 = arith.xori %lt3A_438, %lt3A_440 : i1
        %and3A_442 = arith.andi %ne3A_441, %ne3A_436 : i1
        %add3A_443 = arith.addi %rem3A_434, %select_n3A_433 : i32
        %select_n3A_444 = arith.select %and3A_442, %add3A_443, %rem3A_434 : i32
        %mul3A_445 = arith.constant 16 : i32
        %mul3A_446 = arith.muli %select_n3A_444, %mul3A_445 : i32
        %get3A_447 = arith.constant 0 : i32
        %get3A_448 = arith.index_cast %get3A_447 : i32 to index
        %get3A_449 = arith.index_cast %scan3A_411 : i32 to index
        %get3A_450 = arith.constant 0 : index
        %get3A_451 = tpu.vector_load %arg14[%get3A_448, %get3A_449, %get3A_450] {strides = array<i32>} : memref<2x16x128xf32, #tpu.memory_space<vmem>>, vector<1x1x16xf32>,
        %get3A_452 = vector.shape_cast %get3A_451 : vector<1x1x16xf32> to vector<16xf32>
        %get3A_453 = arith.constant 0 : i32
        %get3A_454 = arith.index_cast %get3A_453 : i32 to index
        %get3A_455 = arith.index_cast %scan3A_411 : i32 to index
        %get3A_456 = arith.constant 16 : index
        %get3A_457 = tpu.vector_load %arg14[%get3A_454, %get3A_455, %get3A_456] {strides = array<i32>} : memref<2x16x128xf32, #tpu.memory_space<vmem>>, vector<1x1x16xf32>,
        %get3A_458 = vector.shape_cast %get3A_457 : vector<1x1x16xf32> to vector<16xf32>
        %get3A_459 = arith.constant 0 : i32
        %get3A_460 = arith.index_cast %get3A_459 : i32 to index
        %get3A_461 = arith.index_cast %scan3A_411 : i32 to index
        %get3A_462 = arith.constant 32 : index
        %get3A_463 = tpu.vector_load %arg14[%get3A_460, %get3A_461, %get3A_462] {strides = array<i32>} : memref<2x16x128xf32, #tpu.memory_space<vmem>>, vector<1x1x16xf32>,
        %get3A_464 = vector.shape_cast %get3A_463 : vector<1x1x16xf32> to vector<16xf32>
        %get3A_465 = arith.constant 0 : i32
        %get3A_466 = arith.index_cast %get3A_465 : i32 to index
        %get3A_467 = arith.index_cast %scan3A_411 : i32 to index
        %get3A_468 = arith.constant 48 : index
        %get3A_469 = tpu.vector_load %arg14[%get3A_466, %get3A_467, %get3A_468] {strides = array<i32>} : memref<2x16x128xf32, #tpu.memory_space<vmem>>, vector<1x1x16xf32>,
        %get3A_470 = vector.shape_cast %get3A_469 : vector<1x1x16xf32> to vector<16xf32>
        %mul3A_471 = arith.constant 2 : i32
        %mul3A_472 = arith.muli %mul3A_135, %mul3A_471 : i32
        %add3A_473 = arith.addi %mul3A_472, %select_n3A : i32
        %get3A_474 = arith.index_cast %add3A_473 : i32 to index
        %get3A_475 = arith.index_cast %mul3A_446 : i32 to index
        %get3A_476 = tpu.vector_load %arg11[%get3A_474, %get3A_475] {strides = array<i32>} : memref<200x128xi32, #tpu.memory_space<vmem>>, vector<1x16xi32>,
        %get3A_477 = vector.shape_cast %get3A_476 : vector<1x16xi32> to vector<16xi32>
        %eq3A_478 = arith.constant 0 : i32
        %eq3A_479 = vector.broadcast %eq3A_478 : i32 to vector<16xi32>
        %eq3A_480 = arith.cmpi eq, %get3A_477, %eq3A_479 : vector<16xi32>
        %eq3A_481 = arith.constant 1 : i32
        %eq3A_482 = vector.broadcast %eq3A_481 : i32 to vector<16xi32>
        %eq3A_483 = arith.cmpi eq, %get3A_477, %eq3A_482 : vector<16xi32>
        %broadcast_in_dim3A_484 = vector.broadcast %add3A_45 : f32 to vector<16xf32>
        %broadcast_in_dim3A_485 = vector.broadcast %add3A_59 : f32 to vector<16xf32>
        %select_n3A_486 = arith.select %eq3A_483, %broadcast_in_dim3A_484, %broadcast_in_dim3A_485 : vector<16xi1>, vector<16xf32>
        %broadcast_in_dim3A_487 = vector.broadcast %add3A_31 : f32 to vector<16xf32>
        %select_n3A_488 = arith.select %eq3A_480, %broadcast_in_dim3A_487, %select_n3A_486 : vector<16xi1>, vector<16xf32>
        %lt3A_489 = arith.constant 0 : i32
        %lt3A_490 = vector.broadcast %lt3A_489 : i32 to vector<16xi32>
        %lt3A_491 = arith.cmpi slt, %broadcast_in_dim3A_238, %lt3A_490 : vector<16xi32>
        %add3A_492 = arith.constant 16 : i32
        %add3A_493 = vector.broadcast %add3A_492 : i32 to vector<16xi32>
        %add3A_494 = arith.addi %broadcast_in_dim3A_238, %add3A_493 : vector<16xi32>
        %select_n3A_495 = arith.select %lt3A_491, %add3A_494, %broadcast_in_dim3A_238 : vector<16xi1>, vector<16xi32>
        %broadcast_in_dim3A_496 = vector.shape_cast %select_n3A_495 : vector<16xi32> to vector<16x1xi32>
        %gather3A = vector.shape_cast %broadcast_in_dim3A_496 : vector<16x1xi32> to vector<16xi32>
        %gather3A_497 = tpu.dynamic_gather %select_n3A_488[%gather3A] in [0] : vector<16xf32>, vector<16xi32> -> vector<16xf32>
        %mul3A_498 = arith.constant 16 : i32
        %mul3A_499 = arith.muli %scan3A_411, %mul3A_498 : i32
        %add3A_500 = arith.constant 0 : i32
        %add3A_501 = arith.addi %mul3A_499, %add3A_500 : i32
        %get3A_502 = arith.constant 0 : i32
        %get3A_503 = arith.index_cast %get3A_502 : i32 to index
        %get3A_504 = arith.index_cast %add3A_501 : i32 to index
        %get3A_505 = arith.constant 0 : index
        %get3A_506 = tpu.vector_load %arg15[%get3A_503, %get3A_504, %get3A_505] {strides = array<i32>} : memref<2x256x128xf32, #tpu.memory_space<vmem>>, vector<1x1x16xf32>,
        %get3A_507 = vector.shape_cast %get3A_506 : vector<1x1x16xf32> to vector<16xf32>
        %mul3A_508 = arith.mulf %gather3A_497, %get3A_507 : vector<16xf32>
        %add3A_509 = arith.addf %get3A_452, %mul3A_508 : vector<16xf32>
        %get3A_510 = arith.constant 0 : i32
        %get3A_511 = arith.index_cast %get3A_510 : i32 to index
        %get3A_512 = arith.index_cast %add3A_501 : i32 to index
        %get3A_513 = arith.constant 16 : index
        %get3A_514 = tpu.vector_load %arg15[%get3A_511, %get3A_512, %get3A_513] {strides = array<i32>} : memref<2x256x128xf32, #tpu.memory_space<vmem>>, vector<1x1x16xf32>,
        %get3A_515 = vector.shape_cast %get3A_514 : vector<1x1x16xf32> to vector<16xf32>
        %mul3A_516 = arith.mulf %gather3A_497, %get3A_515 : vector<16xf32>
        %add3A_517 = arith.addf %get3A_458, %mul3A_516 : vector<16xf32>
        %get3A_518 = arith.constant 0 : i32
        %get3A_519 = arith.index_cast %get3A_518 : i32 to index
        %get3A_520 = arith.index_cast %add3A_501 : i32 to index
        %get3A_521 = arith.constant 32 : index
        %get3A_522 = tpu.vector_load %arg15[%get3A_519, %get3A_520, %get3A_521] {strides = array<i32>} : memref<2x256x128xf32, #tpu.memory_space<vmem>>, vector<1x1x16xf32>,
        %get3A_523 = vector.shape_cast %get3A_522 : vector<1x1x16xf32> to vector<16xf32>
        %mul3A_524 = arith.mulf %gather3A_497, %get3A_523 : vector<16xf32>
        %add3A_525 = arith.addf %get3A_464, %mul3A_524 : vector<16xf32>
        %get3A_526 = arith.constant 0 : i32
        %get3A_527 = arith.index_cast %get3A_526 : i32 to index
        %get3A_528 = arith.index_cast %add3A_501 : i32 to index
        %get3A_529 = arith.constant 48 : index
        %get3A_530 = tpu.vector_load %arg15[%get3A_527, %get3A_528, %get3A_529] {strides = array<i32>} : memref<2x256x128xf32, #tpu.memory_space<vmem>>, vector<1x1x16xf32>,
        %get3A_531 = vector.shape_cast %get3A_530 : vector<1x1x16xf32> to vector<16xf32>
        %mul3A_532 = arith.mulf %gather3A_497, %get3A_531 : vector<16xf32>
        %add3A_533 = arith.addf %get3A_470, %mul3A_532 : vector<16xf32>
        %lt3A_534 = arith.constant 0 : i32
        %lt3A_535 = vector.broadcast %lt3A_534 : i32 to vector<16xi32>
        %lt3A_536 = arith.cmpi slt, %broadcast_in_dim3A_240, %lt3A_535 : vector<16xi32>
        %add3A_537 = arith.constant 16 : i32
        %add3A_538 = vector.broadcast %add3A_537 : i32 to vector<16xi32>
        %add3A_539 = arith.addi %broadcast_in_dim3A_240, %add3A_538 : vector<16xi32>
        %select_n3A_540 = arith.select %lt3A_536, %add3A_539, %broadcast_in_dim3A_240 : vector<16xi1>, vector<16xi32>
        %broadcast_in_dim3A_541 = vector.shape_cast %select_n3A_540 : vector<16xi32> to vector<16x1xi32>
        %gather3A_542 = vector.shape_cast %broadcast_in_dim3A_541 : vector<16x1xi32> to vector<16xi32>
        %gather3A_543 = tpu.dynamic_gather %select_n3A_488[%gather3A_542] in [0] : vector<16xf32>, vector<16xi32> -> vector<16xf32>
        %mul3A_544 = arith.constant 16 : i32
        %mul3A_545 = arith.muli %scan3A_411, %mul3A_544 : i32
        %add3A_546 = arith.constant 1 : i32
        %add3A_547 = arith.addi %mul3A_545, %add3A_546 : i32
        %get3A_548 = arith.constant 0 : i32
        %get3A_549 = arith.index_cast %get3A_548 : i32 to index
        %get3A_550 = arith.index_cast %add3A_547 : i32 to index
        %get3A_551 = arith.constant 0 : index
        %get3A_552 = tpu.vector_load %arg15[%get3A_549, %get3A_550, %get3A_551] {strides = array<i32>} : memref<2x256x128xf32, #tpu.memory_space<vmem>>, vector<1x1x16xf32>,
        %get3A_553 = vector.shape_cast %get3A_552 : vector<1x1x16xf32> to vector<16xf32>
        %mul3A_554 = arith.mulf %gather3A_543, %get3A_553 : vector<16xf32>
        %add3A_555 = arith.addf %add3A_509, %mul3A_554 : vector<16xf32>
        %get3A_556 = arith.constant 0 : i32
        %get3A_557 = arith.index_cast %get3A_556 : i32 to index
        %get3A_558 = arith.index_cast %add3A_547 : i32 to index
        %get3A_559 = arith.constant 16 : index
        %get3A_560 = tpu.vector_load %arg15[%get3A_557, %get3A_558, %get3A_559] {strides = array<i32>} : memref<2x256x128xf32, #tpu.memory_space<vmem>>, vector<1x1x16xf32>,
        %get3A_561 = vector.shape_cast %get3A_560 : vector<1x1x16xf32> to vector<16xf32>
        %mul3A_562 = arith.mulf %gather3A_543, %get3A_561 : vector<16xf32>
        %add3A_563 = arith.addf %add3A_517, %mul3A_562 : vector<16xf32>
        %get3A_564 = arith.constant 0 : i32
        %get3A_565 = arith.index_cast %get3A_564 : i32 to index
        %get3A_566 = arith.index_cast %add3A_547 : i32 to index
        %get3A_567 = arith.constant 32 : index
        %get3A_568 = tpu.vector_load %arg15[%get3A_565, %get3A_566, %get3A_567] {strides = array<i32>} : memref<2x256x128xf32, #tpu.memory_space<vmem>>, vector<1x1x16xf32>,
        %get3A_569 = vector.shape_cast %get3A_568 : vector<1x1x16xf32> to vector<16xf32>
        %mul3A_570 = arith.mulf %gather3A_543, %get3A_569 : vector<16xf32>
        %add3A_571 = arith.addf %add3A_525, %mul3A_570 : vector<16xf32>
        %get3A_572 = arith.constant 0 : i32
        %get3A_573 = arith.index_cast %get3A_572 : i32 to index
        %get3A_574 = arith.index_cast %add3A_547 : i32 to index
        %get3A_575 = arith.constant 48 : index
        %get3A_576 = tpu.vector_load %arg15[%get3A_573, %get3A_574, %get3A_575] {strides = array<i32>} : memref<2x256x128xf32, #tpu.memory_space<vmem>>, vector<1x1x16xf32>,
        %get3A_577 = vector.shape_cast %get3A_576 : vector<1x1x16xf32> to vector<16xf32>
        %mul3A_578 = arith.mulf %gather3A_543, %get3A_577 : vector<16xf32>
        %add3A_579 = arith.addf %add3A_533, %mul3A_578 : vector<16xf32>
        %lt3A_580 = arith.constant 0 : i32
        %lt3A_581 = vector.broadcast %lt3A_580 : i32 to vector<16xi32>
        %lt3A_582 = arith.cmpi slt, %broadcast_in_dim3A_242, %lt3A_581 : vector<16xi32>
        %add3A_583 = arith.constant 16 : i32
        %add3A_584 = vector.broadcast %add3A_583 : i32 to vector<16xi32>
        %add3A_585 = arith.addi %broadcast_in_dim3A_242, %add3A_584 : vector<16xi32>
        %select_n3A_586 = arith.select %lt3A_582, %add3A_585, %broadcast_in_dim3A_242 : vector<16xi1>, vector<16xi32>
        %broadcast_in_dim3A_587 = vector.shape_cast %select_n3A_586 : vector<16xi32> to vector<16x1xi32>
        %gather3A_588 = vector.shape_cast %broadcast_in_dim3A_587 : vector<16x1xi32> to vector<16xi32>
        %gather3A_589 = tpu.dynamic_gather %select_n3A_488[%gather3A_588] in [0] : vector<16xf32>, vector<16xi32> -> vector<16xf32>
        %mul3A_590 = arith.constant 16 : i32
        %mul3A_591 = arith.muli %scan3A_411, %mul3A_590 : i32
        %add3A_592 = arith.constant 2 : i32
        %add3A_593 = arith.addi %mul3A_591, %add3A_592 : i32
        %get3A_594 = arith.constant 0 : i32
        %get3A_595 = arith.index_cast %get3A_594 : i32 to index
        %get3A_596 = arith.index_cast %add3A_593 : i32 to index
        %get3A_597 = arith.constant 0 : index
        %get3A_598 = tpu.vector_load %arg15[%get3A_595, %get3A_596, %get3A_597] {strides = array<i32>} : memref<2x256x128xf32, #tpu.memory_space<vmem>>, vector<1x1x16xf32>,
        %get3A_599 = vector.shape_cast %get3A_598 : vector<1x1x16xf32> to vector<16xf32>
        %mul3A_600 = arith.mulf %gather3A_589, %get3A_599 : vector<16xf32>
        %add3A_601 = arith.addf %add3A_555, %mul3A_600 : vector<16xf32>
        %get3A_602 = arith.constant 0 : i32
        %get3A_603 = arith.index_cast %get3A_602 : i32 to index
        %get3A_604 = arith.index_cast %add3A_593 : i32 to index
        %get3A_605 = arith.constant 16 : index
        %get3A_606 = tpu.vector_load %arg15[%get3A_603, %get3A_604, %get3A_605] {strides = array<i32>} : memref<2x256x128xf32, #tpu.memory_space<vmem>>, vector<1x1x16xf32>,
        %get3A_607 = vector.shape_cast %get3A_606 : vector<1x1x16xf32> to vector<16xf32>
        %mul3A_608 = arith.mulf %gather3A_589, %get3A_607 : vector<16xf32>
        %add3A_609 = arith.addf %add3A_563, %mul3A_608 : vector<16xf32>
        %get3A_610 = arith.constant 0 : i32
        %get3A_611 = arith.index_cast %get3A_610 : i32 to index
        %get3A_612 = arith.index_cast %add3A_593 : i32 to index
        %get3A_613 = arith.constant 32 : index
        %get3A_614 = tpu.vector_load %arg15[%get3A_611, %get3A_612, %get3A_613] {strides = array<i32>} : memref<2x256x128xf32, #tpu.memory_space<vmem>>, vector<1x1x16xf32>,
        %get3A_615 = vector.shape_cast %get3A_614 : vector<1x1x16xf32> to vector<16xf32>
        %mul3A_616 = arith.mulf %gather3A_589, %get3A_615 : vector<16xf32>
        %add3A_617 = arith.addf %add3A_571, %mul3A_616 : vector<16xf32>
        %get3A_618 = arith.constant 0 : i32
        %get3A_619 = arith.index_cast %get3A_618 : i32 to index
        %get3A_620 = arith.index_cast %add3A_593 : i32 to index
        %get3A_621 = arith.constant 48 : index
        %get3A_622 = tpu.vector_load %arg15[%get3A_619, %get3A_620, %get3A_621] {strides = array<i32>} : memref<2x256x128xf32, #tpu.memory_space<vmem>>, vector<1x1x16xf32>,
        %get3A_623 = vector.shape_cast %get3A_622 : vector<1x1x16xf32> to vector<16xf32>
        %mul3A_624 = arith.mulf %gather3A_589, %get3A_623 : vector<16xf32>
        %add3A_625 = arith.addf %add3A_579, %mul3A_624 : vector<16xf32>
        %lt3A_626 = arith.constant 0 : i32
        %lt3A_627 = vector.broadcast %lt3A_626 : i32 to vector<16xi32>
        %lt3A_628 = arith.cmpi slt, %broadcast_in_dim3A_244, %lt3A_627 : vector<16xi32>
        %add3A_629 = arith.constant 16 : i32
        %add3A_630 = vector.broadcast %add3A_629 : i32 to vector<16xi32>
        %add3A_631 = arith.addi %broadcast_in_dim3A_244, %add3A_630 : vector<16xi32>
        %select_n3A_632 = arith.select %lt3A_628, %add3A_631, %broadcast_in_dim3A_244 : vector<16xi1>, vector<16xi32>
        %broadcast_in_dim3A_633 = vector.shape_cast %select_n3A_632 : vector<16xi32> to vector<16x1xi32>
        %gather3A_634 = vector.shape_cast %broadcast_in_dim3A_633 : vector<16x1xi32> to vector<16xi32>
        %gather3A_635 = tpu.dynamic_gather %select_n3A_488[%gather3A_634] in [0] : vector<16xf32>, vector<16xi32> -> vector<16xf32>
        %mul3A_636 = arith.constant 16 : i32
        %mul3A_637 = arith.muli %scan3A_411, %mul3A_636 : i32
        %add3A_638 = arith.constant 3 : i32
        %add3A_639 = arith.addi %mul3A_637, %add3A_638 : i32
        %get3A_640 = arith.constant 0 : i32
        %get3A_641 = arith.index_cast %get3A_640 : i32 to index
        %get3A_642 = arith.index_cast %add3A_639 : i32 to index
        %get3A_643 = arith.constant 0 : index
        %get3A_644 = tpu.vector_load %arg15[%get3A_641, %get3A_642, %get3A_643] {strides = array<i32>} : memref<2x256x128xf32, #tpu.memory_space<vmem>>, vector<1x1x16xf32>,
        %get3A_645 = vector.shape_cast %get3A_644 : vector<1x1x16xf32> to vector<16xf32>
        %mul3A_646 = arith.mulf %gather3A_635, %get3A_645 : vector<16xf32>
        %add3A_647 = arith.addf %add3A_601, %mul3A_646 : vector<16xf32>
        %get3A_648 = arith.constant 0 : i32
        %get3A_649 = arith.index_cast %get3A_648 : i32 to index
        %get3A_650 = arith.index_cast %add3A_639 : i32 to index
        %get3A_651 = arith.constant 16 : index
        %get3A_652 = tpu.vector_load %arg15[%get3A_649, %get3A_650, %get3A_651] {strides = array<i32>} : memref<2x256x128xf32, #tpu.memory_space<vmem>>, vector<1x1x16xf32>,
        %get3A_653 = vector.shape_cast %get3A_652 : vector<1x1x16xf32> to vector<16xf32>
        %mul3A_654 = arith.mulf %gather3A_635, %get3A_653 : vector<16xf32>
        %add3A_655 = arith.addf %add3A_609, %mul3A_654 : vector<16xf32>
        %get3A_656 = arith.constant 0 : i32
        %get3A_657 = arith.index_cast %get3A_656 : i32 to index
        %get3A_658 = arith.index_cast %add3A_639 : i32 to index
        %get3A_659 = arith.constant 32 : index
        %get3A_660 = tpu.vector_load %arg15[%get3A_657, %get3A_658, %get3A_659] {strides = array<i32>} : memref<2x256x128xf32, #tpu.memory_space<vmem>>, vector<1x1x16xf32>,
        %get3A_661 = vector.shape_cast %get3A_660 : vector<1x1x16xf32> to vector<16xf32>
        %mul3A_662 = arith.mulf %gather3A_635, %get3A_661 : vector<16xf32>
        %add3A_663 = arith.addf %add3A_617, %mul3A_662 : vector<16xf32>
        %get3A_664 = arith.constant 0 : i32
        %get3A_665 = arith.index_cast %get3A_664 : i32 to index
        %get3A_666 = arith.index_cast %add3A_639 : i32 to index
        %get3A_667 = arith.constant 48 : index
        %get3A_668 = tpu.vector_load %arg15[%get3A_665, %get3A_666, %get3A_667] {strides = array<i32>} : memref<2x256x128xf32, #tpu.memory_space<vmem>>, vector<1x1x16xf32>,
        %get3A_669 = vector.shape_cast %get3A_668 : vector<1x1x16xf32> to vector<16xf32>
        %mul3A_670 = arith.mulf %gather3A_635, %get3A_669 : vector<16xf32>
        %add3A_671 = arith.addf %add3A_625, %mul3A_670 : vector<16xf32>
        %lt3A_672 = arith.constant 0 : i32
        %lt3A_673 = vector.broadcast %lt3A_672 : i32 to vector<16xi32>
        %lt3A_674 = arith.cmpi slt, %broadcast_in_dim3A_246, %lt3A_673 : vector<16xi32>
        %add3A_675 = arith.constant 16 : i32
        %add3A_676 = vector.broadcast %add3A_675 : i32 to vector<16xi32>
        %add3A_677 = arith.addi %broadcast_in_dim3A_246, %add3A_676 : vector<16xi32>
        %select_n3A_678 = arith.select %lt3A_674, %add3A_677, %broadcast_in_dim3A_246 : vector<16xi1>, vector<16xi32>
        %broadcast_in_dim3A_679 = vector.shape_cast %select_n3A_678 : vector<16xi32> to vector<16x1xi32>
        %gather3A_680 = vector.shape_cast %broadcast_in_dim3A_679 : vector<16x1xi32> to vector<16xi32>
        %gather3A_681 = tpu.dynamic_gather %select_n3A_488[%gather3A_680] in [0] : vector<16xf32>, vector<16xi32> -> vector<16xf32>
        %mul3A_682 = arith.constant 16 : i32
        %mul3A_683 = arith.muli %scan3A_411, %mul3A_682 : i32
        %add3A_684 = arith.constant 4 : i32
        %add3A_685 = arith.addi %mul3A_683, %add3A_684 : i32
        %get3A_686 = arith.constant 0 : i32
        %get3A_687 = arith.index_cast %get3A_686 : i32 to index
        %get3A_688 = arith.index_cast %add3A_685 : i32 to index
        %get3A_689 = arith.constant 0 : index
        %get3A_690 = tpu.vector_load %arg15[%get3A_687, %get3A_688, %get3A_689] {strides = array<i32>} : memref<2x256x128xf32, #tpu.memory_space<vmem>>, vector<1x1x16xf32>,
        %get3A_691 = vector.shape_cast %get3A_690 : vector<1x1x16xf32> to vector<16xf32>
        %mul3A_692 = arith.mulf %gather3A_681, %get3A_691 : vector<16xf32>
        %add3A_693 = arith.addf %add3A_647, %mul3A_692 : vector<16xf32>
        %get3A_694 = arith.constant 0 : i32
        %get3A_695 = arith.index_cast %get3A_694 : i32 to index
        %get3A_696 = arith.index_cast %add3A_685 : i32 to index
        %get3A_697 = arith.constant 16 : index
        %get3A_698 = tpu.vector_load %arg15[%get3A_695, %get3A_696, %get3A_697] {strides = array<i32>} : memref<2x256x128xf32, #tpu.memory_space<vmem>>, vector<1x1x16xf32>,
        %get3A_699 = vector.shape_cast %get3A_698 : vector<1x1x16xf32> to vector<16xf32>
        %mul3A_700 = arith.mulf %gather3A_681, %get3A_699 : vector<16xf32>
        %add3A_701 = arith.addf %add3A_655, %mul3A_700 : vector<16xf32>
        %get3A_702 = arith.constant 0 : i32
        %get3A_703 = arith.index_cast %get3A_702 : i32 to index
        %get3A_704 = arith.index_cast %add3A_685 : i32 to index
        %get3A_705 = arith.constant 32 : index
        %get3A_706 = tpu.vector_load %arg15[%get3A_703, %get3A_704, %get3A_705] {strides = array<i32>} : memref<2x256x128xf32, #tpu.memory_space<vmem>>, vector<1x1x16xf32>,
        %get3A_707 = vector.shape_cast %get3A_706 : vector<1x1x16xf32> to vector<16xf32>
        %mul3A_708 = arith.mulf %gather3A_681, %get3A_707 : vector<16xf32>
        %add3A_709 = arith.addf %add3A_663, %mul3A_708 : vector<16xf32>
        %get3A_710 = arith.constant 0 : i32
        %get3A_711 = arith.index_cast %get3A_710 : i32 to index
        %get3A_712 = arith.index_cast %add3A_685 : i32 to index
        %get3A_713 = arith.constant 48 : index
        %get3A_714 = tpu.vector_load %arg15[%get3A_711, %get3A_712, %get3A_713] {strides = array<i32>} : memref<2x256x128xf32, #tpu.memory_space<vmem>>, vector<1x1x16xf32>,
        %get3A_715 = vector.shape_cast %get3A_714 : vector<1x1x16xf32> to vector<16xf32>
        %mul3A_716 = arith.mulf %gather3A_681, %get3A_715 : vector<16xf32>
        %add3A_717 = arith.addf %add3A_671, %mul3A_716 : vector<16xf32>
        %lt3A_718 = arith.constant 0 : i32
        %lt3A_719 = vector.broadcast %lt3A_718 : i32 to vector<16xi32>
        %lt3A_720 = arith.cmpi slt, %broadcast_in_dim3A_248, %lt3A_719 : vector<16xi32>
        %add3A_721 = arith.constant 16 : i32
        %add3A_722 = vector.broadcast %add3A_721 : i32 to vector<16xi32>
        %add3A_723 = arith.addi %broadcast_in_dim3A_248, %add3A_722 : vector<16xi32>
        %select_n3A_724 = arith.select %lt3A_720, %add3A_723, %broadcast_in_dim3A_248 : vector<16xi1>, vector<16xi32>
        %broadcast_in_dim3A_725 = vector.shape_cast %select_n3A_724 : vector<16xi32> to vector<16x1xi32>
        %gather3A_726 = vector.shape_cast %broadcast_in_dim3A_725 : vector<16x1xi32> to vector<16xi32>
        %gather3A_727 = tpu.dynamic_gather %select_n3A_488[%gather3A_726] in [0] : vector<16xf32>, vector<16xi32> -> vector<16xf32>
        %mul3A_728 = arith.constant 16 : i32
        %mul3A_729 = arith.muli %scan3A_411, %mul3A_728 : i32
        %add3A_730 = arith.constant 5 : i32
        %add3A_731 = arith.addi %mul3A_729, %add3A_730 : i32
        %get3A_732 = arith.constant 0 : i32
        %get3A_733 = arith.index_cast %get3A_732 : i32 to index
        %get3A_734 = arith.index_cast %add3A_731 : i32 to index
        %get3A_735 = arith.constant 0 : index
        %get3A_736 = tpu.vector_load %arg15[%get3A_733, %get3A_734, %get3A_735] {strides = array<i32>} : memref<2x256x128xf32, #tpu.memory_space<vmem>>, vector<1x1x16xf32>,
        %get3A_737 = vector.shape_cast %get3A_736 : vector<1x1x16xf32> to vector<16xf32>
        %mul3A_738 = arith.mulf %gather3A_727, %get3A_737 : vector<16xf32>
        %add3A_739 = arith.addf %add3A_693, %mul3A_738 : vector<16xf32>
        %get3A_740 = arith.constant 0 : i32
        %get3A_741 = arith.index_cast %get3A_740 : i32 to index
        %get3A_742 = arith.index_cast %add3A_731 : i32 to index
        %get3A_743 = arith.constant 16 : index
        %get3A_744 = tpu.vector_load %arg15[%get3A_741, %get3A_742, %get3A_743] {strides = array<i32>} : memref<2x256x128xf32, #tpu.memory_space<vmem>>, vector<1x1x16xf32>,
        %get3A_745 = vector.shape_cast %get3A_744 : vector<1x1x16xf32> to vector<16xf32>
        %mul3A_746 = arith.mulf %gather3A_727, %get3A_745 : vector<16xf32>
        %add3A_747 = arith.addf %add3A_701, %mul3A_746 : vector<16xf32>
        %get3A_748 = arith.constant 0 : i32
        %get3A_749 = arith.index_cast %get3A_748 : i32 to index
        %get3A_750 = arith.index_cast %add3A_731 : i32 to index
        %get3A_751 = arith.constant 32 : index
        %get3A_752 = tpu.vector_load %arg15[%get3A_749, %get3A_750, %get3A_751] {strides = array<i32>} : memref<2x256x128xf32, #tpu.memory_space<vmem>>, vector<1x1x16xf32>,
        %get3A_753 = vector.shape_cast %get3A_752 : vector<1x1x16xf32> to vector<16xf32>
        %mul3A_754 = arith.mulf %gather3A_727, %get3A_753 : vector<16xf32>
        %add3A_755 = arith.addf %add3A_709, %mul3A_754 : vector<16xf32>
        %get3A_756 = arith.constant 0 : i32
        %get3A_757 = arith.index_cast %get3A_756 : i32 to index
        %get3A_758 = arith.index_cast %add3A_731 : i32 to index
        %get3A_759 = arith.constant 48 : index
        %get3A_760 = tpu.vector_load %arg15[%get3A_757, %get3A_758, %get3A_759] {strides = array<i32>} : memref<2x256x128xf32, #tpu.memory_space<vmem>>, vector<1x1x16xf32>,
        %get3A_761 = vector.shape_cast %get3A_760 : vector<1x1x16xf32> to vector<16xf32>
        %mul3A_762 = arith.mulf %gather3A_727, %get3A_761 : vector<16xf32>
        %add3A_763 = arith.addf %add3A_717, %mul3A_762 : vector<16xf32>
        %lt3A_764 = arith.constant 0 : i32
        %lt3A_765 = vector.broadcast %lt3A_764 : i32 to vector<16xi32>
        %lt3A_766 = arith.cmpi slt, %broadcast_in_dim3A_250, %lt3A_765 : vector<16xi32>
        %add3A_767 = arith.constant 16 : i32
        %add3A_768 = vector.broadcast %add3A_767 : i32 to vector<16xi32>
        %add3A_769 = arith.addi %broadcast_in_dim3A_250, %add3A_768 : vector<16xi32>
        %select_n3A_770 = arith.select %lt3A_766, %add3A_769, %broadcast_in_dim3A_250 : vector<16xi1>, vector<16xi32>
        %broadcast_in_dim3A_771 = vector.shape_cast %select_n3A_770 : vector<16xi32> to vector<16x1xi32>
        %gather3A_772 = vector.shape_cast %broadcast_in_dim3A_771 : vector<16x1xi32> to vector<16xi32>
        %gather3A_773 = tpu.dynamic_gather %select_n3A_488[%gather3A_772] in [0] : vector<16xf32>, vector<16xi32> -> vector<16xf32>
        %mul3A_774 = arith.constant 16 : i32
        %mul3A_775 = arith.muli %scan3A_411, %mul3A_774 : i32
        %add3A_776 = arith.constant 6 : i32
        %add3A_777 = arith.addi %mul3A_775, %add3A_776 : i32
        %get3A_778 = arith.constant 0 : i32
        %get3A_779 = arith.index_cast %get3A_778 : i32 to index
        %get3A_780 = arith.index_cast %add3A_777 : i32 to index
        %get3A_781 = arith.constant 0 : index
        %get3A_782 = tpu.vector_load %arg15[%get3A_779, %get3A_780, %get3A_781] {strides = array<i32>} : memref<2x256x128xf32, #tpu.memory_space<vmem>>, vector<1x1x16xf32>,
        %get3A_783 = vector.shape_cast %get3A_782 : vector<1x1x16xf32> to vector<16xf32>
        %mul3A_784 = arith.mulf %gather3A_773, %get3A_783 : vector<16xf32>
        %add3A_785 = arith.addf %add3A_739, %mul3A_784 : vector<16xf32>
        %get3A_786 = arith.constant 0 : i32
        %get3A_787 = arith.index_cast %get3A_786 : i32 to index
        %get3A_788 = arith.index_cast %add3A_777 : i32 to index
        %get3A_789 = arith.constant 16 : index
        %get3A_790 = tpu.vector_load %arg15[%get3A_787, %get3A_788, %get3A_789] {strides = array<i32>} : memref<2x256x128xf32, #tpu.memory_space<vmem>>, vector<1x1x16xf32>,
        %get3A_791 = vector.shape_cast %get3A_790 : vector<1x1x16xf32> to vector<16xf32>
        %mul3A_792 = arith.mulf %gather3A_773, %get3A_791 : vector<16xf32>
        %add3A_793 = arith.addf %add3A_747, %mul3A_792 : vector<16xf32>
        %get3A_794 = arith.constant 0 : i32
        %get3A_795 = arith.index_cast %get3A_794 : i32 to index
        %get3A_796 = arith.index_cast %add3A_777 : i32 to index
        %get3A_797 = arith.constant 32 : index
        %get3A_798 = tpu.vector_load %arg15[%get3A_795, %get3A_796, %get3A_797] {strides = array<i32>} : memref<2x256x128xf32, #tpu.memory_space<vmem>>, vector<1x1x16xf32>,
        %get3A_799 = vector.shape_cast %get3A_798 : vector<1x1x16xf32> to vector<16xf32>
        %mul3A_800 = arith.mulf %gather3A_773, %get3A_799 : vector<16xf32>
        %add3A_801 = arith.addf %add3A_755, %mul3A_800 : vector<16xf32>
        %get3A_802 = arith.constant 0 : i32
        %get3A_803 = arith.index_cast %get3A_802 : i32 to index
        %get3A_804 = arith.index_cast %add3A_777 : i32 to index
        %get3A_805 = arith.constant 48 : index
        %get3A_806 = tpu.vector_load %arg15[%get3A_803, %get3A_804, %get3A_805] {strides = array<i32>} : memref<2x256x128xf32, #tpu.memory_space<vmem>>, vector<1x1x16xf32>,
        %get3A_807 = vector.shape_cast %get3A_806 : vector<1x1x16xf32> to vector<16xf32>
        %mul3A_808 = arith.mulf %gather3A_773, %get3A_807 : vector<16xf32>
        %add3A_809 = arith.addf %add3A_763, %mul3A_808 : vector<16xf32>
        %lt3A_810 = arith.constant 0 : i32
        %lt3A_811 = vector.broadcast %lt3A_810 : i32 to vector<16xi32>
        %lt3A_812 = arith.cmpi slt, %broadcast_in_dim3A_252, %lt3A_811 : vector<16xi32>
        %add3A_813 = arith.constant 16 : i32
        %add3A_814 = vector.broadcast %add3A_813 : i32 to vector<16xi32>
        %add3A_815 = arith.addi %broadcast_in_dim3A_252, %add3A_814 : vector<16xi32>
        %select_n3A_816 = arith.select %lt3A_812, %add3A_815, %broadcast_in_dim3A_252 : vector<16xi1>, vector<16xi32>
        %broadcast_in_dim3A_817 = vector.shape_cast %select_n3A_816 : vector<16xi32> to vector<16x1xi32>
        %gather3A_818 = vector.shape_cast %broadcast_in_dim3A_817 : vector<16x1xi32> to vector<16xi32>
        %gather3A_819 = tpu.dynamic_gather %select_n3A_488[%gather3A_818] in [0] : vector<16xf32>, vector<16xi32> -> vector<16xf32>
        %mul3A_820 = arith.constant 16 : i32
        %mul3A_821 = arith.muli %scan3A_411, %mul3A_820 : i32
        %add3A_822 = arith.constant 7 : i32
        %add3A_823 = arith.addi %mul3A_821, %add3A_822 : i32
        %get3A_824 = arith.constant 0 : i32
        %get3A_825 = arith.index_cast %get3A_824 : i32 to index
        %get3A_826 = arith.index_cast %add3A_823 : i32 to index
        %get3A_827 = arith.constant 0 : index
        %get3A_828 = tpu.vector_load %arg15[%get3A_825, %get3A_826, %get3A_827] {strides = array<i32>} : memref<2x256x128xf32, #tpu.memory_space<vmem>>, vector<1x1x16xf32>,
        %get3A_829 = vector.shape_cast %get3A_828 : vector<1x1x16xf32> to vector<16xf32>
        %mul3A_830 = arith.mulf %gather3A_819, %get3A_829 : vector<16xf32>
        %add3A_831 = arith.addf %add3A_785, %mul3A_830 : vector<16xf32>
        %get3A_832 = arith.constant 0 : i32
        %get3A_833 = arith.index_cast %get3A_832 : i32 to index
        %get3A_834 = arith.index_cast %add3A_823 : i32 to index
        %get3A_835 = arith.constant 16 : index
        %get3A_836 = tpu.vector_load %arg15[%get3A_833, %get3A_834, %get3A_835] {strides = array<i32>} : memref<2x256x128xf32, #tpu.memory_space<vmem>>, vector<1x1x16xf32>,
        %get3A_837 = vector.shape_cast %get3A_836 : vector<1x1x16xf32> to vector<16xf32>
        %mul3A_838 = arith.mulf %gather3A_819, %get3A_837 : vector<16xf32>
        %add3A_839 = arith.addf %add3A_793, %mul3A_838 : vector<16xf32>
        %get3A_840 = arith.constant 0 : i32
        %get3A_841 = arith.index_cast %get3A_840 : i32 to index
        %get3A_842 = arith.index_cast %add3A_823 : i32 to index
        %get3A_843 = arith.constant 32 : index
        %get3A_844 = tpu.vector_load %arg15[%get3A_841, %get3A_842, %get3A_843] {strides = array<i32>} : memref<2x256x128xf32, #tpu.memory_space<vmem>>, vector<1x1x16xf32>,
        %get3A_845 = vector.shape_cast %get3A_844 : vector<1x1x16xf32> to vector<16xf32>
        %mul3A_846 = arith.mulf %gather3A_819, %get3A_845 : vector<16xf32>
        %add3A_847 = arith.addf %add3A_801, %mul3A_846 : vector<16xf32>
        %get3A_848 = arith.constant 0 : i32
        %get3A_849 = arith.index_cast %get3A_848 : i32 to index
        %get3A_850 = arith.index_cast %add3A_823 : i32 to index
        %get3A_851 = arith.constant 48 : index
        %get3A_852 = tpu.vector_load %arg15[%get3A_849, %get3A_850, %get3A_851] {strides = array<i32>} : memref<2x256x128xf32, #tpu.memory_space<vmem>>, vector<1x1x16xf32>,
        %get3A_853 = vector.shape_cast %get3A_852 : vector<1x1x16xf32> to vector<16xf32>
        %mul3A_854 = arith.mulf %gather3A_819, %get3A_853 : vector<16xf32>
        %add3A_855 = arith.addf %add3A_809, %mul3A_854 : vector<16xf32>
        %lt3A_856 = arith.constant 0 : i32
        %lt3A_857 = vector.broadcast %lt3A_856 : i32 to vector<16xi32>
        %lt3A_858 = arith.cmpi slt, %broadcast_in_dim3A_254, %lt3A_857 : vector<16xi32>
        %add3A_859 = arith.constant 16 : i32
        %add3A_860 = vector.broadcast %add3A_859 : i32 to vector<16xi32>
        %add3A_861 = arith.addi %broadcast_in_dim3A_254, %add3A_860 : vector<16xi32>
        %select_n3A_862 = arith.select %lt3A_858, %add3A_861, %broadcast_in_dim3A_254 : vector<16xi1>, vector<16xi32>
        %broadcast_in_dim3A_863 = vector.shape_cast %select_n3A_862 : vector<16xi32> to vector<16x1xi32>
        %gather3A_864 = vector.shape_cast %broadcast_in_dim3A_863 : vector<16x1xi32> to vector<16xi32>
        %gather3A_865 = tpu.dynamic_gather %select_n3A_488[%gather3A_864] in [0] : vector<16xf32>, vector<16xi32> -> vector<16xf32>
        %mul3A_866 = arith.constant 16 : i32
        %mul3A_867 = arith.muli %scan3A_411, %mul3A_866 : i32
        %add3A_868 = arith.constant 8 : i32
        %add3A_869 = arith.addi %mul3A_867, %add3A_868 : i32
        %get3A_870 = arith.constant 0 : i32
        %get3A_871 = arith.index_cast %get3A_870 : i32 to index
        %get3A_872 = arith.index_cast %add3A_869 : i32 to index
        %get3A_873 = arith.constant 0 : index
        %get3A_874 = tpu.vector_load %arg15[%get3A_871, %get3A_872, %get3A_873] {strides = array<i32>} : memref<2x256x128xf32, #tpu.memory_space<vmem>>, vector<1x1x16xf32>,
        %get3A_875 = vector.shape_cast %get3A_874 : vector<1x1x16xf32> to vector<16xf32>
        %mul3A_876 = arith.mulf %gather3A_865, %get3A_875 : vector<16xf32>
        %add3A_877 = arith.addf %add3A_831, %mul3A_876 : vector<16xf32>
        %get3A_878 = arith.constant 0 : i32
        %get3A_879 = arith.index_cast %get3A_878 : i32 to index
        %get3A_880 = arith.index_cast %add3A_869 : i32 to index
        %get3A_881 = arith.constant 16 : index
        %get3A_882 = tpu.vector_load %arg15[%get3A_879, %get3A_880, %get3A_881] {strides = array<i32>} : memref<2x256x128xf32, #tpu.memory_space<vmem>>, vector<1x1x16xf32>,
        %get3A_883 = vector.shape_cast %get3A_882 : vector<1x1x16xf32> to vector<16xf32>
        %mul3A_884 = arith.mulf %gather3A_865, %get3A_883 : vector<16xf32>
        %add3A_885 = arith.addf %add3A_839, %mul3A_884 : vector<16xf32>
        %get3A_886 = arith.constant 0 : i32
        %get3A_887 = arith.index_cast %get3A_886 : i32 to index
        %get3A_888 = arith.index_cast %add3A_869 : i32 to index
        %get3A_889 = arith.constant 32 : index
        %get3A_890 = tpu.vector_load %arg15[%get3A_887, %get3A_888, %get3A_889] {strides = array<i32>} : memref<2x256x128xf32, #tpu.memory_space<vmem>>, vector<1x1x16xf32>,
        %get3A_891 = vector.shape_cast %get3A_890 : vector<1x1x16xf32> to vector<16xf32>
        %mul3A_892 = arith.mulf %gather3A_865, %get3A_891 : vector<16xf32>
        %add3A_893 = arith.addf %add3A_847, %mul3A_892 : vector<16xf32>
        %get3A_894 = arith.constant 0 : i32
        %get3A_895 = arith.index_cast %get3A_894 : i32 to index
        %get3A_896 = arith.index_cast %add3A_869 : i32 to index
        %get3A_897 = arith.constant 48 : index
        %get3A_898 = tpu.vector_load %arg15[%get3A_895, %get3A_896, %get3A_897] {strides = array<i32>} : memref<2x256x128xf32, #tpu.memory_space<vmem>>, vector<1x1x16xf32>,
        %get3A_899 = vector.shape_cast %get3A_898 : vector<1x1x16xf32> to vector<16xf32>
        %mul3A_900 = arith.mulf %gather3A_865, %get3A_899 : vector<16xf32>
        %add3A_901 = arith.addf %add3A_855, %mul3A_900 : vector<16xf32>
        %lt3A_902 = arith.constant 0 : i32
        %lt3A_903 = vector.broadcast %lt3A_902 : i32 to vector<16xi32>
        %lt3A_904 = arith.cmpi slt, %broadcast_in_dim3A_256, %lt3A_903 : vector<16xi32>
        %add3A_905 = arith.constant 16 : i32
        %add3A_906 = vector.broadcast %add3A_905 : i32 to vector<16xi32>
        %add3A_907 = arith.addi %broadcast_in_dim3A_256, %add3A_906 : vector<16xi32>
        %select_n3A_908 = arith.select %lt3A_904, %add3A_907, %broadcast_in_dim3A_256 : vector<16xi1>, vector<16xi32>
        %broadcast_in_dim3A_909 = vector.shape_cast %select_n3A_908 : vector<16xi32> to vector<16x1xi32>
        %gather3A_910 = vector.shape_cast %broadcast_in_dim3A_909 : vector<16x1xi32> to vector<16xi32>
        %gather3A_911 = tpu.dynamic_gather %select_n3A_488[%gather3A_910] in [0] : vector<16xf32>, vector<16xi32> -> vector<16xf32>
        %mul3A_912 = arith.constant 16 : i32
        %mul3A_913 = arith.muli %scan3A_411, %mul3A_912 : i32
        %add3A_914 = arith.constant 9 : i32
        %add3A_915 = arith.addi %mul3A_913, %add3A_914 : i32
        %get3A_916 = arith.constant 0 : i32
        %get3A_917 = arith.index_cast %get3A_916 : i32 to index
        %get3A_918 = arith.index_cast %add3A_915 : i32 to index
        %get3A_919 = arith.constant 0 : index
        %get3A_920 = tpu.vector_load %arg15[%get3A_917, %get3A_918, %get3A_919] {strides = array<i32>} : memref<2x256x128xf32, #tpu.memory_space<vmem>>, vector<1x1x16xf32>,
        %get3A_921 = vector.shape_cast %get3A_920 : vector<1x1x16xf32> to vector<16xf32>
        %mul3A_922 = arith.mulf %gather3A_911, %get3A_921 : vector<16xf32>
        %add3A_923 = arith.addf %add3A_877, %mul3A_922 : vector<16xf32>
        %get3A_924 = arith.constant 0 : i32
        %get3A_925 = arith.index_cast %get3A_924 : i32 to index
        %get3A_926 = arith.index_cast %add3A_915 : i32 to index
        %get3A_927 = arith.constant 16 : index
        %get3A_928 = tpu.vector_load %arg15[%get3A_925, %get3A_926, %get3A_927] {strides = array<i32>} : memref<2x256x128xf32, #tpu.memory_space<vmem>>, vector<1x1x16xf32>,
        %get3A_929 = vector.shape_cast %get3A_928 : vector<1x1x16xf32> to vector<16xf32>
        %mul3A_930 = arith.mulf %gather3A_911, %get3A_929 : vector<16xf32>
        %add3A_931 = arith.addf %add3A_885, %mul3A_930 : vector<16xf32>
        %get3A_932 = arith.constant 0 : i32
        %get3A_933 = arith.index_cast %get3A_932 : i32 to index
        %get3A_934 = arith.index_cast %add3A_915 : i32 to index
        %get3A_935 = arith.constant 32 : index
        %get3A_936 = tpu.vector_load %arg15[%get3A_933, %get3A_934, %get3A_935] {strides = array<i32>} : memref<2x256x128xf32, #tpu.memory_space<vmem>>, vector<1x1x16xf32>,
        %get3A_937 = vector.shape_cast %get3A_936 : vector<1x1x16xf32> to vector<16xf32>
        %mul3A_938 = arith.mulf %gather3A_911, %get3A_937 : vector<16xf32>
        %add3A_939 = arith.addf %add3A_893, %mul3A_938 : vector<16xf32>
        %get3A_940 = arith.constant 0 : i32
        %get3A_941 = arith.index_cast %get3A_940 : i32 to index
        %get3A_942 = arith.index_cast %add3A_915 : i32 to index
        %get3A_943 = arith.constant 48 : index
        %get3A_944 = tpu.vector_load %arg15[%get3A_941, %get3A_942, %get3A_943] {strides = array<i32>} : memref<2x256x128xf32, #tpu.memory_space<vmem>>, vector<1x1x16xf32>,
        %get3A_945 = vector.shape_cast %get3A_944 : vector<1x1x16xf32> to vector<16xf32>
        %mul3A_946 = arith.mulf %gather3A_911, %get3A_945 : vector<16xf32>
        %add3A_947 = arith.addf %add3A_901, %mul3A_946 : vector<16xf32>
        %lt3A_948 = arith.constant 0 : i32
        %lt3A_949 = vector.broadcast %lt3A_948 : i32 to vector<16xi32>
        %lt3A_950 = arith.cmpi slt, %broadcast_in_dim3A_258, %lt3A_949 : vector<16xi32>
        %add3A_951 = arith.constant 16 : i32
        %add3A_952 = vector.broadcast %add3A_951 : i32 to vector<16xi32>
        %add3A_953 = arith.addi %broadcast_in_dim3A_258, %add3A_952 : vector<16xi32>
        %select_n3A_954 = arith.select %lt3A_950, %add3A_953, %broadcast_in_dim3A_258 : vector<16xi1>, vector<16xi32>
        %broadcast_in_dim3A_955 = vector.shape_cast %select_n3A_954 : vector<16xi32> to vector<16x1xi32>
        %gather3A_956 = vector.shape_cast %broadcast_in_dim3A_955 : vector<16x1xi32> to vector<16xi32>
        %gather3A_957 = tpu.dynamic_gather %select_n3A_488[%gather3A_956] in [0] : vector<16xf32>, vector<16xi32> -> vector<16xf32>
        %mul3A_958 = arith.constant 16 : i32
        %mul3A_959 = arith.muli %scan3A_411, %mul3A_958 : i32
        %add3A_960 = arith.constant 10 : i32
        %add3A_961 = arith.addi %mul3A_959, %add3A_960 : i32
        %get3A_962 = arith.constant 0 : i32
        %get3A_963 = arith.index_cast %get3A_962 : i32 to index
        %get3A_964 = arith.index_cast %add3A_961 : i32 to index
        %get3A_965 = arith.constant 0 : index
        %get3A_966 = tpu.vector_load %arg15[%get3A_963, %get3A_964, %get3A_965] {strides = array<i32>} : memref<2x256x128xf32, #tpu.memory_space<vmem>>, vector<1x1x16xf32>,
        %get3A_967 = vector.shape_cast %get3A_966 : vector<1x1x16xf32> to vector<16xf32>
        %mul3A_968 = arith.mulf %gather3A_957, %get3A_967 : vector<16xf32>
        %add3A_969 = arith.addf %add3A_923, %mul3A_968 : vector<16xf32>
        %get3A_970 = arith.constant 0 : i32
        %get3A_971 = arith.index_cast %get3A_970 : i32 to index
        %get3A_972 = arith.index_cast %add3A_961 : i32 to index
        %get3A_973 = arith.constant 16 : index
        %get3A_974 = tpu.vector_load %arg15[%get3A_971, %get3A_972, %get3A_973] {strides = array<i32>} : memref<2x256x128xf32, #tpu.memory_space<vmem>>, vector<1x1x16xf32>,
        %get3A_975 = vector.shape_cast %get3A_974 : vector<1x1x16xf32> to vector<16xf32>
        %mul3A_976 = arith.mulf %gather3A_957, %get3A_975 : vector<16xf32>
        %add3A_977 = arith.addf %add3A_931, %mul3A_976 : vector<16xf32>
        %get3A_978 = arith.constant 0 : i32
        %get3A_979 = arith.index_cast %get3A_978 : i32 to index
        %get3A_980 = arith.index_cast %add3A_961 : i32 to index
        %get3A_981 = arith.constant 32 : index
        %get3A_982 = tpu.vector_load %arg15[%get3A_979, %get3A_980, %get3A_981] {strides = array<i32>} : memref<2x256x128xf32, #tpu.memory_space<vmem>>, vector<1x1x16xf32>,
        %get3A_983 = vector.shape_cast %get3A_982 : vector<1x1x16xf32> to vector<16xf32>
        %mul3A_984 = arith.mulf %gather3A_957, %get3A_983 : vector<16xf32>
        %add3A_985 = arith.addf %add3A_939, %mul3A_984 : vector<16xf32>
        %get3A_986 = arith.constant 0 : i32
        %get3A_987 = arith.index_cast %get3A_986 : i32 to index
        %get3A_988 = arith.index_cast %add3A_961 : i32 to index
        %get3A_989 = arith.constant 48 : index
        %get3A_990 = tpu.vector_load %arg15[%get3A_987, %get3A_988, %get3A_989] {strides = array<i32>} : memref<2x256x128xf32, #tpu.memory_space<vmem>>, vector<1x1x16xf32>,
        %get3A_991 = vector.shape_cast %get3A_990 : vector<1x1x16xf32> to vector<16xf32>
        %mul3A_992 = arith.mulf %gather3A_957, %get3A_991 : vector<16xf32>
        %add3A_993 = arith.addf %add3A_947, %mul3A_992 : vector<16xf32>
        %lt3A_994 = arith.constant 0 : i32
        %lt3A_995 = vector.broadcast %lt3A_994 : i32 to vector<16xi32>
        %lt3A_996 = arith.cmpi slt, %broadcast_in_dim3A_260, %lt3A_995 : vector<16xi32>
        %add3A_997 = arith.constant 16 : i32
        %add3A_998 = vector.broadcast %add3A_997 : i32 to vector<16xi32>
        %add3A_999 = arith.addi %broadcast_in_dim3A_260, %add3A_998 : vector<16xi32>
        %select_n3A_1000 = arith.select %lt3A_996, %add3A_999, %broadcast_in_dim3A_260 : vector<16xi1>, vector<16xi32>
        %broadcast_in_dim3A_1001 = vector.shape_cast %select_n3A_1000 : vector<16xi32> to vector<16x1xi32>
        %gather3A_1002 = vector.shape_cast %broadcast_in_dim3A_1001 : vector<16x1xi32> to vector<16xi32>
        %gather3A_1003 = tpu.dynamic_gather %select_n3A_488[%gather3A_1002] in [0] : vector<16xf32>, vector<16xi32> -> vector<16xf32>
        %mul3A_1004 = arith.constant 16 : i32
        %mul3A_1005 = arith.muli %scan3A_411, %mul3A_1004 : i32
        %add3A_1006 = arith.constant 11 : i32
        %add3A_1007 = arith.addi %mul3A_1005, %add3A_1006 : i32
        %get3A_1008 = arith.constant 0 : i32
        %get3A_1009 = arith.index_cast %get3A_1008 : i32 to index
        %get3A_1010 = arith.index_cast %add3A_1007 : i32 to index
        %get3A_1011 = arith.constant 0 : index
        %get3A_1012 = tpu.vector_load %arg15[%get3A_1009, %get3A_1010, %get3A_1011] {strides = array<i32>} : memref<2x256x128xf32, #tpu.memory_space<vmem>>, vector<1x1x16xf32>,
        %get3A_1013 = vector.shape_cast %get3A_1012 : vector<1x1x16xf32> to vector<16xf32>
        %mul3A_1014 = arith.mulf %gather3A_1003, %get3A_1013 : vector<16xf32>
        %add3A_1015 = arith.addf %add3A_969, %mul3A_1014 : vector<16xf32>
        %get3A_1016 = arith.constant 0 : i32
        %get3A_1017 = arith.index_cast %get3A_1016 : i32 to index
        %get3A_1018 = arith.index_cast %add3A_1007 : i32 to index
        %get3A_1019 = arith.constant 16 : index
        %get3A_1020 = tpu.vector_load %arg15[%get3A_1017, %get3A_1018, %get3A_1019] {strides = array<i32>} : memref<2x256x128xf32, #tpu.memory_space<vmem>>, vector<1x1x16xf32>,
        %get3A_1021 = vector.shape_cast %get3A_1020 : vector<1x1x16xf32> to vector<16xf32>
        %mul3A_1022 = arith.mulf %gather3A_1003, %get3A_1021 : vector<16xf32>
        %add3A_1023 = arith.addf %add3A_977, %mul3A_1022 : vector<16xf32>
        %get3A_1024 = arith.constant 0 : i32
        %get3A_1025 = arith.index_cast %get3A_1024 : i32 to index
        %get3A_1026 = arith.index_cast %add3A_1007 : i32 to index
        %get3A_1027 = arith.constant 32 : index
        %get3A_1028 = tpu.vector_load %arg15[%get3A_1025, %get3A_1026, %get3A_1027] {strides = array<i32>} : memref<2x256x128xf32, #tpu.memory_space<vmem>>, vector<1x1x16xf32>,
        %get3A_1029 = vector.shape_cast %get3A_1028 : vector<1x1x16xf32> to vector<16xf32>
        %mul3A_1030 = arith.mulf %gather3A_1003, %get3A_1029 : vector<16xf32>
        %add3A_1031 = arith.addf %add3A_985, %mul3A_1030 : vector<16xf32>
        %get3A_1032 = arith.constant 0 : i32
        %get3A_1033 = arith.index_cast %get3A_1032 : i32 to index
        %get3A_1034 = arith.index_cast %add3A_1007 : i32 to index
        %get3A_1035 = arith.constant 48 : index
        %get3A_1036 = tpu.vector_load %arg15[%get3A_1033, %get3A_1034, %get3A_1035] {strides = array<i32>} : memref<2x256x128xf32, #tpu.memory_space<vmem>>, vector<1x1x16xf32>,
        %get3A_1037 = vector.shape_cast %get3A_1036 : vector<1x1x16xf32> to vector<16xf32>
        %mul3A_1038 = arith.mulf %gather3A_1003, %get3A_1037 : vector<16xf32>
        %add3A_1039 = arith.addf %add3A_993, %mul3A_1038 : vector<16xf32>
        %lt3A_1040 = arith.constant 0 : i32
        %lt3A_1041 = vector.broadcast %lt3A_1040 : i32 to vector<16xi32>
        %lt3A_1042 = arith.cmpi slt, %broadcast_in_dim3A_262, %lt3A_1041 : vector<16xi32>
        %add3A_1043 = arith.constant 16 : i32
        %add3A_1044 = vector.broadcast %add3A_1043 : i32 to vector<16xi32>
        %add3A_1045 = arith.addi %broadcast_in_dim3A_262, %add3A_1044 : vector<16xi32>
        %select_n3A_1046 = arith.select %lt3A_1042, %add3A_1045, %broadcast_in_dim3A_262 : vector<16xi1>, vector<16xi32>
        %broadcast_in_dim3A_1047 = vector.shape_cast %select_n3A_1046 : vector<16xi32> to vector<16x1xi32>
        %gather3A_1048 = vector.shape_cast %broadcast_in_dim3A_1047 : vector<16x1xi32> to vector<16xi32>
        %gather3A_1049 = tpu.dynamic_gather %select_n3A_488[%gather3A_1048] in [0] : vector<16xf32>, vector<16xi32> -> vector<16xf32>
        %mul3A_1050 = arith.constant 16 : i32
        %mul3A_1051 = arith.muli %scan3A_411, %mul3A_1050 : i32
        %add3A_1052 = arith.constant 12 : i32
        %add3A_1053 = arith.addi %mul3A_1051, %add3A_1052 : i32
        %get3A_1054 = arith.constant 0 : i32
        %get3A_1055 = arith.index_cast %get3A_1054 : i32 to index
        %get3A_1056 = arith.index_cast %add3A_1053 : i32 to index
        %get3A_1057 = arith.constant 0 : index
        %get3A_1058 = tpu.vector_load %arg15[%get3A_1055, %get3A_1056, %get3A_1057] {strides = array<i32>} : memref<2x256x128xf32, #tpu.memory_space<vmem>>, vector<1x1x16xf32>,
        %get3A_1059 = vector.shape_cast %get3A_1058 : vector<1x1x16xf32> to vector<16xf32>
        %mul3A_1060 = arith.mulf %gather3A_1049, %get3A_1059 : vector<16xf32>
        %add3A_1061 = arith.addf %add3A_1015, %mul3A_1060 : vector<16xf32>
        %get3A_1062 = arith.constant 0 : i32
        %get3A_1063 = arith.index_cast %get3A_1062 : i32 to index
        %get3A_1064 = arith.index_cast %add3A_1053 : i32 to index
        %get3A_1065 = arith.constant 16 : index
        %get3A_1066 = tpu.vector_load %arg15[%get3A_1063, %get3A_1064, %get3A_1065] {strides = array<i32>} : memref<2x256x128xf32, #tpu.memory_space<vmem>>, vector<1x1x16xf32>,
        %get3A_1067 = vector.shape_cast %get3A_1066 : vector<1x1x16xf32> to vector<16xf32>
        %mul3A_1068 = arith.mulf %gather3A_1049, %get3A_1067 : vector<16xf32>
        %add3A_1069 = arith.addf %add3A_1023, %mul3A_1068 : vector<16xf32>
        %get3A_1070 = arith.constant 0 : i32
        %get3A_1071 = arith.index_cast %get3A_1070 : i32 to index
        %get3A_1072 = arith.index_cast %add3A_1053 : i32 to index
        %get3A_1073 = arith.constant 32 : index
        %get3A_1074 = tpu.vector_load %arg15[%get3A_1071, %get3A_1072, %get3A_1073] {strides = array<i32>} : memref<2x256x128xf32, #tpu.memory_space<vmem>>, vector<1x1x16xf32>,
        %get3A_1075 = vector.shape_cast %get3A_1074 : vector<1x1x16xf32> to vector<16xf32>
        %mul3A_1076 = arith.mulf %gather3A_1049, %get3A_1075 : vector<16xf32>
        %add3A_1077 = arith.addf %add3A_1031, %mul3A_1076 : vector<16xf32>
        %get3A_1078 = arith.constant 0 : i32
        %get3A_1079 = arith.index_cast %get3A_1078 : i32 to index
        %get3A_1080 = arith.index_cast %add3A_1053 : i32 to index
        %get3A_1081 = arith.constant 48 : index
        %get3A_1082 = tpu.vector_load %arg15[%get3A_1079, %get3A_1080, %get3A_1081] {strides = array<i32>} : memref<2x256x128xf32, #tpu.memory_space<vmem>>, vector<1x1x16xf32>,
        %get3A_1083 = vector.shape_cast %get3A_1082 : vector<1x1x16xf32> to vector<16xf32>
        %mul3A_1084 = arith.mulf %gather3A_1049, %get3A_1083 : vector<16xf32>
        %add3A_1085 = arith.addf %add3A_1039, %mul3A_1084 : vector<16xf32>
        %lt3A_1086 = arith.constant 0 : i32
        %lt3A_1087 = vector.broadcast %lt3A_1086 : i32 to vector<16xi32>
        %lt3A_1088 = arith.cmpi slt, %broadcast_in_dim3A_264, %lt3A_1087 : vector<16xi32>
        %add3A_1089 = arith.constant 16 : i32
        %add3A_1090 = vector.broadcast %add3A_1089 : i32 to vector<16xi32>
        %add3A_1091 = arith.addi %broadcast_in_dim3A_264, %add3A_1090 : vector<16xi32>
        %select_n3A_1092 = arith.select %lt3A_1088, %add3A_1091, %broadcast_in_dim3A_264 : vector<16xi1>, vector<16xi32>
        %broadcast_in_dim3A_1093 = vector.shape_cast %select_n3A_1092 : vector<16xi32> to vector<16x1xi32>
        %gather3A_1094 = vector.shape_cast %broadcast_in_dim3A_1093 : vector<16x1xi32> to vector<16xi32>
        %gather3A_1095 = tpu.dynamic_gather %select_n3A_488[%gather3A_1094] in [0] : vector<16xf32>, vector<16xi32> -> vector<16xf32>
        %mul3A_1096 = arith.constant 16 : i32
        %mul3A_1097 = arith.muli %scan3A_411, %mul3A_1096 : i32
        %add3A_1098 = arith.constant 13 : i32
        %add3A_1099 = arith.addi %mul3A_1097, %add3A_1098 : i32
        %get3A_1100 = arith.constant 0 : i32
        %get3A_1101 = arith.index_cast %get3A_1100 : i32 to index
        %get3A_1102 = arith.index_cast %add3A_1099 : i32 to index
        %get3A_1103 = arith.constant 0 : index
        %get3A_1104 = tpu.vector_load %arg15[%get3A_1101, %get3A_1102, %get3A_1103] {strides = array<i32>} : memref<2x256x128xf32, #tpu.memory_space<vmem>>, vector<1x1x16xf32>,
        %get3A_1105 = vector.shape_cast %get3A_1104 : vector<1x1x16xf32> to vector<16xf32>
        %mul3A_1106 = arith.mulf %gather3A_1095, %get3A_1105 : vector<16xf32>
        %add3A_1107 = arith.addf %add3A_1061, %mul3A_1106 : vector<16xf32>
        %get3A_1108 = arith.constant 0 : i32
        %get3A_1109 = arith.index_cast %get3A_1108 : i32 to index
        %get3A_1110 = arith.index_cast %add3A_1099 : i32 to index
        %get3A_1111 = arith.constant 16 : index
        %get3A_1112 = tpu.vector_load %arg15[%get3A_1109, %get3A_1110, %get3A_1111] {strides = array<i32>} : memref<2x256x128xf32, #tpu.memory_space<vmem>>, vector<1x1x16xf32>,
        %get3A_1113 = vector.shape_cast %get3A_1112 : vector<1x1x16xf32> to vector<16xf32>
        %mul3A_1114 = arith.mulf %gather3A_1095, %get3A_1113 : vector<16xf32>
        %add3A_1115 = arith.addf %add3A_1069, %mul3A_1114 : vector<16xf32>
        %get3A_1116 = arith.constant 0 : i32
        %get3A_1117 = arith.index_cast %get3A_1116 : i32 to index
        %get3A_1118 = arith.index_cast %add3A_1099 : i32 to index
        %get3A_1119 = arith.constant 32 : index
        %get3A_1120 = tpu.vector_load %arg15[%get3A_1117, %get3A_1118, %get3A_1119] {strides = array<i32>} : memref<2x256x128xf32, #tpu.memory_space<vmem>>, vector<1x1x16xf32>,
        %get3A_1121 = vector.shape_cast %get3A_1120 : vector<1x1x16xf32> to vector<16xf32>
        %mul3A_1122 = arith.mulf %gather3A_1095, %get3A_1121 : vector<16xf32>
        %add3A_1123 = arith.addf %add3A_1077, %mul3A_1122 : vector<16xf32>
        %get3A_1124 = arith.constant 0 : i32
        %get3A_1125 = arith.index_cast %get3A_1124 : i32 to index
        %get3A_1126 = arith.index_cast %add3A_1099 : i32 to index
        %get3A_1127 = arith.constant 48 : index
        %get3A_1128 = tpu.vector_load %arg15[%get3A_1125, %get3A_1126, %get3A_1127] {strides = array<i32>} : memref<2x256x128xf32, #tpu.memory_space<vmem>>, vector<1x1x16xf32>,
        %get3A_1129 = vector.shape_cast %get3A_1128 : vector<1x1x16xf32> to vector<16xf32>
        %mul3A_1130 = arith.mulf %gather3A_1095, %get3A_1129 : vector<16xf32>
        %add3A_1131 = arith.addf %add3A_1085, %mul3A_1130 : vector<16xf32>
        %lt3A_1132 = arith.constant 0 : i32
        %lt3A_1133 = vector.broadcast %lt3A_1132 : i32 to vector<16xi32>
        %lt3A_1134 = arith.cmpi slt, %broadcast_in_dim3A_266, %lt3A_1133 : vector<16xi32>
        %add3A_1135 = arith.constant 16 : i32
        %add3A_1136 = vector.broadcast %add3A_1135 : i32 to vector<16xi32>
        %add3A_1137 = arith.addi %broadcast_in_dim3A_266, %add3A_1136 : vector<16xi32>
        %select_n3A_1138 = arith.select %lt3A_1134, %add3A_1137, %broadcast_in_dim3A_266 : vector<16xi1>, vector<16xi32>
        %broadcast_in_dim3A_1139 = vector.shape_cast %select_n3A_1138 : vector<16xi32> to vector<16x1xi32>
        %gather3A_1140 = vector.shape_cast %broadcast_in_dim3A_1139 : vector<16x1xi32> to vector<16xi32>
        %gather3A_1141 = tpu.dynamic_gather %select_n3A_488[%gather3A_1140] in [0] : vector<16xf32>, vector<16xi32> -> vector<16xf32>
        %mul3A_1142 = arith.constant 16 : i32
        %mul3A_1143 = arith.muli %scan3A_411, %mul3A_1142 : i32
        %add3A_1144 = arith.constant 14 : i32
        %add3A_1145 = arith.addi %mul3A_1143, %add3A_1144 : i32
        %get3A_1146 = arith.constant 0 : i32
        %get3A_1147 = arith.index_cast %get3A_1146 : i32 to index
        %get3A_1148 = arith.index_cast %add3A_1145 : i32 to index
        %get3A_1149 = arith.constant 0 : index
        %get3A_1150 = tpu.vector_load %arg15[%get3A_1147, %get3A_1148, %get3A_1149] {strides = array<i32>} : memref<2x256x128xf32, #tpu.memory_space<vmem>>, vector<1x1x16xf32>,
        %get3A_1151 = vector.shape_cast %get3A_1150 : vector<1x1x16xf32> to vector<16xf32>
        %mul3A_1152 = arith.mulf %gather3A_1141, %get3A_1151 : vector<16xf32>
        %add3A_1153 = arith.addf %add3A_1107, %mul3A_1152 : vector<16xf32>
        %get3A_1154 = arith.constant 0 : i32
        %get3A_1155 = arith.index_cast %get3A_1154 : i32 to index
        %get3A_1156 = arith.index_cast %add3A_1145 : i32 to index
        %get3A_1157 = arith.constant 16 : index
        %get3A_1158 = tpu.vector_load %arg15[%get3A_1155, %get3A_1156, %get3A_1157] {strides = array<i32>} : memref<2x256x128xf32, #tpu.memory_space<vmem>>, vector<1x1x16xf32>,
        %get3A_1159 = vector.shape_cast %get3A_1158 : vector<1x1x16xf32> to vector<16xf32>
        %mul3A_1160 = arith.mulf %gather3A_1141, %get3A_1159 : vector<16xf32>
        %add3A_1161 = arith.addf %add3A_1115, %mul3A_1160 : vector<16xf32>
        %get3A_1162 = arith.constant 0 : i32
        %get3A_1163 = arith.index_cast %get3A_1162 : i32 to index
        %get3A_1164 = arith.index_cast %add3A_1145 : i32 to index
        %get3A_1165 = arith.constant 32 : index
        %get3A_1166 = tpu.vector_load %arg15[%get3A_1163, %get3A_1164, %get3A_1165] {strides = array<i32>} : memref<2x256x128xf32, #tpu.memory_space<vmem>>, vector<1x1x16xf32>,
        %get3A_1167 = vector.shape_cast %get3A_1166 : vector<1x1x16xf32> to vector<16xf32>
        %mul3A_1168 = arith.mulf %gather3A_1141, %get3A_1167 : vector<16xf32>
        %add3A_1169 = arith.addf %add3A_1123, %mul3A_1168 : vector<16xf32>
        %get3A_1170 = arith.constant 0 : i32
        %get3A_1171 = arith.index_cast %get3A_1170 : i32 to index
        %get3A_1172 = arith.index_cast %add3A_1145 : i32 to index
        %get3A_1173 = arith.constant 48 : index
        %get3A_1174 = tpu.vector_load %arg15[%get3A_1171, %get3A_1172, %get3A_1173] {strides = array<i32>} : memref<2x256x128xf32, #tpu.memory_space<vmem>>, vector<1x1x16xf32>,
        %get3A_1175 = vector.shape_cast %get3A_1174 : vector<1x1x16xf32> to vector<16xf32>
        %mul3A_1176 = arith.mulf %gather3A_1141, %get3A_1175 : vector<16xf32>
        %add3A_1177 = arith.addf %add3A_1131, %mul3A_1176 : vector<16xf32>
        %lt3A_1178 = arith.constant 0 : i32
        %lt3A_1179 = vector.broadcast %lt3A_1178 : i32 to vector<16xi32>
        %lt3A_1180 = arith.cmpi slt, %broadcast_in_dim3A_268, %lt3A_1179 : vector<16xi32>
        %add3A_1181 = arith.constant 16 : i32
        %add3A_1182 = vector.broadcast %add3A_1181 : i32 to vector<16xi32>
        %add3A_1183 = arith.addi %broadcast_in_dim3A_268, %add3A_1182 : vector<16xi32>
        %select_n3A_1184 = arith.select %lt3A_1180, %add3A_1183, %broadcast_in_dim3A_268 : vector<16xi1>, vector<16xi32>
        %broadcast_in_dim3A_1185 = vector.shape_cast %select_n3A_1184 : vector<16xi32> to vector<16x1xi32>
        %gather3A_1186 = vector.shape_cast %broadcast_in_dim3A_1185 : vector<16x1xi32> to vector<16xi32>
        %gather3A_1187 = tpu.dynamic_gather %select_n3A_488[%gather3A_1186] in [0] : vector<16xf32>, vector<16xi32> -> vector<16xf32>
        %mul3A_1188 = arith.constant 16 : i32
        %mul3A_1189 = arith.muli %scan3A_411, %mul3A_1188 : i32
        %add3A_1190 = arith.constant 15 : i32
        %add3A_1191 = arith.addi %mul3A_1189, %add3A_1190 : i32
        %get3A_1192 = arith.constant 0 : i32
        %get3A_1193 = arith.index_cast %get3A_1192 : i32 to index
        %get3A_1194 = arith.index_cast %add3A_1191 : i32 to index
        %get3A_1195 = arith.constant 0 : index
        %get3A_1196 = tpu.vector_load %arg15[%get3A_1193, %get3A_1194, %get3A_1195] {strides = array<i32>} : memref<2x256x128xf32, #tpu.memory_space<vmem>>, vector<1x1x16xf32>,
        %get3A_1197 = vector.shape_cast %get3A_1196 : vector<1x1x16xf32> to vector<16xf32>
        %mul3A_1198 = arith.mulf %gather3A_1187, %get3A_1197 : vector<16xf32>
        %add3A_1199 = arith.addf %add3A_1153, %mul3A_1198 : vector<16xf32>
        %get3A_1200 = arith.constant 0 : i32
        %get3A_1201 = arith.index_cast %get3A_1200 : i32 to index
        %get3A_1202 = arith.index_cast %add3A_1191 : i32 to index
        %get3A_1203 = arith.constant 16 : index
        %get3A_1204 = tpu.vector_load %arg15[%get3A_1201, %get3A_1202, %get3A_1203] {strides = array<i32>} : memref<2x256x128xf32, #tpu.memory_space<vmem>>, vector<1x1x16xf32>,
        %get3A_1205 = vector.shape_cast %get3A_1204 : vector<1x1x16xf32> to vector<16xf32>
        %mul3A_1206 = arith.mulf %gather3A_1187, %get3A_1205 : vector<16xf32>
        %add3A_1207 = arith.addf %add3A_1161, %mul3A_1206 : vector<16xf32>
        %get3A_1208 = arith.constant 0 : i32
        %get3A_1209 = arith.index_cast %get3A_1208 : i32 to index
        %get3A_1210 = arith.index_cast %add3A_1191 : i32 to index
        %get3A_1211 = arith.constant 32 : index
        %get3A_1212 = tpu.vector_load %arg15[%get3A_1209, %get3A_1210, %get3A_1211] {strides = array<i32>} : memref<2x256x128xf32, #tpu.memory_space<vmem>>, vector<1x1x16xf32>,
        %get3A_1213 = vector.shape_cast %get3A_1212 : vector<1x1x16xf32> to vector<16xf32>
        %mul3A_1214 = arith.mulf %gather3A_1187, %get3A_1213 : vector<16xf32>
        %add3A_1215 = arith.addf %add3A_1169, %mul3A_1214 : vector<16xf32>
        %get3A_1216 = arith.constant 0 : i32
        %get3A_1217 = arith.index_cast %get3A_1216 : i32 to index
        %get3A_1218 = arith.index_cast %add3A_1191 : i32 to index
        %get3A_1219 = arith.constant 48 : index
        %get3A_1220 = tpu.vector_load %arg15[%get3A_1217, %get3A_1218, %get3A_1219] {strides = array<i32>} : memref<2x256x128xf32, #tpu.memory_space<vmem>>, vector<1x1x16xf32>,
        %get3A_1221 = vector.shape_cast %get3A_1220 : vector<1x1x16xf32> to vector<16xf32>
        %mul3A_1222 = arith.mulf %gather3A_1187, %get3A_1221 : vector<16xf32>
        %add3A_1223 = arith.addf %add3A_1177, %mul3A_1222 : vector<16xf32>
        %mul3A_1224 = arith.mulf %add3A_1199, %add3A_1199 : vector<16xf32>
        %mul3A_1225 = arith.mulf %add3A_1207, %add3A_1207 : vector<16xf32>
        %add3A_1226 = arith.addf %mul3A_1224, %mul3A_1225 : vector<16xf32>
        %mul3A_1227 = arith.mulf %add3A_1215, %add3A_1215 : vector<16xf32>
        %add3A_1228 = arith.addf %add3A_1226, %mul3A_1227 : vector<16xf32>
        %mul3A_1229 = arith.mulf %add3A_1223, %add3A_1223 : vector<16xf32>
        %add3A_1230 = arith.addf %add3A_1228, %mul3A_1229 : vector<16xf32>
        %lt3A_1231 = arith.constant 0 : i32
        %lt3A_1232 = vector.broadcast %lt3A_1231 : i32 to vector<16xi32>
        %lt3A_1233 = arith.cmpi slt, %xor3A_228, %lt3A_1232 : vector<16xi32>
        %add3A_1234 = arith.constant 16 : i32
        %add3A_1235 = vector.broadcast %add3A_1234 : i32 to vector<16xi32>
        %add3A_1236 = arith.addi %xor3A_228, %add3A_1235 : vector<16xi32>
        %select_n3A_1237 = arith.select %lt3A_1233, %add3A_1236, %xor3A_228 : vector<16xi1>, vector<16xi32>
        %broadcast_in_dim3A_1238 = vector.shape_cast %select_n3A_1237 : vector<16xi32> to vector<16x1xi32>
        %gather3A_1239 = vector.shape_cast %broadcast_in_dim3A_1238 : vector<16x1xi32> to vector<16xi32>
        %gather3A_1240 = tpu.dynamic_gather %add3A_1230[%gather3A_1239] in [0] : vector<16xf32>, vector<16xi32> -> vector<16xf32>
        %add3A_1241 = arith.addf %add3A_1230, %gather3A_1240 : vector<16xf32>
        %lt3A_1242 = arith.constant 0 : i32
        %lt3A_1243 = vector.broadcast %lt3A_1242 : i32 to vector<16xi32>
        %lt3A_1244 = arith.cmpi slt, %xor3A_231, %lt3A_1243 : vector<16xi32>
        %add3A_1245 = arith.constant 16 : i32
        %add3A_1246 = vector.broadcast %add3A_1245 : i32 to vector<16xi32>
        %add3A_1247 = arith.addi %xor3A_231, %add3A_1246 : vector<16xi32>
        %select_n3A_1248 = arith.select %lt3A_1244, %add3A_1247, %xor3A_231 : vector<16xi1>, vector<16xi32>
        %broadcast_in_dim3A_1249 = vector.shape_cast %select_n3A_1248 : vector<16xi32> to vector<16x1xi32>
        %gather3A_1250 = vector.shape_cast %broadcast_in_dim3A_1249 : vector<16x1xi32> to vector<16xi32>
        %gather3A_1251 = tpu.dynamic_gather %add3A_1241[%gather3A_1250] in [0] : vector<16xf32>, vector<16xi32> -> vector<16xf32>
        %add3A_1252 = arith.addf %add3A_1241, %gather3A_1251 : vector<16xf32>
        %lt3A_1253 = arith.constant 0 : i32
        %lt3A_1254 = vector.broadcast %lt3A_1253 : i32 to vector<16xi32>
        %lt3A_1255 = arith.cmpi slt, %xor3A_234, %lt3A_1254 : vector<16xi32>
        %add3A_1256 = arith.constant 16 : i32
        %add3A_1257 = vector.broadcast %add3A_1256 : i32 to vector<16xi32>
        %add3A_1258 = arith.addi %xor3A_234, %add3A_1257 : vector<16xi32>
        %select_n3A_1259 = arith.select %lt3A_1255, %add3A_1258, %xor3A_234 : vector<16xi1>, vector<16xi32>
        %broadcast_in_dim3A_1260 = vector.shape_cast %select_n3A_1259 : vector<16xi32> to vector<16x1xi32>
        %gather3A_1261 = vector.shape_cast %broadcast_in_dim3A_1260 : vector<16x1xi32> to vector<16xi32>
        %gather3A_1262 = tpu.dynamic_gather %add3A_1252[%gather3A_1261] in [0] : vector<16xf32>, vector<16xi32> -> vector<16xf32>
        %add3A_1263 = arith.addf %add3A_1252, %gather3A_1262 : vector<16xf32>
        %lt3A_1264 = arith.constant 0 : i32
        %lt3A_1265 = vector.broadcast %lt3A_1264 : i32 to vector<16xi32>
        %lt3A_1266 = arith.cmpi slt, %xor3A_237, %lt3A_1265 : vector<16xi32>
        %add3A_1267 = arith.constant 16 : i32
        %add3A_1268 = vector.broadcast %add3A_1267 : i32 to vector<16xi32>
        %add3A_1269 = arith.addi %xor3A_237, %add3A_1268 : vector<16xi32>
        %select_n3A_1270 = arith.select %lt3A_1266, %add3A_1269, %xor3A_237 : vector<16xi1>, vector<16xi32>
        %broadcast_in_dim3A_1271 = vector.shape_cast %select_n3A_1270 : vector<16xi32> to vector<16x1xi32>
        %gather3A_1272 = vector.shape_cast %broadcast_in_dim3A_1271 : vector<16x1xi32> to vector<16xi32>
        %gather3A_1273 = tpu.dynamic_gather %add3A_1263[%gather3A_1272] in [0] : vector<16xf32>, vector<16xi32> -> vector<16xf32>
        %add3A_1274 = arith.addf %add3A_1263, %gather3A_1273 : vector<16xf32>
        %max3A_1275 = arith.constant 1.000000e-24 : f32
        %max3A_1276 = vector.broadcast %max3A_1275 : f32 to vector<16xf32>
        %max3A_1277 = arith.maximumf %add3A_1274, %max3A_1276 : vector<16xf32>
        %bitcast_convert_type3A = tpu.bitcast %max3A_1277 : vector<16xf32> -> vector<16xi32>
        %shift_right_logical3A = arith.constant 1 : i32
        %shift_right_logical3A_1278 = vector.broadcast %shift_right_logical3A : i32 to vector<16xi32>
        %shift_right_logical3A_1279 = arith.shrui %bitcast_convert_type3A, %shift_right_logical3A_1278 : vector<16xi32>
        %sub3A_1280 = arith.constant 1597463007 : i32
        %sub3A_1281 = vector.broadcast %sub3A_1280 : i32 to vector<16xi32>
        %sub3A_1282 = arith.subi %sub3A_1281, %shift_right_logical3A_1279 : vector<16xi32>
        %bitcast_convert_type3A_1283 = tpu.bitcast %sub3A_1282 : vector<16xi32> -> vector<16xf32>
        %mul3A_1284 = arith.constant 5.000000e-01 : f32
        %mul3A_1285 = vector.broadcast %mul3A_1284 : f32 to vector<16xf32>
        %mul3A_1286 = arith.mulf %mul3A_1285, %max3A_1277 : vector<16xf32>
        %mul3A_1287 = arith.mulf %mul3A_1286, %bitcast_convert_type3A_1283 : vector<16xf32>
        %mul3A_1288 = arith.mulf %mul3A_1287, %bitcast_convert_type3A_1283 : vector<16xf32>
        %sub3A_1289 = arith.constant 1.500000e+00 : f32
        %sub3A_1290 = vector.broadcast %sub3A_1289 : f32 to vector<16xf32>
        %sub3A_1291 = arith.subf %sub3A_1290, %mul3A_1288 : vector<16xf32>
        %mul3A_1292 = arith.mulf %bitcast_convert_type3A_1283, %sub3A_1291 : vector<16xf32>
        %mul3A_1293 = arith.constant 5.000000e-01 : f32
        %mul3A_1294 = vector.broadcast %mul3A_1293 : f32 to vector<16xf32>
        %mul3A_1295 = arith.mulf %mul3A_1294, %max3A_1277 : vector<16xf32>
        %mul3A_1296 = arith.mulf %mul3A_1295, %mul3A_1292 : vector<16xf32>
        %mul3A_1297 = arith.mulf %mul3A_1296, %mul3A_1292 : vector<16xf32>
        %sub3A_1298 = arith.constant 1.500000e+00 : f32
        %sub3A_1299 = vector.broadcast %sub3A_1298 : f32 to vector<16xf32>
        %sub3A_1300 = arith.subf %sub3A_1299, %mul3A_1297 : vector<16xf32>
        %mul3A_1301 = arith.mulf %mul3A_1292, %sub3A_1300 : vector<16xf32>
        %mul3A_1302 = arith.constant 5.000000e-01 : f32
        %mul3A_1303 = vector.broadcast %mul3A_1302 : f32 to vector<16xf32>
        %mul3A_1304 = arith.mulf %mul3A_1303, %max3A_1277 : vector<16xf32>
        %mul3A_1305 = arith.mulf %mul3A_1304, %mul3A_1301 : vector<16xf32>
        %mul3A_1306 = arith.mulf %mul3A_1305, %mul3A_1301 : vector<16xf32>
        %sub3A_1307 = arith.constant 1.500000e+00 : f32
        %sub3A_1308 = vector.broadcast %sub3A_1307 : f32 to vector<16xf32>
        %sub3A_1309 = arith.subf %sub3A_1308, %mul3A_1306 : vector<16xf32>
        %mul3A_1310 = arith.mulf %mul3A_1301, %sub3A_1309 : vector<16xf32>
        %mul3A_1311 = arith.mulf %add3A_1199, %mul3A_1310 : vector<16xf32>
        %swap3A = arith.constant 0 : i32
        %swap3A_1312 = arith.index_cast %swap3A : i32 to index
        %swap3A_1313 = arith.index_cast %scan3A_411 : i32 to index
        %swap3A_1314 = arith.constant 0 : index
        %swap3A_1315 = tpu.vector_load %arg16[%swap3A_1312, %swap3A_1313, %swap3A_1314] {strides = array<i32>} : memref<2x16x128xf32, #tpu.memory_space<vmem>>, vector<1x1x16xf32>,
        %swap3A_1316 = vector.shape_cast %swap3A_1315 : vector<1x1x16xf32> to vector<16xf32>
        %swap3A_1317 = vector.shape_cast %mul3A_1311 : vector<16xf32> to vector<1x1x16xf32>
        tpu.vector_store %arg16[%swap3A_1312, %swap3A_1313, %swap3A_1314], %swap3A_1317 {strides = array<i32>} : memref<2x16x128xf32, #tpu.memory_space<vmem>>, vector<1x1x16xf32>,
        %mul3A_1318 = arith.mulf %add3A_1207, %mul3A_1310 : vector<16xf32>
        %swap3A_1319 = arith.constant 0 : i32
        %swap3A_1320 = arith.index_cast %swap3A_1319 : i32 to index
        %swap3A_1321 = arith.index_cast %scan3A_411 : i32 to index
        %swap3A_1322 = arith.constant 16 : index
        %swap3A_1323 = tpu.vector_load %arg16[%swap3A_1320, %swap3A_1321, %swap3A_1322] {strides = array<i32>} : memref<2x16x128xf32, #tpu.memory_space<vmem>>, vector<1x1x16xf32>,
        %swap3A_1324 = vector.shape_cast %swap3A_1323 : vector<1x1x16xf32> to vector<16xf32>
        %swap3A_1325 = vector.shape_cast %mul3A_1318 : vector<16xf32> to vector<1x1x16xf32>
        tpu.vector_store %arg16[%swap3A_1320, %swap3A_1321, %swap3A_1322], %swap3A_1325 {strides = array<i32>} : memref<2x16x128xf32, #tpu.memory_space<vmem>>, vector<1x1x16xf32>,
        %mul3A_1326 = arith.mulf %add3A_1215, %mul3A_1310 : vector<16xf32>
        %swap3A_1327 = arith.constant 0 : i32
        %swap3A_1328 = arith.index_cast %swap3A_1327 : i32 to index
        %swap3A_1329 = arith.index_cast %scan3A_411 : i32 to index
        %swap3A_1330 = arith.constant 32 : index
        %swap3A_1331 = tpu.vector_load %arg16[%swap3A_1328, %swap3A_1329, %swap3A_1330] {strides = array<i32>} : memref<2x16x128xf32, #tpu.memory_space<vmem>>, vector<1x1x16xf32>,
        %swap3A_1332 = vector.shape_cast %swap3A_1331 : vector<1x1x16xf32> to vector<16xf32>
        %swap3A_1333 = vector.shape_cast %mul3A_1326 : vector<16xf32> to vector<1x1x16xf32>
        tpu.vector_store %arg16[%swap3A_1328, %swap3A_1329, %swap3A_1330], %swap3A_1333 {strides = array<i32>} : memref<2x16x128xf32, #tpu.memory_space<vmem>>, vector<1x1x16xf32>,
        %mul3A_1334 = arith.mulf %add3A_1223, %mul3A_1310 : vector<16xf32>
        %swap3A_1335 = arith.constant 0 : i32
        %swap3A_1336 = arith.index_cast %swap3A_1335 : i32 to index
        %swap3A_1337 = arith.index_cast %scan3A_411 : i32 to index
        %swap3A_1338 = arith.constant 48 : index
        %swap3A_1339 = tpu.vector_load %arg16[%swap3A_1336, %swap3A_1337, %swap3A_1338] {strides = array<i32>} : memref<2x16x128xf32, #tpu.memory_space<vmem>>, vector<1x1x16xf32>,
        %swap3A_1340 = vector.shape_cast %swap3A_1339 : vector<1x1x16xf32> to vector<16xf32>
        %swap3A_1341 = vector.shape_cast %mul3A_1334 : vector<16xf32> to vector<1x1x16xf32>
        tpu.vector_store %arg16[%swap3A_1336, %swap3A_1337, %swap3A_1338], %swap3A_1341 {strides = array<i32>} : memref<2x16x128xf32, #tpu.memory_space<vmem>>, vector<1x1x16xf32>,
      }
      %scan3A_274 = arith.constant 16 : i32
      %dma_start3A_275 = arith.constant 0 : i32
      %dma_start3A_276 = arith.constant 0 : i32
      %dma_start3A_277 = arith.constant 0 : i32
      %dma_start3A_278 = tpu.memref_slice %arg16[%dma_start3A_275, %dma_start3A_276, %dma_start3A_277] : memref<2x16x128xf32, #tpu.memory_space<vmem>> -> memref<1x16x128xf32, #tpu.memory_space<vmem>>
      %dma_start3A_279 = tpu.memref_squeeze %dma_start3A_278 : memref<1x16x128xf32, #tpu.memory_space<vmem>> -> memref<16x128xf32, #tpu.memory_space<vmem>>
      %dma_start3A_280 = arith.constant 0 : i32
      %dma_start3A_281 = tpu.memref_slice %arg8[%add3A_183, %dma_start3A_280] : memref<51200x128xf32, #tpu.memory_space<hbm>> -> memref<16x128xf32, #tpu.memory_space<hbm>>
      %dma_start3A_282 = arith.constant 0 : i32
      %dma_start3A_283 = tpu.memref_slice %arg8[%add3A_183, %dma_start3A_282] : memref<51200x128xf32, #tpu.memory_space<hbm>> -> memref<16x128xf32, #tpu.memory_space<hbm>>
      %dma_start3A_284 = arith.constant 0 : i32
      %dma_start3A_285 = arith.constant 0 : i32
      %dma_start3A_286 = tpu.memref_slice %arg16[%dma_start3A_275, %dma_start3A_284, %dma_start3A_285] : memref<2x16x128xf32, #tpu.memory_space<vmem>> -> memref<1x16x128xf32, #tpu.memory_space<vmem>>
      %dma_start3A_287 = tpu.memref_squeeze %dma_start3A_286 : memref<1x16x128xf32, #tpu.memory_space<vmem>> -> memref<16x128xf32, #tpu.memory_space<vmem>>
      tpu.enqueue_dma source(%dma_start3A_287 : memref<16x128xf32, #tpu.memory_space<vmem>>) target(%dma_start3A_283 : memref<16x128xf32, #tpu.memory_space<hbm>>) target_semaphore(%arg19 : memref<!tpu.dma_semaphore, #tpu.memory_space<semaphore_mem>>)
      %add3A_288 = arith.constant 2 : i32
      %add3A_289 = arith.addi %mul3A_135, %add3A_288 : i32
      %lt3A = arith.constant 100 : i32
      %lt3A_290 = arith.cmpi slt, %add3A_289, %lt3A : i32
      %convert_element_type3A_291 = arith.extui %lt3A_290 : i1 to i32
      %cond3A_292 = arith.constant 0 : i32
      %cond3A_293 = arith.cmpi ne, %convert_element_type3A_291, %cond3A_292 : i32
      scf.if %cond3A_293 {
        %add3A_411 = arith.constant 2 : i32
        %add3A_412 = arith.addi %mul3A_135, %add3A_411 : i32
        %mul3A_413 = arith.constant 16 : i32
        %mul3A_414 = arith.muli %add3A_412, %mul3A_413 : i32
        %dma_start3A_415 = arith.constant 0 : i32
        %dma_start3A_416 = arith.constant 0 : i32
        %dma_start3A_417 = arith.constant 0 : i32
        %dma_start3A_418 = tpu.memref_slice %arg14[%dma_start3A_415, %dma_start3A_416, %dma_start3A_417] : memref<2x16x128xf32, #tpu.memory_space<vmem>> -> memref<1x16x128xf32, #tpu.memory_space<vmem>>
        %dma_start3A_419 = tpu.memref_squeeze %dma_start3A_418 : memref<1x16x128xf32, #tpu.memory_space<vmem>> -> memref<16x128xf32, #tpu.memory_space<vmem>>
        %dma_start3A_420 = tpu.memref_slice %arg9[%mul3A_414] : memref<1600xi32, #tpu.memory_space<vmem>> -> memref<16xi32, #tpu.memory_space<vmem>>
        %dma_start3A_421 = arith.constant 0 : i32
        %dma_start3A_422 = arith.constant 0 : i32
        %dma_start3A_423 = tpu.memref_slice %arg5[%dma_start3A_421, %dma_start3A_422] : memref<1000000x128xf32, #tpu.memory_space<hbm>> -> memref<1000000x128xf32, #tpu.memory_space<hbm>>
        tpu.enqueue_indirect_dma source(%dma_start3A_423 : memref<1000000x128xf32, #tpu.memory_space<hbm>>) target(%dma_start3A_419 : memref<16x128xf32, #tpu.memory_space<vmem>>) offsets(%dma_start3A_420 : memref<16xi32, #tpu.memory_space<vmem>>) semaphore(%arg17 : memref<!tpu.dma_semaphore, #tpu.memory_space<semaphore_mem>>)
        %mul3A_424 = arith.constant 2 : i32
        %mul3A_425 = arith.muli %add3A_412, %mul3A_424 : i32
        %add3A_426 = arith.constant 0 : i32
        %add3A_427 = arith.addi %mul3A_425, %add3A_426 : i32
        %dma_start3A_428 = arith.constant 0 : i32
        %dma_start3A_429 = arith.constant 0 : i32
        %dma_start3A_430 = arith.constant 0 : i32
        %dma_start3A_431 = tpu.memref_slice %arg15[%dma_start3A_428, %dma_start3A_429, %dma_start3A_430] : memref<2x256x128xf32, #tpu.memory_space<vmem>> -> memref<1x128x128xf32, #tpu.memory_space<vmem>>
        %dma_start3A_432 = tpu.memref_squeeze %dma_start3A_431 : memref<1x128x128xf32, #tpu.memory_space<vmem>> -> memref<128x128xf32, #tpu.memory_space<vmem>>
        %dma_start3A_433 = arith.constant 0 : i32
        %dma_start3A_434 = tpu.memref_slice %arg10[%add3A_427, %dma_start3A_433] : memref<200x128xi32, #tpu.memory_space<vmem>> -> memref<1x128xi32, #tpu.memory_space<vmem>>
        %dma_start3A_435 = tpu.memref_squeeze %dma_start3A_434 : memref<1x128xi32, #tpu.memory_space<vmem>> -> memref<128xi32, #tpu.memory_space<vmem>>
        %dma_start3A_436 = arith.constant 0 : i32
        %dma_start3A_437 = arith.constant 0 : i32
        %dma_start3A_438 = tpu.memref_slice %arg5[%dma_start3A_436, %dma_start3A_437] : memref<1000000x128xf32, #tpu.memory_space<hbm>> -> memref<1000000x128xf32, #tpu.memory_space<hbm>>
        tpu.enqueue_indirect_dma source(%dma_start3A_438 : memref<1000000x128xf32, #tpu.memory_space<hbm>>) target(%dma_start3A_432 : memref<128x128xf32, #tpu.memory_space<vmem>>) offsets(%dma_start3A_435 : memref<128xi32, #tpu.memory_space<vmem>>) semaphore(%arg17 : memref<!tpu.dma_semaphore, #tpu.memory_space<semaphore_mem>>)
        %mul3A_439 = arith.constant 2 : i32
        %mul3A_440 = arith.muli %add3A_412, %mul3A_439 : i32
        %add3A_441 = arith.constant 1 : i32
        %add3A_442 = arith.addi %mul3A_440, %add3A_441 : i32
        %dma_start3A_443 = arith.constant 0 : i32
        %dma_start3A_444 = arith.constant 128 : i32
        %dma_start3A_445 = arith.constant 0 : i32
        %dma_start3A_446 = tpu.memref_slice %arg15[%dma_start3A_443, %dma_start3A_444, %dma_start3A_445] : memref<2x256x128xf32, #tpu.memory_space<vmem>> -> memref<1x128x128xf32, #tpu.memory_space<vmem>>
        %dma_start3A_447 = tpu.memref_squeeze %dma_start3A_446 : memref<1x128x128xf32, #tpu.memory_space<vmem>> -> memref<128x128xf32, #tpu.memory_space<vmem>>
        %dma_start3A_448 = arith.constant 0 : i32
        %dma_start3A_449 = tpu.memref_slice %arg10[%add3A_442, %dma_start3A_448] : memref<200x128xi32, #tpu.memory_space<vmem>> -> memref<1x128xi32, #tpu.memory_space<vmem>>
        %dma_start3A_450 = tpu.memref_squeeze %dma_start3A_449 : memref<1x128xi32, #tpu.memory_space<vmem>> -> memref<128xi32, #tpu.memory_space<vmem>>
        %dma_start3A_451 = arith.constant 0 : i32
        %dma_start3A_452 = arith.constant 0 : i32
        %dma_start3A_453 = tpu.memref_slice %arg5[%dma_start3A_451, %dma_start3A_452] : memref<1000000x128xf32, #tpu.memory_space<hbm>> -> memref<1000000x128xf32, #tpu.memory_space<hbm>>
        tpu.enqueue_indirect_dma source(%dma_start3A_453 : memref<1000000x128xf32, #tpu.memory_space<hbm>>) target(%dma_start3A_447 : memref<128x128xf32, #tpu.memory_space<vmem>>) offsets(%dma_start3A_450 : memref<128xi32, #tpu.memory_space<vmem>>) semaphore(%arg17 : memref<!tpu.dma_semaphore, #tpu.memory_space<semaphore_mem>>)
      } else {
      }
      %add3A_294 = arith.constant 1 : i32
      %add3A_295 = arith.addi %mul3A_135, %add3A_294 : i32
      %mul3A_296 = arith.constant 1600 : i32
      %mul3A_297 = arith.muli %add3A, %mul3A_296 : i32
      %mul3A_298 = arith.constant 16 : i32
      %mul3A_299 = arith.muli %add3A_295, %mul3A_298 : i32
      %add3A_300 = arith.addi %mul3A_297, %mul3A_299 : i32
      %mul3A_301 = arith.constant 16 : i32
      %mul3A_302 = arith.muli %add3A_295, %mul3A_301 : i32
      %dma_wait3A_303 = arith.constant 1 : i32
      %dma_wait3A_304 = arith.constant 0 : i32
      %dma_wait3A_305 = arith.constant 0 : i32
      %dma_wait3A_306 = tpu.memref_slice %arg14[%dma_wait3A_303, %dma_wait3A_304, %dma_wait3A_305] : memref<2x16x128xf32, #tpu.memory_space<vmem>> -> memref<1x16x128xf32, #tpu.memory_space<vmem>>
      %dma_wait3A_307 = tpu.memref_squeeze %dma_wait3A_306 : memref<1x16x128xf32, #tpu.memory_space<vmem>> -> memref<16x128xf32, #tpu.memory_space<vmem>>
      %dma_wait3A_308 = tpu.memref_slice %arg9[%mul3A_302] : memref<1600xi32, #tpu.memory_space<vmem>> -> memref<16xi32, #tpu.memory_space<vmem>>
      %dma_wait3A_309 = arith.constant 0 : i32
      %dma_wait3A_310 = arith.constant 0 : i32
      %dma_wait3A_311 = tpu.memref_slice %arg5[%dma_wait3A_309, %dma_wait3A_310] : memref<1000000x128xf32, #tpu.memory_space<hbm>> -> memref<1000000x128xf32, #tpu.memory_space<hbm>>
      tpu.wait_indirect_dma semaphore(%arg18 : memref<!tpu.dma_semaphore, #tpu.memory_space<semaphore_mem>>) src(%dma_wait3A_311 : memref<1000000x128xf32, #tpu.memory_space<hbm>>) dst(%dma_wait3A_307 : memref<16x128xf32, #tpu.memory_space<vmem>>)
      %mul3A_312 = arith.constant 2 : i32
      %mul3A_313 = arith.muli %add3A_295, %mul3A_312 : i32
      %add3A_314 = arith.constant 0 : i32
      %add3A_315 = arith.addi %mul3A_313, %add3A_314 : i32
      %dma_wait3A_316 = arith.constant 1 : i32
      %dma_wait3A_317 = arith.constant 0 : i32
      %dma_wait3A_318 = arith.constant 0 : i32
      %dma_wait3A_319 = tpu.memref_slice %arg15[%dma_wait3A_316, %dma_wait3A_317, %dma_wait3A_318] : memref<2x256x128xf32, #tpu.memory_space<vmem>> -> memref<1x128x128xf32, #tpu.memory_space<vmem>>
      %dma_wait3A_320 = tpu.memref_squeeze %dma_wait3A_319 : memref<1x128x128xf32, #tpu.memory_space<vmem>> -> memref<128x128xf32, #tpu.memory_space<vmem>>
      %dma_wait3A_321 = arith.constant 0 : i32
      %dma_wait3A_322 = tpu.memref_slice %arg10[%add3A_315, %dma_wait3A_321] : memref<200x128xi32, #tpu.memory_space<vmem>> -> memref<1x128xi32, #tpu.memory_space<vmem>>
      %dma_wait3A_323 = tpu.memref_squeeze %dma_wait3A_322 : memref<1x128xi32, #tpu.memory_space<vmem>> -> memref<128xi32, #tpu.memory_space<vmem>>
      %dma_wait3A_324 = arith.constant 0 : i32
      %dma_wait3A_325 = arith.constant 0 : i32
      %dma_wait3A_326 = tpu.memref_slice %arg5[%dma_wait3A_324, %dma_wait3A_325] : memref<1000000x128xf32, #tpu.memory_space<hbm>> -> memref<1000000x128xf32, #tpu.memory_space<hbm>>
      tpu.wait_indirect_dma semaphore(%arg18 : memref<!tpu.dma_semaphore, #tpu.memory_space<semaphore_mem>>) src(%dma_wait3A_326 : memref<1000000x128xf32, #tpu.memory_space<hbm>>) dst(%dma_wait3A_320 : memref<128x128xf32, #tpu.memory_space<vmem>>)
      %mul3A_327 = arith.constant 2 : i32
      %mul3A_328 = arith.muli %add3A_295, %mul3A_327 : i32
      %add3A_329 = arith.constant 1 : i32
      %add3A_330 = arith.addi %mul3A_328, %add3A_329 : i32
      %dma_wait3A_331 = arith.constant 1 : i32
      %dma_wait3A_332 = arith.constant 128 : i32
      %dma_wait3A_333 = arith.constant 0 : i32
      %dma_wait3A_334 = tpu.memref_slice %arg15[%dma_wait3A_331, %dma_wait3A_332, %dma_wait3A_333] : memref<2x256x128xf32, #tpu.memory_space<vmem>> -> memref<1x128x128xf32, #tpu.memory_space<vmem>>
      %dma_wait3A_335 = tpu.memref_squeeze %dma_wait3A_334 : memref<1x128x128xf32, #tpu.memory_space<vmem>> -> memref<128x128xf32, #tpu.memory_space<vmem>>
      %dma_wait3A_336 = arith.constant 0 : i32
      %dma_wait3A_337 = tpu.memref_slice %arg10[%add3A_330, %dma_wait3A_336] : memref<200x128xi32, #tpu.memory_space<vmem>> -> memref<1x128xi32, #tpu.memory_space<vmem>>
      %dma_wait3A_338 = tpu.memref_squeeze %dma_wait3A_337 : memref<1x128xi32, #tpu.memory_space<vmem>> -> memref<128xi32, #tpu.memory_space<vmem>>
      %dma_wait3A_339 = arith.constant 0 : i32
      %dma_wait3A_340 = arith.constant 0 : i32
      %dma_wait3A_341 = tpu.memref_slice %arg5[%dma_wait3A_339, %dma_wait3A_340] : memref<1000000x128xf32, #tpu.memory_space<hbm>> -> memref<1000000x128xf32, #tpu.memory_space<hbm>>
      tpu.wait_indirect_dma semaphore(%arg18 : memref<!tpu.dma_semaphore, #tpu.memory_space<semaphore_mem>>) src(%dma_wait3A_341 : memref<1000000x128xf32, #tpu.memory_space<hbm>>) dst(%dma_wait3A_335 : memref<128x128xf32, #tpu.memory_space<vmem>>)
      %ge3A_342 = arith.constant 2 : i32
      %ge3A_343 = arith.cmpi sge, %add3A_295, %ge3A_342 : i32
      %convert_element_type3A_344 = arith.extui %ge3A_343 : i1 to i32
      %cond3A_345 = arith.constant 0 : i32
      %cond3A_346 = arith.cmpi ne, %convert_element_type3A_344, %cond3A_345 : i32
      scf.if %cond3A_346 {
        %dma_wait3A_411 = arith.constant 1 : i32
        %dma_wait3A_412 = arith.constant 0 : i32
        %dma_wait3A_413 = arith.constant 0 : i32
        %dma_wait3A_414 = tpu.memref_slice %arg16[%dma_wait3A_411, %dma_wait3A_412, %dma_wait3A_413] : memref<2x16x128xf32, #tpu.memory_space<vmem>> -> memref<1x16x128xf32, #tpu.memory_space<vmem>>
        %dma_wait3A_415 = tpu.memref_squeeze %dma_wait3A_414 : memref<1x16x128xf32, #tpu.memory_space<vmem>> -> memref<16x128xf32, #tpu.memory_space<vmem>>
        %dma_wait3A_416 = arith.constant 0 : i32
        %dma_wait3A_417 = arith.constant 0 : i32
        %dma_wait3A_418 = tpu.memref_slice %arg8[%dma_wait3A_416, %dma_wait3A_417] : memref<51200x128xf32, #tpu.memory_space<hbm>> -> memref<16x128xf32, #tpu.memory_space<hbm>>
        %dma_wait3A_419 = arith.constant 0 : i32
        %dma_wait3A_420 = arith.constant 0 : i32
        %dma_wait3A_421 = tpu.memref_slice %arg8[%dma_wait3A_419, %dma_wait3A_420] : memref<51200x128xf32, #tpu.memory_space<hbm>> -> memref<16x128xf32, #tpu.memory_space<hbm>>
        %dma_wait3A_422 = arith.constant 0 : i32
        %dma_wait3A_423 = arith.constant 0 : i32
        %dma_wait3A_424 = tpu.memref_slice %arg16[%dma_wait3A_411, %dma_wait3A_422, %dma_wait3A_423] : memref<2x16x128xf32, #tpu.memory_space<vmem>> -> memref<1x16x128xf32, #tpu.memory_space<vmem>>
        %dma_wait3A_425 = tpu.memref_squeeze %dma_wait3A_424 : memref<1x16x128xf32, #tpu.memory_space<vmem>> -> memref<16x128xf32, #tpu.memory_space<vmem>>
        tpu.wait_dma2 semaphore(%arg20 : memref<!tpu.dma_semaphore, #tpu.memory_space<semaphore_mem>>) src(%dma_wait3A_425 : memref<16x128xf32, #tpu.memory_space<vmem>>) dst(%dma_wait3A_421 : memref<16x128xf32, #tpu.memory_space<hbm>>)
      } else {
      }
      %iota3A_347 = tpu.iota {dimensions = array<i32: 0>} : vector<16xi32>
      %xor3A_348 = arith.constant 8 : i32
      %xor3A_349 = vector.broadcast %xor3A_348 : i32 to vector<16xi32>
      %xor3A_350 = arith.xori %iota3A_347, %xor3A_349 : vector<16xi32>
      %xor3A_351 = arith.constant 4 : i32
      %xor3A_352 = vector.broadcast %xor3A_351 : i32 to vector<16xi32>
      %xor3A_353 = arith.xori %iota3A_347, %xor3A_352 : vector<16xi32>
      %xor3A_354 = arith.constant 2 : i32
      %xor3A_355 = vector.broadcast %xor3A_354 : i32 to vector<16xi32>
      %xor3A_356 = arith.xori %iota3A_347, %xor3A_355 : vector<16xi32>
      %xor3A_357 = arith.constant 1 : i32
      %xor3A_358 = vector.broadcast %xor3A_357 : i32 to vector<16xi32>
      %xor3A_359 = arith.xori %iota3A_347, %xor3A_358 : vector<16xi32>
      %broadcast_in_dim3A_360 = arith.constant 0 : i32
      %broadcast_in_dim3A_361 = vector.broadcast %broadcast_in_dim3A_360 : i32 to vector<16xi32>
      %broadcast_in_dim3A_362 = arith.constant 1 : i32
      %broadcast_in_dim3A_363 = vector.broadcast %broadcast_in_dim3A_362 : i32 to vector<16xi32>
      %broadcast_in_dim3A_364 = arith.constant 2 : i32
      %broadcast_in_dim3A_365 = vector.broadcast %broadcast_in_dim3A_364 : i32 to vector<16xi32>
      %broadcast_in_dim3A_366 = arith.constant 3 : i32
      %broadcast_in_dim3A_367 = vector.broadcast %broadcast_in_dim3A_366 : i32 to vector<16xi32>
      %broadcast_in_dim3A_368 = arith.constant 4 : i32
      %broadcast_in_dim3A_369 = vector.broadcast %broadcast_in_dim3A_368 : i32 to vector<16xi32>
      %broadcast_in_dim3A_370 = arith.constant 5 : i32
      %broadcast_in_dim3A_371 = vector.broadcast %broadcast_in_dim3A_370 : i32 to vector<16xi32>
      %broadcast_in_dim3A_372 = arith.constant 6 : i32
      %broadcast_in_dim3A_373 = vector.broadcast %broadcast_in_dim3A_372 : i32 to vector<16xi32>
      %broadcast_in_dim3A_374 = arith.constant 7 : i32
      %broadcast_in_dim3A_375 = vector.broadcast %broadcast_in_dim3A_374 : i32 to vector<16xi32>
      %broadcast_in_dim3A_376 = arith.constant 8 : i32
      %broadcast_in_dim3A_377 = vector.broadcast %broadcast_in_dim3A_376 : i32 to vector<16xi32>
      %broadcast_in_dim3A_378 = arith.constant 9 : i32
      %broadcast_in_dim3A_379 = vector.broadcast %broadcast_in_dim3A_378 : i32 to vector<16xi32>
      %broadcast_in_dim3A_380 = arith.constant 10 : i32
      %broadcast_in_dim3A_381 = vector.broadcast %broadcast_in_dim3A_380 : i32 to vector<16xi32>
      %broadcast_in_dim3A_382 = arith.constant 11 : i32
      %broadcast_in_dim3A_383 = vector.broadcast %broadcast_in_dim3A_382 : i32 to vector<16xi32>
      %broadcast_in_dim3A_384 = arith.constant 12 : i32
      %broadcast_in_dim3A_385 = vector.broadcast %broadcast_in_dim3A_384 : i32 to vector<16xi32>
      %broadcast_in_dim3A_386 = arith.constant 13 : i32
      %broadcast_in_dim3A_387 = vector.broadcast %broadcast_in_dim3A_386 : i32 to vector<16xi32>
      %broadcast_in_dim3A_388 = arith.constant 14 : i32
      %broadcast_in_dim3A_389 = vector.broadcast %broadcast_in_dim3A_388 : i32 to vector<16xi32>
      %broadcast_in_dim3A_390 = arith.constant 15 : i32
      %broadcast_in_dim3A_391 = vector.broadcast %broadcast_in_dim3A_390 : i32 to vector<16xi32>
      %scan3A_392 = arith.constant 0 : i32
      %scan3A_393 = arith.constant 0 : i32
      %scan3A_394 = arith.constant 16 : i32
      %scan3A_395 = arith.addi %scan3A_393, %scan3A_394 : i32
      %scan3A_396 = arith.constant 1 : i32
      scf.for %scan3A_411 = %scan3A_393 to %scan3A_395 step %scan3A_396  : i32 {
        %jit3A = arith.constant 8 : i32
        %div3A_412 = arith.divsi %scan3A_411, %jit3A : i32
        %sign3A = arith.constant 0 : i32
        %sign3A_413 = arith.cmpi sgt, %scan3A_411, %sign3A : i32
        %sign3A_414 = arith.extui %sign3A_413 : i1 to i32
        %sign3A_415 = arith.constant 0 : i32
        %sign3A_416 = arith.cmpi slt, %scan3A_411, %sign3A_415 : i32
        %sign3A_417 = arith.extui %sign3A_416 : i1 to i32
        %sign3A_418 = arith.subi %sign3A_414, %sign3A_417 : i32
        %sign3A_419 = arith.constant 0 : i32
        %sign3A_420 = arith.cmpi sgt, %jit3A, %sign3A_419 : i32
        %sign3A_421 = arith.extui %sign3A_420 : i1 to i32
        %sign3A_422 = arith.constant 0 : i32
        %sign3A_423 = arith.cmpi slt, %jit3A, %sign3A_422 : i32
        %sign3A_424 = arith.extui %sign3A_423 : i1 to i32
        %sign3A_425 = arith.subi %sign3A_421, %sign3A_424 : i32
        %ne3A = arith.cmpi ne, %sign3A_418, %sign3A_425 : i32
        %rem3A = arith.remsi %scan3A_411, %jit3A : i32
        %ne3A_426 = arith.constant 0 : i32
        %ne3A_427 = arith.cmpi ne, %rem3A, %ne3A_426 : i32
        %and3A = arith.andi %ne3A, %ne3A_427 : i1
        %sub3A_428 = arith.constant 1 : i32
        %sub3A_429 = arith.subi %div3A_412, %sub3A_428 : i32
        %select_n3A = arith.select %and3A, %sub3A_429, %div3A_412 : i32
        %jit3A_430 = arith.constant 8 : i32
        %eq3A = arith.constant 0 : i32
        %eq3A_431 = arith.cmpi eq, %jit3A_430, %eq3A : i32
        %jit3A_432 = arith.constant 1 : i32
        %select_n3A_433 = arith.select %eq3A_431, %jit3A_432, %jit3A_430 : i32
        %rem3A_434 = arith.remsi %scan3A_411, %select_n3A_433 : i32
        %ne3A_435 = arith.constant 0 : i32
        %ne3A_436 = arith.cmpi ne, %rem3A_434, %ne3A_435 : i32
        %lt3A_437 = arith.constant 0 : i32
        %lt3A_438 = arith.cmpi slt, %rem3A_434, %lt3A_437 : i32
        %lt3A_439 = arith.constant 0 : i32
        %lt3A_440 = arith.cmpi slt, %select_n3A_433, %lt3A_439 : i32
        %ne3A_441 = arith.xori %lt3A_438, %lt3A_440 : i1
        %and3A_442 = arith.andi %ne3A_441, %ne3A_436 : i1
        %add3A_443 = arith.addi %rem3A_434, %select_n3A_433 : i32
        %select_n3A_444 = arith.select %and3A_442, %add3A_443, %rem3A_434 : i32
        %mul3A_445 = arith.constant 16 : i32
        %mul3A_446 = arith.muli %select_n3A_444, %mul3A_445 : i32
        %get3A_447 = arith.constant 1 : i32
        %get3A_448 = arith.index_cast %get3A_447 : i32 to index
        %get3A_449 = arith.index_cast %scan3A_411 : i32 to index
        %get3A_450 = arith.constant 0 : index
        %get3A_451 = tpu.vector_load %arg14[%get3A_448, %get3A_449, %get3A_450] {strides = array<i32>} : memref<2x16x128xf32, #tpu.memory_space<vmem>>, vector<1x1x16xf32>,
        %get3A_452 = vector.shape_cast %get3A_451 : vector<1x1x16xf32> to vector<16xf32>
        %get3A_453 = arith.constant 1 : i32
        %get3A_454 = arith.index_cast %get3A_453 : i32 to index
        %get3A_455 = arith.index_cast %scan3A_411 : i32 to index
        %get3A_456 = arith.constant 16 : index
        %get3A_457 = tpu.vector_load %arg14[%get3A_454, %get3A_455, %get3A_456] {strides = array<i32>} : memref<2x16x128xf32, #tpu.memory_space<vmem>>, vector<1x1x16xf32>,
        %get3A_458 = vector.shape_cast %get3A_457 : vector<1x1x16xf32> to vector<16xf32>
        %get3A_459 = arith.constant 1 : i32
        %get3A_460 = arith.index_cast %get3A_459 : i32 to index
        %get3A_461 = arith.index_cast %scan3A_411 : i32 to index
        %get3A_462 = arith.constant 32 : index
        %get3A_463 = tpu.vector_load %arg14[%get3A_460, %get3A_461, %get3A_462] {strides = array<i32>} : memref<2x16x128xf32, #tpu.memory_space<vmem>>, vector<1x1x16xf32>,
        %get3A_464 = vector.shape_cast %get3A_463 : vector<1x1x16xf32> to vector<16xf32>
        %get3A_465 = arith.constant 1 : i32
        %get3A_466 = arith.index_cast %get3A_465 : i32 to index
        %get3A_467 = arith.index_cast %scan3A_411 : i32 to index
        %get3A_468 = arith.constant 48 : index
        %get3A_469 = tpu.vector_load %arg14[%get3A_466, %get3A_467, %get3A_468] {strides = array<i32>} : memref<2x16x128xf32, #tpu.memory_space<vmem>>, vector<1x1x16xf32>,
        %get3A_470 = vector.shape_cast %get3A_469 : vector<1x1x16xf32> to vector<16xf32>
        %mul3A_471 = arith.constant 2 : i32
        %mul3A_472 = arith.muli %add3A_295, %mul3A_471 : i32
        %add3A_473 = arith.addi %mul3A_472, %select_n3A : i32
        %get3A_474 = arith.index_cast %add3A_473 : i32 to index
        %get3A_475 = arith.index_cast %mul3A_446 : i32 to index
        %get3A_476 = tpu.vector_load %arg11[%get3A_474, %get3A_475] {strides = array<i32>} : memref<200x128xi32, #tpu.memory_space<vmem>>, vector<1x16xi32>,
        %get3A_477 = vector.shape_cast %get3A_476 : vector<1x16xi32> to vector<16xi32>
        %eq3A_478 = arith.constant 0 : i32
        %eq3A_479 = vector.broadcast %eq3A_478 : i32 to vector<16xi32>
        %eq3A_480 = arith.cmpi eq, %get3A_477, %eq3A_479 : vector<16xi32>
        %eq3A_481 = arith.constant 1 : i32
        %eq3A_482 = vector.broadcast %eq3A_481 : i32 to vector<16xi32>
        %eq3A_483 = arith.cmpi eq, %get3A_477, %eq3A_482 : vector<16xi32>
        %broadcast_in_dim3A_484 = vector.broadcast %add3A_45 : f32 to vector<16xf32>
        %broadcast_in_dim3A_485 = vector.broadcast %add3A_59 : f32 to vector<16xf32>
        %select_n3A_486 = arith.select %eq3A_483, %broadcast_in_dim3A_484, %broadcast_in_dim3A_485 : vector<16xi1>, vector<16xf32>
        %broadcast_in_dim3A_487 = vector.broadcast %add3A_31 : f32 to vector<16xf32>
        %select_n3A_488 = arith.select %eq3A_480, %broadcast_in_dim3A_487, %select_n3A_486 : vector<16xi1>, vector<16xf32>
        %lt3A_489 = arith.constant 0 : i32
        %lt3A_490 = vector.broadcast %lt3A_489 : i32 to vector<16xi32>
        %lt3A_491 = arith.cmpi slt, %broadcast_in_dim3A_361, %lt3A_490 : vector<16xi32>
        %add3A_492 = arith.constant 16 : i32
        %add3A_493 = vector.broadcast %add3A_492 : i32 to vector<16xi32>
        %add3A_494 = arith.addi %broadcast_in_dim3A_361, %add3A_493 : vector<16xi32>
        %select_n3A_495 = arith.select %lt3A_491, %add3A_494, %broadcast_in_dim3A_361 : vector<16xi1>, vector<16xi32>
        %broadcast_in_dim3A_496 = vector.shape_cast %select_n3A_495 : vector<16xi32> to vector<16x1xi32>
        %gather3A = vector.shape_cast %broadcast_in_dim3A_496 : vector<16x1xi32> to vector<16xi32>
        %gather3A_497 = tpu.dynamic_gather %select_n3A_488[%gather3A] in [0] : vector<16xf32>, vector<16xi32> -> vector<16xf32>
        %mul3A_498 = arith.constant 16 : i32
        %mul3A_499 = arith.muli %scan3A_411, %mul3A_498 : i32
        %add3A_500 = arith.constant 0 : i32
        %add3A_501 = arith.addi %mul3A_499, %add3A_500 : i32
        %get3A_502 = arith.constant 1 : i32
        %get3A_503 = arith.index_cast %get3A_502 : i32 to index
        %get3A_504 = arith.index_cast %add3A_501 : i32 to index
        %get3A_505 = arith.constant 0 : index
        %get3A_506 = tpu.vector_load %arg15[%get3A_503, %get3A_504, %get3A_505] {strides = array<i32>} : memref<2x256x128xf32, #tpu.memory_space<vmem>>, vector<1x1x16xf32>,
        %get3A_507 = vector.shape_cast %get3A_506 : vector<1x1x16xf32> to vector<16xf32>
        %mul3A_508 = arith.mulf %gather3A_497, %get3A_507 : vector<16xf32>
        %add3A_509 = arith.addf %get3A_452, %mul3A_508 : vector<16xf32>
        %get3A_510 = arith.constant 1 : i32
        %get3A_511 = arith.index_cast %get3A_510 : i32 to index
        %get3A_512 = arith.index_cast %add3A_501 : i32 to index
        %get3A_513 = arith.constant 16 : index
        %get3A_514 = tpu.vector_load %arg15[%get3A_511, %get3A_512, %get3A_513] {strides = array<i32>} : memref<2x256x128xf32, #tpu.memory_space<vmem>>, vector<1x1x16xf32>,
        %get3A_515 = vector.shape_cast %get3A_514 : vector<1x1x16xf32> to vector<16xf32>
        %mul3A_516 = arith.mulf %gather3A_497, %get3A_515 : vector<16xf32>
        %add3A_517 = arith.addf %get3A_458, %mul3A_516 : vector<16xf32>
        %get3A_518 = arith.constant 1 : i32
        %get3A_519 = arith.index_cast %get3A_518 : i32 to index
        %get3A_520 = arith.index_cast %add3A_501 : i32 to index
        %get3A_521 = arith.constant 32 : index
        %get3A_522 = tpu.vector_load %arg15[%get3A_519, %get3A_520, %get3A_521] {strides = array<i32>} : memref<2x256x128xf32, #tpu.memory_space<vmem>>, vector<1x1x16xf32>,
        %get3A_523 = vector.shape_cast %get3A_522 : vector<1x1x16xf32> to vector<16xf32>
        %mul3A_524 = arith.mulf %gather3A_497, %get3A_523 : vector<16xf32>
        %add3A_525 = arith.addf %get3A_464, %mul3A_524 : vector<16xf32>
        %get3A_526 = arith.constant 1 : i32
        %get3A_527 = arith.index_cast %get3A_526 : i32 to index
        %get3A_528 = arith.index_cast %add3A_501 : i32 to index
        %get3A_529 = arith.constant 48 : index
        %get3A_530 = tpu.vector_load %arg15[%get3A_527, %get3A_528, %get3A_529] {strides = array<i32>} : memref<2x256x128xf32, #tpu.memory_space<vmem>>, vector<1x1x16xf32>,
        %get3A_531 = vector.shape_cast %get3A_530 : vector<1x1x16xf32> to vector<16xf32>
        %mul3A_532 = arith.mulf %gather3A_497, %get3A_531 : vector<16xf32>
        %add3A_533 = arith.addf %get3A_470, %mul3A_532 : vector<16xf32>
        %lt3A_534 = arith.constant 0 : i32
        %lt3A_535 = vector.broadcast %lt3A_534 : i32 to vector<16xi32>
        %lt3A_536 = arith.cmpi slt, %broadcast_in_dim3A_363, %lt3A_535 : vector<16xi32>
        %add3A_537 = arith.constant 16 : i32
        %add3A_538 = vector.broadcast %add3A_537 : i32 to vector<16xi32>
        %add3A_539 = arith.addi %broadcast_in_dim3A_363, %add3A_538 : vector<16xi32>
        %select_n3A_540 = arith.select %lt3A_536, %add3A_539, %broadcast_in_dim3A_363 : vector<16xi1>, vector<16xi32>
        %broadcast_in_dim3A_541 = vector.shape_cast %select_n3A_540 : vector<16xi32> to vector<16x1xi32>
        %gather3A_542 = vector.shape_cast %broadcast_in_dim3A_541 : vector<16x1xi32> to vector<16xi32>
        %gather3A_543 = tpu.dynamic_gather %select_n3A_488[%gather3A_542] in [0] : vector<16xf32>, vector<16xi32> -> vector<16xf32>
        %mul3A_544 = arith.constant 16 : i32
        %mul3A_545 = arith.muli %scan3A_411, %mul3A_544 : i32
        %add3A_546 = arith.constant 1 : i32
        %add3A_547 = arith.addi %mul3A_545, %add3A_546 : i32
        %get3A_548 = arith.constant 1 : i32
        %get3A_549 = arith.index_cast %get3A_548 : i32 to index
        %get3A_550 = arith.index_cast %add3A_547 : i32 to index
        %get3A_551 = arith.constant 0 : index
        %get3A_552 = tpu.vector_load %arg15[%get3A_549, %get3A_550, %get3A_551] {strides = array<i32>} : memref<2x256x128xf32, #tpu.memory_space<vmem>>, vector<1x1x16xf32>,
        %get3A_553 = vector.shape_cast %get3A_552 : vector<1x1x16xf32> to vector<16xf32>
        %mul3A_554 = arith.mulf %gather3A_543, %get3A_553 : vector<16xf32>
        %add3A_555 = arith.addf %add3A_509, %mul3A_554 : vector<16xf32>
        %get3A_556 = arith.constant 1 : i32
        %get3A_557 = arith.index_cast %get3A_556 : i32 to index
        %get3A_558 = arith.index_cast %add3A_547 : i32 to index
        %get3A_559 = arith.constant 16 : index
        %get3A_560 = tpu.vector_load %arg15[%get3A_557, %get3A_558, %get3A_559] {strides = array<i32>} : memref<2x256x128xf32, #tpu.memory_space<vmem>>, vector<1x1x16xf32>,
        %get3A_561 = vector.shape_cast %get3A_560 : vector<1x1x16xf32> to vector<16xf32>
        %mul3A_562 = arith.mulf %gather3A_543, %get3A_561 : vector<16xf32>
        %add3A_563 = arith.addf %add3A_517, %mul3A_562 : vector<16xf32>
        %get3A_564 = arith.constant 1 : i32
        %get3A_565 = arith.index_cast %get3A_564 : i32 to index
        %get3A_566 = arith.index_cast %add3A_547 : i32 to index
        %get3A_567 = arith.constant 32 : index
        %get3A_568 = tpu.vector_load %arg15[%get3A_565, %get3A_566, %get3A_567] {strides = array<i32>} : memref<2x256x128xf32, #tpu.memory_space<vmem>>, vector<1x1x16xf32>,
        %get3A_569 = vector.shape_cast %get3A_568 : vector<1x1x16xf32> to vector<16xf32>
        %mul3A_570 = arith.mulf %gather3A_543, %get3A_569 : vector<16xf32>
        %add3A_571 = arith.addf %add3A_525, %mul3A_570 : vector<16xf32>
        %get3A_572 = arith.constant 1 : i32
        %get3A_573 = arith.index_cast %get3A_572 : i32 to index
        %get3A_574 = arith.index_cast %add3A_547 : i32 to index
        %get3A_575 = arith.constant 48 : index
        %get3A_576 = tpu.vector_load %arg15[%get3A_573, %get3A_574, %get3A_575] {strides = array<i32>} : memref<2x256x128xf32, #tpu.memory_space<vmem>>, vector<1x1x16xf32>,
        %get3A_577 = vector.shape_cast %get3A_576 : vector<1x1x16xf32> to vector<16xf32>
        %mul3A_578 = arith.mulf %gather3A_543, %get3A_577 : vector<16xf32>
        %add3A_579 = arith.addf %add3A_533, %mul3A_578 : vector<16xf32>
        %lt3A_580 = arith.constant 0 : i32
        %lt3A_581 = vector.broadcast %lt3A_580 : i32 to vector<16xi32>
        %lt3A_582 = arith.cmpi slt, %broadcast_in_dim3A_365, %lt3A_581 : vector<16xi32>
        %add3A_583 = arith.constant 16 : i32
        %add3A_584 = vector.broadcast %add3A_583 : i32 to vector<16xi32>
        %add3A_585 = arith.addi %broadcast_in_dim3A_365, %add3A_584 : vector<16xi32>
        %select_n3A_586 = arith.select %lt3A_582, %add3A_585, %broadcast_in_dim3A_365 : vector<16xi1>, vector<16xi32>
        %broadcast_in_dim3A_587 = vector.shape_cast %select_n3A_586 : vector<16xi32> to vector<16x1xi32>
        %gather3A_588 = vector.shape_cast %broadcast_in_dim3A_587 : vector<16x1xi32> to vector<16xi32>
        %gather3A_589 = tpu.dynamic_gather %select_n3A_488[%gather3A_588] in [0] : vector<16xf32>, vector<16xi32> -> vector<16xf32>
        %mul3A_590 = arith.constant 16 : i32
        %mul3A_591 = arith.muli %scan3A_411, %mul3A_590 : i32
        %add3A_592 = arith.constant 2 : i32
        %add3A_593 = arith.addi %mul3A_591, %add3A_592 : i32
        %get3A_594 = arith.constant 1 : i32
        %get3A_595 = arith.index_cast %get3A_594 : i32 to index
        %get3A_596 = arith.index_cast %add3A_593 : i32 to index
        %get3A_597 = arith.constant 0 : index
        %get3A_598 = tpu.vector_load %arg15[%get3A_595, %get3A_596, %get3A_597] {strides = array<i32>} : memref<2x256x128xf32, #tpu.memory_space<vmem>>, vector<1x1x16xf32>,
        %get3A_599 = vector.shape_cast %get3A_598 : vector<1x1x16xf32> to vector<16xf32>
        %mul3A_600 = arith.mulf %gather3A_589, %get3A_599 : vector<16xf32>
        %add3A_601 = arith.addf %add3A_555, %mul3A_600 : vector<16xf32>
        %get3A_602 = arith.constant 1 : i32
        %get3A_603 = arith.index_cast %get3A_602 : i32 to index
        %get3A_604 = arith.index_cast %add3A_593 : i32 to index
        %get3A_605 = arith.constant 16 : index
        %get3A_606 = tpu.vector_load %arg15[%get3A_603, %get3A_604, %get3A_605] {strides = array<i32>} : memref<2x256x128xf32, #tpu.memory_space<vmem>>, vector<1x1x16xf32>,
        %get3A_607 = vector.shape_cast %get3A_606 : vector<1x1x16xf32> to vector<16xf32>
        %mul3A_608 = arith.mulf %gather3A_589, %get3A_607 : vector<16xf32>
        %add3A_609 = arith.addf %add3A_563, %mul3A_608 : vector<16xf32>
        %get3A_610 = arith.constant 1 : i32
        %get3A_611 = arith.index_cast %get3A_610 : i32 to index
        %get3A_612 = arith.index_cast %add3A_593 : i32 to index
        %get3A_613 = arith.constant 32 : index
        %get3A_614 = tpu.vector_load %arg15[%get3A_611, %get3A_612, %get3A_613] {strides = array<i32>} : memref<2x256x128xf32, #tpu.memory_space<vmem>>, vector<1x1x16xf32>,
        %get3A_615 = vector.shape_cast %get3A_614 : vector<1x1x16xf32> to vector<16xf32>
        %mul3A_616 = arith.mulf %gather3A_589, %get3A_615 : vector<16xf32>
        %add3A_617 = arith.addf %add3A_571, %mul3A_616 : vector<16xf32>
        %get3A_618 = arith.constant 1 : i32
        %get3A_619 = arith.index_cast %get3A_618 : i32 to index
        %get3A_620 = arith.index_cast %add3A_593 : i32 to index
        %get3A_621 = arith.constant 48 : index
        %get3A_622 = tpu.vector_load %arg15[%get3A_619, %get3A_620, %get3A_621] {strides = array<i32>} : memref<2x256x128xf32, #tpu.memory_space<vmem>>, vector<1x1x16xf32>,
        %get3A_623 = vector.shape_cast %get3A_622 : vector<1x1x16xf32> to vector<16xf32>
        %mul3A_624 = arith.mulf %gather3A_589, %get3A_623 : vector<16xf32>
        %add3A_625 = arith.addf %add3A_579, %mul3A_624 : vector<16xf32>
        %lt3A_626 = arith.constant 0 : i32
        %lt3A_627 = vector.broadcast %lt3A_626 : i32 to vector<16xi32>
        %lt3A_628 = arith.cmpi slt, %broadcast_in_dim3A_367, %lt3A_627 : vector<16xi32>
        %add3A_629 = arith.constant 16 : i32
        %add3A_630 = vector.broadcast %add3A_629 : i32 to vector<16xi32>
        %add3A_631 = arith.addi %broadcast_in_dim3A_367, %add3A_630 : vector<16xi32>
        %select_n3A_632 = arith.select %lt3A_628, %add3A_631, %broadcast_in_dim3A_367 : vector<16xi1>, vector<16xi32>
        %broadcast_in_dim3A_633 = vector.shape_cast %select_n3A_632 : vector<16xi32> to vector<16x1xi32>
        %gather3A_634 = vector.shape_cast %broadcast_in_dim3A_633 : vector<16x1xi32> to vector<16xi32>
        %gather3A_635 = tpu.dynamic_gather %select_n3A_488[%gather3A_634] in [0] : vector<16xf32>, vector<16xi32> -> vector<16xf32>
        %mul3A_636 = arith.constant 16 : i32
        %mul3A_637 = arith.muli %scan3A_411, %mul3A_636 : i32
        %add3A_638 = arith.constant 3 : i32
        %add3A_639 = arith.addi %mul3A_637, %add3A_638 : i32
        %get3A_640 = arith.constant 1 : i32
        %get3A_641 = arith.index_cast %get3A_640 : i32 to index
        %get3A_642 = arith.index_cast %add3A_639 : i32 to index
        %get3A_643 = arith.constant 0 : index
        %get3A_644 = tpu.vector_load %arg15[%get3A_641, %get3A_642, %get3A_643] {strides = array<i32>} : memref<2x256x128xf32, #tpu.memory_space<vmem>>, vector<1x1x16xf32>,
        %get3A_645 = vector.shape_cast %get3A_644 : vector<1x1x16xf32> to vector<16xf32>
        %mul3A_646 = arith.mulf %gather3A_635, %get3A_645 : vector<16xf32>
        %add3A_647 = arith.addf %add3A_601, %mul3A_646 : vector<16xf32>
        %get3A_648 = arith.constant 1 : i32
        %get3A_649 = arith.index_cast %get3A_648 : i32 to index
        %get3A_650 = arith.index_cast %add3A_639 : i32 to index
        %get3A_651 = arith.constant 16 : index
        %get3A_652 = tpu.vector_load %arg15[%get3A_649, %get3A_650, %get3A_651] {strides = array<i32>} : memref<2x256x128xf32, #tpu.memory_space<vmem>>, vector<1x1x16xf32>,
        %get3A_653 = vector.shape_cast %get3A_652 : vector<1x1x16xf32> to vector<16xf32>
        %mul3A_654 = arith.mulf %gather3A_635, %get3A_653 : vector<16xf32>
        %add3A_655 = arith.addf %add3A_609, %mul3A_654 : vector<16xf32>
        %get3A_656 = arith.constant 1 : i32
        %get3A_657 = arith.index_cast %get3A_656 : i32 to index
        %get3A_658 = arith.index_cast %add3A_639 : i32 to index
        %get3A_659 = arith.constant 32 : index
        %get3A_660 = tpu.vector_load %arg15[%get3A_657, %get3A_658, %get3A_659] {strides = array<i32>} : memref<2x256x128xf32, #tpu.memory_space<vmem>>, vector<1x1x16xf32>,
        %get3A_661 = vector.shape_cast %get3A_660 : vector<1x1x16xf32> to vector<16xf32>
        %mul3A_662 = arith.mulf %gather3A_635, %get3A_661 : vector<16xf32>
        %add3A_663 = arith.addf %add3A_617, %mul3A_662 : vector<16xf32>
        %get3A_664 = arith.constant 1 : i32
        %get3A_665 = arith.index_cast %get3A_664 : i32 to index
        %get3A_666 = arith.index_cast %add3A_639 : i32 to index
        %get3A_667 = arith.constant 48 : index
        %get3A_668 = tpu.vector_load %arg15[%get3A_665, %get3A_666, %get3A_667] {strides = array<i32>} : memref<2x256x128xf32, #tpu.memory_space<vmem>>, vector<1x1x16xf32>,
        %get3A_669 = vector.shape_cast %get3A_668 : vector<1x1x16xf32> to vector<16xf32>
        %mul3A_670 = arith.mulf %gather3A_635, %get3A_669 : vector<16xf32>
        %add3A_671 = arith.addf %add3A_625, %mul3A_670 : vector<16xf32>
        %lt3A_672 = arith.constant 0 : i32
        %lt3A_673 = vector.broadcast %lt3A_672 : i32 to vector<16xi32>
        %lt3A_674 = arith.cmpi slt, %broadcast_in_dim3A_369, %lt3A_673 : vector<16xi32>
        %add3A_675 = arith.constant 16 : i32
        %add3A_676 = vector.broadcast %add3A_675 : i32 to vector<16xi32>
        %add3A_677 = arith.addi %broadcast_in_dim3A_369, %add3A_676 : vector<16xi32>
        %select_n3A_678 = arith.select %lt3A_674, %add3A_677, %broadcast_in_dim3A_369 : vector<16xi1>, vector<16xi32>
        %broadcast_in_dim3A_679 = vector.shape_cast %select_n3A_678 : vector<16xi32> to vector<16x1xi32>
        %gather3A_680 = vector.shape_cast %broadcast_in_dim3A_679 : vector<16x1xi32> to vector<16xi32>
        %gather3A_681 = tpu.dynamic_gather %select_n3A_488[%gather3A_680] in [0] : vector<16xf32>, vector<16xi32> -> vector<16xf32>
        %mul3A_682 = arith.constant 16 : i32
        %mul3A_683 = arith.muli %scan3A_411, %mul3A_682 : i32
        %add3A_684 = arith.constant 4 : i32
        %add3A_685 = arith.addi %mul3A_683, %add3A_684 : i32
        %get3A_686 = arith.constant 1 : i32
        %get3A_687 = arith.index_cast %get3A_686 : i32 to index
        %get3A_688 = arith.index_cast %add3A_685 : i32 to index
        %get3A_689 = arith.constant 0 : index
        %get3A_690 = tpu.vector_load %arg15[%get3A_687, %get3A_688, %get3A_689] {strides = array<i32>} : memref<2x256x128xf32, #tpu.memory_space<vmem>>, vector<1x1x16xf32>,
        %get3A_691 = vector.shape_cast %get3A_690 : vector<1x1x16xf32> to vector<16xf32>
        %mul3A_692 = arith.mulf %gather3A_681, %get3A_691 : vector<16xf32>
        %add3A_693 = arith.addf %add3A_647, %mul3A_692 : vector<16xf32>
        %get3A_694 = arith.constant 1 : i32
        %get3A_695 = arith.index_cast %get3A_694 : i32 to index
        %get3A_696 = arith.index_cast %add3A_685 : i32 to index
        %get3A_697 = arith.constant 16 : index
        %get3A_698 = tpu.vector_load %arg15[%get3A_695, %get3A_696, %get3A_697] {strides = array<i32>} : memref<2x256x128xf32, #tpu.memory_space<vmem>>, vector<1x1x16xf32>,
        %get3A_699 = vector.shape_cast %get3A_698 : vector<1x1x16xf32> to vector<16xf32>
        %mul3A_700 = arith.mulf %gather3A_681, %get3A_699 : vector<16xf32>
        %add3A_701 = arith.addf %add3A_655, %mul3A_700 : vector<16xf32>
        %get3A_702 = arith.constant 1 : i32
        %get3A_703 = arith.index_cast %get3A_702 : i32 to index
        %get3A_704 = arith.index_cast %add3A_685 : i32 to index
        %get3A_705 = arith.constant 32 : index
        %get3A_706 = tpu.vector_load %arg15[%get3A_703, %get3A_704, %get3A_705] {strides = array<i32>} : memref<2x256x128xf32, #tpu.memory_space<vmem>>, vector<1x1x16xf32>,
        %get3A_707 = vector.shape_cast %get3A_706 : vector<1x1x16xf32> to vector<16xf32>
        %mul3A_708 = arith.mulf %gather3A_681, %get3A_707 : vector<16xf32>
        %add3A_709 = arith.addf %add3A_663, %mul3A_708 : vector<16xf32>
        %get3A_710 = arith.constant 1 : i32
        %get3A_711 = arith.index_cast %get3A_710 : i32 to index
        %get3A_712 = arith.index_cast %add3A_685 : i32 to index
        %get3A_713 = arith.constant 48 : index
        %get3A_714 = tpu.vector_load %arg15[%get3A_711, %get3A_712, %get3A_713] {strides = array<i32>} : memref<2x256x128xf32, #tpu.memory_space<vmem>>, vector<1x1x16xf32>,
        %get3A_715 = vector.shape_cast %get3A_714 : vector<1x1x16xf32> to vector<16xf32>
        %mul3A_716 = arith.mulf %gather3A_681, %get3A_715 : vector<16xf32>
        %add3A_717 = arith.addf %add3A_671, %mul3A_716 : vector<16xf32>
        %lt3A_718 = arith.constant 0 : i32
        %lt3A_719 = vector.broadcast %lt3A_718 : i32 to vector<16xi32>
        %lt3A_720 = arith.cmpi slt, %broadcast_in_dim3A_371, %lt3A_719 : vector<16xi32>
        %add3A_721 = arith.constant 16 : i32
        %add3A_722 = vector.broadcast %add3A_721 : i32 to vector<16xi32>
        %add3A_723 = arith.addi %broadcast_in_dim3A_371, %add3A_722 : vector<16xi32>
        %select_n3A_724 = arith.select %lt3A_720, %add3A_723, %broadcast_in_dim3A_371 : vector<16xi1>, vector<16xi32>
        %broadcast_in_dim3A_725 = vector.shape_cast %select_n3A_724 : vector<16xi32> to vector<16x1xi32>
        %gather3A_726 = vector.shape_cast %broadcast_in_dim3A_725 : vector<16x1xi32> to vector<16xi32>
        %gather3A_727 = tpu.dynamic_gather %select_n3A_488[%gather3A_726] in [0] : vector<16xf32>, vector<16xi32> -> vector<16xf32>
        %mul3A_728 = arith.constant 16 : i32
        %mul3A_729 = arith.muli %scan3A_411, %mul3A_728 : i32
        %add3A_730 = arith.constant 5 : i32
        %add3A_731 = arith.addi %mul3A_729, %add3A_730 : i32
        %get3A_732 = arith.constant 1 : i32
        %get3A_733 = arith.index_cast %get3A_732 : i32 to index
        %get3A_734 = arith.index_cast %add3A_731 : i32 to index
        %get3A_735 = arith.constant 0 : index
        %get3A_736 = tpu.vector_load %arg15[%get3A_733, %get3A_734, %get3A_735] {strides = array<i32>} : memref<2x256x128xf32, #tpu.memory_space<vmem>>, vector<1x1x16xf32>,
        %get3A_737 = vector.shape_cast %get3A_736 : vector<1x1x16xf32> to vector<16xf32>
        %mul3A_738 = arith.mulf %gather3A_727, %get3A_737 : vector<16xf32>
        %add3A_739 = arith.addf %add3A_693, %mul3A_738 : vector<16xf32>
        %get3A_740 = arith.constant 1 : i32
        %get3A_741 = arith.index_cast %get3A_740 : i32 to index
        %get3A_742 = arith.index_cast %add3A_731 : i32 to index
        %get3A_743 = arith.constant 16 : index
        %get3A_744 = tpu.vector_load %arg15[%get3A_741, %get3A_742, %get3A_743] {strides = array<i32>} : memref<2x256x128xf32, #tpu.memory_space<vmem>>, vector<1x1x16xf32>,
        %get3A_745 = vector.shape_cast %get3A_744 : vector<1x1x16xf32> to vector<16xf32>
        %mul3A_746 = arith.mulf %gather3A_727, %get3A_745 : vector<16xf32>
        %add3A_747 = arith.addf %add3A_701, %mul3A_746 : vector<16xf32>
        %get3A_748 = arith.constant 1 : i32
        %get3A_749 = arith.index_cast %get3A_748 : i32 to index
        %get3A_750 = arith.index_cast %add3A_731 : i32 to index
        %get3A_751 = arith.constant 32 : index
        %get3A_752 = tpu.vector_load %arg15[%get3A_749, %get3A_750, %get3A_751] {strides = array<i32>} : memref<2x256x128xf32, #tpu.memory_space<vmem>>, vector<1x1x16xf32>,
        %get3A_753 = vector.shape_cast %get3A_752 : vector<1x1x16xf32> to vector<16xf32>
        %mul3A_754 = arith.mulf %gather3A_727, %get3A_753 : vector<16xf32>
        %add3A_755 = arith.addf %add3A_709, %mul3A_754 : vector<16xf32>
        %get3A_756 = arith.constant 1 : i32
        %get3A_757 = arith.index_cast %get3A_756 : i32 to index
        %get3A_758 = arith.index_cast %add3A_731 : i32 to index
        %get3A_759 = arith.constant 48 : index
        %get3A_760 = tpu.vector_load %arg15[%get3A_757, %get3A_758, %get3A_759] {strides = array<i32>} : memref<2x256x128xf32, #tpu.memory_space<vmem>>, vector<1x1x16xf32>,
        %get3A_761 = vector.shape_cast %get3A_760 : vector<1x1x16xf32> to vector<16xf32>
        %mul3A_762 = arith.mulf %gather3A_727, %get3A_761 : vector<16xf32>
        %add3A_763 = arith.addf %add3A_717, %mul3A_762 : vector<16xf32>
        %lt3A_764 = arith.constant 0 : i32
        %lt3A_765 = vector.broadcast %lt3A_764 : i32 to vector<16xi32>
        %lt3A_766 = arith.cmpi slt, %broadcast_in_dim3A_373, %lt3A_765 : vector<16xi32>
        %add3A_767 = arith.constant 16 : i32
        %add3A_768 = vector.broadcast %add3A_767 : i32 to vector<16xi32>
        %add3A_769 = arith.addi %broadcast_in_dim3A_373, %add3A_768 : vector<16xi32>
        %select_n3A_770 = arith.select %lt3A_766, %add3A_769, %broadcast_in_dim3A_373 : vector<16xi1>, vector<16xi32>
        %broadcast_in_dim3A_771 = vector.shape_cast %select_n3A_770 : vector<16xi32> to vector<16x1xi32>
        %gather3A_772 = vector.shape_cast %broadcast_in_dim3A_771 : vector<16x1xi32> to vector<16xi32>
        %gather3A_773 = tpu.dynamic_gather %select_n3A_488[%gather3A_772] in [0] : vector<16xf32>, vector<16xi32> -> vector<16xf32>
        %mul3A_774 = arith.constant 16 : i32
        %mul3A_775 = arith.muli %scan3A_411, %mul3A_774 : i32
        %add3A_776 = arith.constant 6 : i32
        %add3A_777 = arith.addi %mul3A_775, %add3A_776 : i32
        %get3A_778 = arith.constant 1 : i32
        %get3A_779 = arith.index_cast %get3A_778 : i32 to index
        %get3A_780 = arith.index_cast %add3A_777 : i32 to index
        %get3A_781 = arith.constant 0 : index
        %get3A_782 = tpu.vector_load %arg15[%get3A_779, %get3A_780, %get3A_781] {strides = array<i32>} : memref<2x256x128xf32, #tpu.memory_space<vmem>>, vector<1x1x16xf32>,
        %get3A_783 = vector.shape_cast %get3A_782 : vector<1x1x16xf32> to vector<16xf32>
        %mul3A_784 = arith.mulf %gather3A_773, %get3A_783 : vector<16xf32>
        %add3A_785 = arith.addf %add3A_739, %mul3A_784 : vector<16xf32>
        %get3A_786 = arith.constant 1 : i32
        %get3A_787 = arith.index_cast %get3A_786 : i32 to index
        %get3A_788 = arith.index_cast %add3A_777 : i32 to index
        %get3A_789 = arith.constant 16 : index
        %get3A_790 = tpu.vector_load %arg15[%get3A_787, %get3A_788, %get3A_789] {strides = array<i32>} : memref<2x256x128xf32, #tpu.memory_space<vmem>>, vector<1x1x16xf32>,
        %get3A_791 = vector.shape_cast %get3A_790 : vector<1x1x16xf32> to vector<16xf32>
        %mul3A_792 = arith.mulf %gather3A_773, %get3A_791 : vector<16xf32>
        %add3A_793 = arith.addf %add3A_747, %mul3A_792 : vector<16xf32>
        %get3A_794 = arith.constant 1 : i32
        %get3A_795 = arith.index_cast %get3A_794 : i32 to index
        %get3A_796 = arith.index_cast %add3A_777 : i32 to index
        %get3A_797 = arith.constant 32 : index
        %get3A_798 = tpu.vector_load %arg15[%get3A_795, %get3A_796, %get3A_797] {strides = array<i32>} : memref<2x256x128xf32, #tpu.memory_space<vmem>>, vector<1x1x16xf32>,
        %get3A_799 = vector.shape_cast %get3A_798 : vector<1x1x16xf32> to vector<16xf32>
        %mul3A_800 = arith.mulf %gather3A_773, %get3A_799 : vector<16xf32>
        %add3A_801 = arith.addf %add3A_755, %mul3A_800 : vector<16xf32>
        %get3A_802 = arith.constant 1 : i32
        %get3A_803 = arith.index_cast %get3A_802 : i32 to index
        %get3A_804 = arith.index_cast %add3A_777 : i32 to index
        %get3A_805 = arith.constant 48 : index
        %get3A_806 = tpu.vector_load %arg15[%get3A_803, %get3A_804, %get3A_805] {strides = array<i32>} : memref<2x256x128xf32, #tpu.memory_space<vmem>>, vector<1x1x16xf32>,
        %get3A_807 = vector.shape_cast %get3A_806 : vector<1x1x16xf32> to vector<16xf32>
        %mul3A_808 = arith.mulf %gather3A_773, %get3A_807 : vector<16xf32>
        %add3A_809 = arith.addf %add3A_763, %mul3A_808 : vector<16xf32>
        %lt3A_810 = arith.constant 0 : i32
        %lt3A_811 = vector.broadcast %lt3A_810 : i32 to vector<16xi32>
        %lt3A_812 = arith.cmpi slt, %broadcast_in_dim3A_375, %lt3A_811 : vector<16xi32>
        %add3A_813 = arith.constant 16 : i32
        %add3A_814 = vector.broadcast %add3A_813 : i32 to vector<16xi32>
        %add3A_815 = arith.addi %broadcast_in_dim3A_375, %add3A_814 : vector<16xi32>
        %select_n3A_816 = arith.select %lt3A_812, %add3A_815, %broadcast_in_dim3A_375 : vector<16xi1>, vector<16xi32>
        %broadcast_in_dim3A_817 = vector.shape_cast %select_n3A_816 : vector<16xi32> to vector<16x1xi32>
        %gather3A_818 = vector.shape_cast %broadcast_in_dim3A_817 : vector<16x1xi32> to vector<16xi32>
        %gather3A_819 = tpu.dynamic_gather %select_n3A_488[%gather3A_818] in [0] : vector<16xf32>, vector<16xi32> -> vector<16xf32>
        %mul3A_820 = arith.constant 16 : i32
        %mul3A_821 = arith.muli %scan3A_411, %mul3A_820 : i32
        %add3A_822 = arith.constant 7 : i32
        %add3A_823 = arith.addi %mul3A_821, %add3A_822 : i32
        %get3A_824 = arith.constant 1 : i32
        %get3A_825 = arith.index_cast %get3A_824 : i32 to index
        %get3A_826 = arith.index_cast %add3A_823 : i32 to index
        %get3A_827 = arith.constant 0 : index
        %get3A_828 = tpu.vector_load %arg15[%get3A_825, %get3A_826, %get3A_827] {strides = array<i32>} : memref<2x256x128xf32, #tpu.memory_space<vmem>>, vector<1x1x16xf32>,
        %get3A_829 = vector.shape_cast %get3A_828 : vector<1x1x16xf32> to vector<16xf32>
        %mul3A_830 = arith.mulf %gather3A_819, %get3A_829 : vector<16xf32>
        %add3A_831 = arith.addf %add3A_785, %mul3A_830 : vector<16xf32>
        %get3A_832 = arith.constant 1 : i32
        %get3A_833 = arith.index_cast %get3A_832 : i32 to index
        %get3A_834 = arith.index_cast %add3A_823 : i32 to index
        %get3A_835 = arith.constant 16 : index
        %get3A_836 = tpu.vector_load %arg15[%get3A_833, %get3A_834, %get3A_835] {strides = array<i32>} : memref<2x256x128xf32, #tpu.memory_space<vmem>>, vector<1x1x16xf32>,
        %get3A_837 = vector.shape_cast %get3A_836 : vector<1x1x16xf32> to vector<16xf32>
        %mul3A_838 = arith.mulf %gather3A_819, %get3A_837 : vector<16xf32>
        %add3A_839 = arith.addf %add3A_793, %mul3A_838 : vector<16xf32>
        %get3A_840 = arith.constant 1 : i32
        %get3A_841 = arith.index_cast %get3A_840 : i32 to index
        %get3A_842 = arith.index_cast %add3A_823 : i32 to index
        %get3A_843 = arith.constant 32 : index
        %get3A_844 = tpu.vector_load %arg15[%get3A_841, %get3A_842, %get3A_843] {strides = array<i32>} : memref<2x256x128xf32, #tpu.memory_space<vmem>>, vector<1x1x16xf32>,
        %get3A_845 = vector.shape_cast %get3A_844 : vector<1x1x16xf32> to vector<16xf32>
        %mul3A_846 = arith.mulf %gather3A_819, %get3A_845 : vector<16xf32>
        %add3A_847 = arith.addf %add3A_801, %mul3A_846 : vector<16xf32>
        %get3A_848 = arith.constant 1 : i32
        %get3A_849 = arith.index_cast %get3A_848 : i32 to index
        %get3A_850 = arith.index_cast %add3A_823 : i32 to index
        %get3A_851 = arith.constant 48 : index
        %get3A_852 = tpu.vector_load %arg15[%get3A_849, %get3A_850, %get3A_851] {strides = array<i32>} : memref<2x256x128xf32, #tpu.memory_space<vmem>>, vector<1x1x16xf32>,
        %get3A_853 = vector.shape_cast %get3A_852 : vector<1x1x16xf32> to vector<16xf32>
        %mul3A_854 = arith.mulf %gather3A_819, %get3A_853 : vector<16xf32>
        %add3A_855 = arith.addf %add3A_809, %mul3A_854 : vector<16xf32>
        %lt3A_856 = arith.constant 0 : i32
        %lt3A_857 = vector.broadcast %lt3A_856 : i32 to vector<16xi32>
        %lt3A_858 = arith.cmpi slt, %broadcast_in_dim3A_377, %lt3A_857 : vector<16xi32>
        %add3A_859 = arith.constant 16 : i32
        %add3A_860 = vector.broadcast %add3A_859 : i32 to vector<16xi32>
        %add3A_861 = arith.addi %broadcast_in_dim3A_377, %add3A_860 : vector<16xi32>
        %select_n3A_862 = arith.select %lt3A_858, %add3A_861, %broadcast_in_dim3A_377 : vector<16xi1>, vector<16xi32>
        %broadcast_in_dim3A_863 = vector.shape_cast %select_n3A_862 : vector<16xi32> to vector<16x1xi32>
        %gather3A_864 = vector.shape_cast %broadcast_in_dim3A_863 : vector<16x1xi32> to vector<16xi32>
        %gather3A_865 = tpu.dynamic_gather %select_n3A_488[%gather3A_864] in [0] : vector<16xf32>, vector<16xi32> -> vector<16xf32>
        %mul3A_866 = arith.constant 16 : i32
        %mul3A_867 = arith.muli %scan3A_411, %mul3A_866 : i32
        %add3A_868 = arith.constant 8 : i32
        %add3A_869 = arith.addi %mul3A_867, %add3A_868 : i32
        %get3A_870 = arith.constant 1 : i32
        %get3A_871 = arith.index_cast %get3A_870 : i32 to index
        %get3A_872 = arith.index_cast %add3A_869 : i32 to index
        %get3A_873 = arith.constant 0 : index
        %get3A_874 = tpu.vector_load %arg15[%get3A_871, %get3A_872, %get3A_873] {strides = array<i32>} : memref<2x256x128xf32, #tpu.memory_space<vmem>>, vector<1x1x16xf32>,
        %get3A_875 = vector.shape_cast %get3A_874 : vector<1x1x16xf32> to vector<16xf32>
        %mul3A_876 = arith.mulf %gather3A_865, %get3A_875 : vector<16xf32>
        %add3A_877 = arith.addf %add3A_831, %mul3A_876 : vector<16xf32>
        %get3A_878 = arith.constant 1 : i32
        %get3A_879 = arith.index_cast %get3A_878 : i32 to index
        %get3A_880 = arith.index_cast %add3A_869 : i32 to index
        %get3A_881 = arith.constant 16 : index
        %get3A_882 = tpu.vector_load %arg15[%get3A_879, %get3A_880, %get3A_881] {strides = array<i32>} : memref<2x256x128xf32, #tpu.memory_space<vmem>>, vector<1x1x16xf32>,
        %get3A_883 = vector.shape_cast %get3A_882 : vector<1x1x16xf32> to vector<16xf32>
        %mul3A_884 = arith.mulf %gather3A_865, %get3A_883 : vector<16xf32>
        %add3A_885 = arith.addf %add3A_839, %mul3A_884 : vector<16xf32>
        %get3A_886 = arith.constant 1 : i32
        %get3A_887 = arith.index_cast %get3A_886 : i32 to index
        %get3A_888 = arith.index_cast %add3A_869 : i32 to index
        %get3A_889 = arith.constant 32 : index
        %get3A_890 = tpu.vector_load %arg15[%get3A_887, %get3A_888, %get3A_889] {strides = array<i32>} : memref<2x256x128xf32, #tpu.memory_space<vmem>>, vector<1x1x16xf32>,
        %get3A_891 = vector.shape_cast %get3A_890 : vector<1x1x16xf32> to vector<16xf32>
        %mul3A_892 = arith.mulf %gather3A_865, %get3A_891 : vector<16xf32>
        %add3A_893 = arith.addf %add3A_847, %mul3A_892 : vector<16xf32>
        %get3A_894 = arith.constant 1 : i32
        %get3A_895 = arith.index_cast %get3A_894 : i32 to index
        %get3A_896 = arith.index_cast %add3A_869 : i32 to index
        %get3A_897 = arith.constant 48 : index
        %get3A_898 = tpu.vector_load %arg15[%get3A_895, %get3A_896, %get3A_897] {strides = array<i32>} : memref<2x256x128xf32, #tpu.memory_space<vmem>>, vector<1x1x16xf32>,
        %get3A_899 = vector.shape_cast %get3A_898 : vector<1x1x16xf32> to vector<16xf32>
        %mul3A_900 = arith.mulf %gather3A_865, %get3A_899 : vector<16xf32>
        %add3A_901 = arith.addf %add3A_855, %mul3A_900 : vector<16xf32>
        %lt3A_902 = arith.constant 0 : i32
        %lt3A_903 = vector.broadcast %lt3A_902 : i32 to vector<16xi32>
        %lt3A_904 = arith.cmpi slt, %broadcast_in_dim3A_379, %lt3A_903 : vector<16xi32>
        %add3A_905 = arith.constant 16 : i32
        %add3A_906 = vector.broadcast %add3A_905 : i32 to vector<16xi32>
        %add3A_907 = arith.addi %broadcast_in_dim3A_379, %add3A_906 : vector<16xi32>
        %select_n3A_908 = arith.select %lt3A_904, %add3A_907, %broadcast_in_dim3A_379 : vector<16xi1>, vector<16xi32>
        %broadcast_in_dim3A_909 = vector.shape_cast %select_n3A_908 : vector<16xi32> to vector<16x1xi32>
        %gather3A_910 = vector.shape_cast %broadcast_in_dim3A_909 : vector<16x1xi32> to vector<16xi32>
        %gather3A_911 = tpu.dynamic_gather %select_n3A_488[%gather3A_910] in [0] : vector<16xf32>, vector<16xi32> -> vector<16xf32>
        %mul3A_912 = arith.constant 16 : i32
        %mul3A_913 = arith.muli %scan3A_411, %mul3A_912 : i32
        %add3A_914 = arith.constant 9 : i32
        %add3A_915 = arith.addi %mul3A_913, %add3A_914 : i32
        %get3A_916 = arith.constant 1 : i32
        %get3A_917 = arith.index_cast %get3A_916 : i32 to index
        %get3A_918 = arith.index_cast %add3A_915 : i32 to index
        %get3A_919 = arith.constant 0 : index
        %get3A_920 = tpu.vector_load %arg15[%get3A_917, %get3A_918, %get3A_919] {strides = array<i32>} : memref<2x256x128xf32, #tpu.memory_space<vmem>>, vector<1x1x16xf32>,
        %get3A_921 = vector.shape_cast %get3A_920 : vector<1x1x16xf32> to vector<16xf32>
        %mul3A_922 = arith.mulf %gather3A_911, %get3A_921 : vector<16xf32>
        %add3A_923 = arith.addf %add3A_877, %mul3A_922 : vector<16xf32>
        %get3A_924 = arith.constant 1 : i32
        %get3A_925 = arith.index_cast %get3A_924 : i32 to index
        %get3A_926 = arith.index_cast %add3A_915 : i32 to index
        %get3A_927 = arith.constant 16 : index
        %get3A_928 = tpu.vector_load %arg15[%get3A_925, %get3A_926, %get3A_927] {strides = array<i32>} : memref<2x256x128xf32, #tpu.memory_space<vmem>>, vector<1x1x16xf32>,
        %get3A_929 = vector.shape_cast %get3A_928 : vector<1x1x16xf32> to vector<16xf32>
        %mul3A_930 = arith.mulf %gather3A_911, %get3A_929 : vector<16xf32>
        %add3A_931 = arith.addf %add3A_885, %mul3A_930 : vector<16xf32>
        %get3A_932 = arith.constant 1 : i32
        %get3A_933 = arith.index_cast %get3A_932 : i32 to index
        %get3A_934 = arith.index_cast %add3A_915 : i32 to index
        %get3A_935 = arith.constant 32 : index
        %get3A_936 = tpu.vector_load %arg15[%get3A_933, %get3A_934, %get3A_935] {strides = array<i32>} : memref<2x256x128xf32, #tpu.memory_space<vmem>>, vector<1x1x16xf32>,
        %get3A_937 = vector.shape_cast %get3A_936 : vector<1x1x16xf32> to vector<16xf32>
        %mul3A_938 = arith.mulf %gather3A_911, %get3A_937 : vector<16xf32>
        %add3A_939 = arith.addf %add3A_893, %mul3A_938 : vector<16xf32>
        %get3A_940 = arith.constant 1 : i32
        %get3A_941 = arith.index_cast %get3A_940 : i32 to index
        %get3A_942 = arith.index_cast %add3A_915 : i32 to index
        %get3A_943 = arith.constant 48 : index
        %get3A_944 = tpu.vector_load %arg15[%get3A_941, %get3A_942, %get3A_943] {strides = array<i32>} : memref<2x256x128xf32, #tpu.memory_space<vmem>>, vector<1x1x16xf32>,
        %get3A_945 = vector.shape_cast %get3A_944 : vector<1x1x16xf32> to vector<16xf32>
        %mul3A_946 = arith.mulf %gather3A_911, %get3A_945 : vector<16xf32>
        %add3A_947 = arith.addf %add3A_901, %mul3A_946 : vector<16xf32>
        %lt3A_948 = arith.constant 0 : i32
        %lt3A_949 = vector.broadcast %lt3A_948 : i32 to vector<16xi32>
        %lt3A_950 = arith.cmpi slt, %broadcast_in_dim3A_381, %lt3A_949 : vector<16xi32>
        %add3A_951 = arith.constant 16 : i32
        %add3A_952 = vector.broadcast %add3A_951 : i32 to vector<16xi32>
        %add3A_953 = arith.addi %broadcast_in_dim3A_381, %add3A_952 : vector<16xi32>
        %select_n3A_954 = arith.select %lt3A_950, %add3A_953, %broadcast_in_dim3A_381 : vector<16xi1>, vector<16xi32>
        %broadcast_in_dim3A_955 = vector.shape_cast %select_n3A_954 : vector<16xi32> to vector<16x1xi32>
        %gather3A_956 = vector.shape_cast %broadcast_in_dim3A_955 : vector<16x1xi32> to vector<16xi32>
        %gather3A_957 = tpu.dynamic_gather %select_n3A_488[%gather3A_956] in [0] : vector<16xf32>, vector<16xi32> -> vector<16xf32>
        %mul3A_958 = arith.constant 16 : i32
        %mul3A_959 = arith.muli %scan3A_411, %mul3A_958 : i32
        %add3A_960 = arith.constant 10 : i32
        %add3A_961 = arith.addi %mul3A_959, %add3A_960 : i32
        %get3A_962 = arith.constant 1 : i32
        %get3A_963 = arith.index_cast %get3A_962 : i32 to index
        %get3A_964 = arith.index_cast %add3A_961 : i32 to index
        %get3A_965 = arith.constant 0 : index
        %get3A_966 = tpu.vector_load %arg15[%get3A_963, %get3A_964, %get3A_965] {strides = array<i32>} : memref<2x256x128xf32, #tpu.memory_space<vmem>>, vector<1x1x16xf32>,
        %get3A_967 = vector.shape_cast %get3A_966 : vector<1x1x16xf32> to vector<16xf32>
        %mul3A_968 = arith.mulf %gather3A_957, %get3A_967 : vector<16xf32>
        %add3A_969 = arith.addf %add3A_923, %mul3A_968 : vector<16xf32>
        %get3A_970 = arith.constant 1 : i32
        %get3A_971 = arith.index_cast %get3A_970 : i32 to index
        %get3A_972 = arith.index_cast %add3A_961 : i32 to index
        %get3A_973 = arith.constant 16 : index
        %get3A_974 = tpu.vector_load %arg15[%get3A_971, %get3A_972, %get3A_973] {strides = array<i32>} : memref<2x256x128xf32, #tpu.memory_space<vmem>>, vector<1x1x16xf32>,
        %get3A_975 = vector.shape_cast %get3A_974 : vector<1x1x16xf32> to vector<16xf32>
        %mul3A_976 = arith.mulf %gather3A_957, %get3A_975 : vector<16xf32>
        %add3A_977 = arith.addf %add3A_931, %mul3A_976 : vector<16xf32>
        %get3A_978 = arith.constant 1 : i32
        %get3A_979 = arith.index_cast %get3A_978 : i32 to index
        %get3A_980 = arith.index_cast %add3A_961 : i32 to index
        %get3A_981 = arith.constant 32 : index
        %get3A_982 = tpu.vector_load %arg15[%get3A_979, %get3A_980, %get3A_981] {strides = array<i32>} : memref<2x256x128xf32, #tpu.memory_space<vmem>>, vector<1x1x16xf32>,
        %get3A_983 = vector.shape_cast %get3A_982 : vector<1x1x16xf32> to vector<16xf32>
        %mul3A_984 = arith.mulf %gather3A_957, %get3A_983 : vector<16xf32>
        %add3A_985 = arith.addf %add3A_939, %mul3A_984 : vector<16xf32>
        %get3A_986 = arith.constant 1 : i32
        %get3A_987 = arith.index_cast %get3A_986 : i32 to index
        %get3A_988 = arith.index_cast %add3A_961 : i32 to index
        %get3A_989 = arith.constant 48 : index
        %get3A_990 = tpu.vector_load %arg15[%get3A_987, %get3A_988, %get3A_989] {strides = array<i32>} : memref<2x256x128xf32, #tpu.memory_space<vmem>>, vector<1x1x16xf32>,
        %get3A_991 = vector.shape_cast %get3A_990 : vector<1x1x16xf32> to vector<16xf32>
        %mul3A_992 = arith.mulf %gather3A_957, %get3A_991 : vector<16xf32>
        %add3A_993 = arith.addf %add3A_947, %mul3A_992 : vector<16xf32>
        %lt3A_994 = arith.constant 0 : i32
        %lt3A_995 = vector.broadcast %lt3A_994 : i32 to vector<16xi32>
        %lt3A_996 = arith.cmpi slt, %broadcast_in_dim3A_383, %lt3A_995 : vector<16xi32>
        %add3A_997 = arith.constant 16 : i32
        %add3A_998 = vector.broadcast %add3A_997 : i32 to vector<16xi32>
        %add3A_999 = arith.addi %broadcast_in_dim3A_383, %add3A_998 : vector<16xi32>
        %select_n3A_1000 = arith.select %lt3A_996, %add3A_999, %broadcast_in_dim3A_383 : vector<16xi1>, vector<16xi32>
        %broadcast_in_dim3A_1001 = vector.shape_cast %select_n3A_1000 : vector<16xi32> to vector<16x1xi32>
        %gather3A_1002 = vector.shape_cast %broadcast_in_dim3A_1001 : vector<16x1xi32> to vector<16xi32>
        %gather3A_1003 = tpu.dynamic_gather %select_n3A_488[%gather3A_1002] in [0] : vector<16xf32>, vector<16xi32> -> vector<16xf32>
        %mul3A_1004 = arith.constant 16 : i32
        %mul3A_1005 = arith.muli %scan3A_411, %mul3A_1004 : i32
        %add3A_1006 = arith.constant 11 : i32
        %add3A_1007 = arith.addi %mul3A_1005, %add3A_1006 : i32
        %get3A_1008 = arith.constant 1 : i32
        %get3A_1009 = arith.index_cast %get3A_1008 : i32 to index
        %get3A_1010 = arith.index_cast %add3A_1007 : i32 to index
        %get3A_1011 = arith.constant 0 : index
        %get3A_1012 = tpu.vector_load %arg15[%get3A_1009, %get3A_1010, %get3A_1011] {strides = array<i32>} : memref<2x256x128xf32, #tpu.memory_space<vmem>>, vector<1x1x16xf32>,
        %get3A_1013 = vector.shape_cast %get3A_1012 : vector<1x1x16xf32> to vector<16xf32>
        %mul3A_1014 = arith.mulf %gather3A_1003, %get3A_1013 : vector<16xf32>
        %add3A_1015 = arith.addf %add3A_969, %mul3A_1014 : vector<16xf32>
        %get3A_1016 = arith.constant 1 : i32
        %get3A_1017 = arith.index_cast %get3A_1016 : i32 to index
        %get3A_1018 = arith.index_cast %add3A_1007 : i32 to index
        %get3A_1019 = arith.constant 16 : index
        %get3A_1020 = tpu.vector_load %arg15[%get3A_1017, %get3A_1018, %get3A_1019] {strides = array<i32>} : memref<2x256x128xf32, #tpu.memory_space<vmem>>, vector<1x1x16xf32>,
        %get3A_1021 = vector.shape_cast %get3A_1020 : vector<1x1x16xf32> to vector<16xf32>
        %mul3A_1022 = arith.mulf %gather3A_1003, %get3A_1021 : vector<16xf32>
        %add3A_1023 = arith.addf %add3A_977, %mul3A_1022 : vector<16xf32>
        %get3A_1024 = arith.constant 1 : i32
        %get3A_1025 = arith.index_cast %get3A_1024 : i32 to index
        %get3A_1026 = arith.index_cast %add3A_1007 : i32 to index
        %get3A_1027 = arith.constant 32 : index
        %get3A_1028 = tpu.vector_load %arg15[%get3A_1025, %get3A_1026, %get3A_1027] {strides = array<i32>} : memref<2x256x128xf32, #tpu.memory_space<vmem>>, vector<1x1x16xf32>,
        %get3A_1029 = vector.shape_cast %get3A_1028 : vector<1x1x16xf32> to vector<16xf32>
        %mul3A_1030 = arith.mulf %gather3A_1003, %get3A_1029 : vector<16xf32>
        %add3A_1031 = arith.addf %add3A_985, %mul3A_1030 : vector<16xf32>
        %get3A_1032 = arith.constant 1 : i32
        %get3A_1033 = arith.index_cast %get3A_1032 : i32 to index
        %get3A_1034 = arith.index_cast %add3A_1007 : i32 to index
        %get3A_1035 = arith.constant 48 : index
        %get3A_1036 = tpu.vector_load %arg15[%get3A_1033, %get3A_1034, %get3A_1035] {strides = array<i32>} : memref<2x256x128xf32, #tpu.memory_space<vmem>>, vector<1x1x16xf32>,
        %get3A_1037 = vector.shape_cast %get3A_1036 : vector<1x1x16xf32> to vector<16xf32>
        %mul3A_1038 = arith.mulf %gather3A_1003, %get3A_1037 : vector<16xf32>
        %add3A_1039 = arith.addf %add3A_993, %mul3A_1038 : vector<16xf32>
        %lt3A_1040 = arith.constant 0 : i32
        %lt3A_1041 = vector.broadcast %lt3A_1040 : i32 to vector<16xi32>
        %lt3A_1042 = arith.cmpi slt, %broadcast_in_dim3A_385, %lt3A_1041 : vector<16xi32>
        %add3A_1043 = arith.constant 16 : i32
        %add3A_1044 = vector.broadcast %add3A_1043 : i32 to vector<16xi32>
        %add3A_1045 = arith.addi %broadcast_in_dim3A_385, %add3A_1044 : vector<16xi32>
        %select_n3A_1046 = arith.select %lt3A_1042, %add3A_1045, %broadcast_in_dim3A_385 : vector<16xi1>, vector<16xi32>
        %broadcast_in_dim3A_1047 = vector.shape_cast %select_n3A_1046 : vector<16xi32> to vector<16x1xi32>
        %gather3A_1048 = vector.shape_cast %broadcast_in_dim3A_1047 : vector<16x1xi32> to vector<16xi32>
        %gather3A_1049 = tpu.dynamic_gather %select_n3A_488[%gather3A_1048] in [0] : vector<16xf32>, vector<16xi32> -> vector<16xf32>
        %mul3A_1050 = arith.constant 16 : i32
        %mul3A_1051 = arith.muli %scan3A_411, %mul3A_1050 : i32
        %add3A_1052 = arith.constant 12 : i32
        %add3A_1053 = arith.addi %mul3A_1051, %add3A_1052 : i32
        %get3A_1054 = arith.constant 1 : i32
        %get3A_1055 = arith.index_cast %get3A_1054 : i32 to index
        %get3A_1056 = arith.index_cast %add3A_1053 : i32 to index
        %get3A_1057 = arith.constant 0 : index
        %get3A_1058 = tpu.vector_load %arg15[%get3A_1055, %get3A_1056, %get3A_1057] {strides = array<i32>} : memref<2x256x128xf32, #tpu.memory_space<vmem>>, vector<1x1x16xf32>,
        %get3A_1059 = vector.shape_cast %get3A_1058 : vector<1x1x16xf32> to vector<16xf32>
        %mul3A_1060 = arith.mulf %gather3A_1049, %get3A_1059 : vector<16xf32>
        %add3A_1061 = arith.addf %add3A_1015, %mul3A_1060 : vector<16xf32>
        %get3A_1062 = arith.constant 1 : i32
        %get3A_1063 = arith.index_cast %get3A_1062 : i32 to index
        %get3A_1064 = arith.index_cast %add3A_1053 : i32 to index
        %get3A_1065 = arith.constant 16 : index
        %get3A_1066 = tpu.vector_load %arg15[%get3A_1063, %get3A_1064, %get3A_1065] {strides = array<i32>} : memref<2x256x128xf32, #tpu.memory_space<vmem>>, vector<1x1x16xf32>,
        %get3A_1067 = vector.shape_cast %get3A_1066 : vector<1x1x16xf32> to vector<16xf32>
        %mul3A_1068 = arith.mulf %gather3A_1049, %get3A_1067 : vector<16xf32>
        %add3A_1069 = arith.addf %add3A_1023, %mul3A_1068 : vector<16xf32>
        %get3A_1070 = arith.constant 1 : i32
        %get3A_1071 = arith.index_cast %get3A_1070 : i32 to index
        %get3A_1072 = arith.index_cast %add3A_1053 : i32 to index
        %get3A_1073 = arith.constant 32 : index
        %get3A_1074 = tpu.vector_load %arg15[%get3A_1071, %get3A_1072, %get3A_1073] {strides = array<i32>} : memref<2x256x128xf32, #tpu.memory_space<vmem>>, vector<1x1x16xf32>,
        %get3A_1075 = vector.shape_cast %get3A_1074 : vector<1x1x16xf32> to vector<16xf32>
        %mul3A_1076 = arith.mulf %gather3A_1049, %get3A_1075 : vector<16xf32>
        %add3A_1077 = arith.addf %add3A_1031, %mul3A_1076 : vector<16xf32>
        %get3A_1078 = arith.constant 1 : i32
        %get3A_1079 = arith.index_cast %get3A_1078 : i32 to index
        %get3A_1080 = arith.index_cast %add3A_1053 : i32 to index
        %get3A_1081 = arith.constant 48 : index
        %get3A_1082 = tpu.vector_load %arg15[%get3A_1079, %get3A_1080, %get3A_1081] {strides = array<i32>} : memref<2x256x128xf32, #tpu.memory_space<vmem>>, vector<1x1x16xf32>,
        %get3A_1083 = vector.shape_cast %get3A_1082 : vector<1x1x16xf32> to vector<16xf32>
        %mul3A_1084 = arith.mulf %gather3A_1049, %get3A_1083 : vector<16xf32>
        %add3A_1085 = arith.addf %add3A_1039, %mul3A_1084 : vector<16xf32>
        %lt3A_1086 = arith.constant 0 : i32
        %lt3A_1087 = vector.broadcast %lt3A_1086 : i32 to vector<16xi32>
        %lt3A_1088 = arith.cmpi slt, %broadcast_in_dim3A_387, %lt3A_1087 : vector<16xi32>
        %add3A_1089 = arith.constant 16 : i32
        %add3A_1090 = vector.broadcast %add3A_1089 : i32 to vector<16xi32>
        %add3A_1091 = arith.addi %broadcast_in_dim3A_387, %add3A_1090 : vector<16xi32>
        %select_n3A_1092 = arith.select %lt3A_1088, %add3A_1091, %broadcast_in_dim3A_387 : vector<16xi1>, vector<16xi32>
        %broadcast_in_dim3A_1093 = vector.shape_cast %select_n3A_1092 : vector<16xi32> to vector<16x1xi32>
        %gather3A_1094 = vector.shape_cast %broadcast_in_dim3A_1093 : vector<16x1xi32> to vector<16xi32>
        %gather3A_1095 = tpu.dynamic_gather %select_n3A_488[%gather3A_1094] in [0] : vector<16xf32>, vector<16xi32> -> vector<16xf32>
        %mul3A_1096 = arith.constant 16 : i32
        %mul3A_1097 = arith.muli %scan3A_411, %mul3A_1096 : i32
        %add3A_1098 = arith.constant 13 : i32
        %add3A_1099 = arith.addi %mul3A_1097, %add3A_1098 : i32
        %get3A_1100 = arith.constant 1 : i32
        %get3A_1101 = arith.index_cast %get3A_1100 : i32 to index
        %get3A_1102 = arith.index_cast %add3A_1099 : i32 to index
        %get3A_1103 = arith.constant 0 : index
        %get3A_1104 = tpu.vector_load %arg15[%get3A_1101, %get3A_1102, %get3A_1103] {strides = array<i32>} : memref<2x256x128xf32, #tpu.memory_space<vmem>>, vector<1x1x16xf32>,
        %get3A_1105 = vector.shape_cast %get3A_1104 : vector<1x1x16xf32> to vector<16xf32>
        %mul3A_1106 = arith.mulf %gather3A_1095, %get3A_1105 : vector<16xf32>
        %add3A_1107 = arith.addf %add3A_1061, %mul3A_1106 : vector<16xf32>
        %get3A_1108 = arith.constant 1 : i32
        %get3A_1109 = arith.index_cast %get3A_1108 : i32 to index
        %get3A_1110 = arith.index_cast %add3A_1099 : i32 to index
        %get3A_1111 = arith.constant 16 : index
        %get3A_1112 = tpu.vector_load %arg15[%get3A_1109, %get3A_1110, %get3A_1111] {strides = array<i32>} : memref<2x256x128xf32, #tpu.memory_space<vmem>>, vector<1x1x16xf32>,
        %get3A_1113 = vector.shape_cast %get3A_1112 : vector<1x1x16xf32> to vector<16xf32>
        %mul3A_1114 = arith.mulf %gather3A_1095, %get3A_1113 : vector<16xf32>
        %add3A_1115 = arith.addf %add3A_1069, %mul3A_1114 : vector<16xf32>
        %get3A_1116 = arith.constant 1 : i32
        %get3A_1117 = arith.index_cast %get3A_1116 : i32 to index
        %get3A_1118 = arith.index_cast %add3A_1099 : i32 to index
        %get3A_1119 = arith.constant 32 : index
        %get3A_1120 = tpu.vector_load %arg15[%get3A_1117, %get3A_1118, %get3A_1119] {strides = array<i32>} : memref<2x256x128xf32, #tpu.memory_space<vmem>>, vector<1x1x16xf32>,
        %get3A_1121 = vector.shape_cast %get3A_1120 : vector<1x1x16xf32> to vector<16xf32>
        %mul3A_1122 = arith.mulf %gather3A_1095, %get3A_1121 : vector<16xf32>
        %add3A_1123 = arith.addf %add3A_1077, %mul3A_1122 : vector<16xf32>
        %get3A_1124 = arith.constant 1 : i32
        %get3A_1125 = arith.index_cast %get3A_1124 : i32 to index
        %get3A_1126 = arith.index_cast %add3A_1099 : i32 to index
        %get3A_1127 = arith.constant 48 : index
        %get3A_1128 = tpu.vector_load %arg15[%get3A_1125, %get3A_1126, %get3A_1127] {strides = array<i32>} : memref<2x256x128xf32, #tpu.memory_space<vmem>>, vector<1x1x16xf32>,
        %get3A_1129 = vector.shape_cast %get3A_1128 : vector<1x1x16xf32> to vector<16xf32>
        %mul3A_1130 = arith.mulf %gather3A_1095, %get3A_1129 : vector<16xf32>
        %add3A_1131 = arith.addf %add3A_1085, %mul3A_1130 : vector<16xf32>
        %lt3A_1132 = arith.constant 0 : i32
        %lt3A_1133 = vector.broadcast %lt3A_1132 : i32 to vector<16xi32>
        %lt3A_1134 = arith.cmpi slt, %broadcast_in_dim3A_389, %lt3A_1133 : vector<16xi32>
        %add3A_1135 = arith.constant 16 : i32
        %add3A_1136 = vector.broadcast %add3A_1135 : i32 to vector<16xi32>
        %add3A_1137 = arith.addi %broadcast_in_dim3A_389, %add3A_1136 : vector<16xi32>
        %select_n3A_1138 = arith.select %lt3A_1134, %add3A_1137, %broadcast_in_dim3A_389 : vector<16xi1>, vector<16xi32>
        %broadcast_in_dim3A_1139 = vector.shape_cast %select_n3A_1138 : vector<16xi32> to vector<16x1xi32>
        %gather3A_1140 = vector.shape_cast %broadcast_in_dim3A_1139 : vector<16x1xi32> to vector<16xi32>
        %gather3A_1141 = tpu.dynamic_gather %select_n3A_488[%gather3A_1140] in [0] : vector<16xf32>, vector<16xi32> -> vector<16xf32>
        %mul3A_1142 = arith.constant 16 : i32
        %mul3A_1143 = arith.muli %scan3A_411, %mul3A_1142 : i32
        %add3A_1144 = arith.constant 14 : i32
        %add3A_1145 = arith.addi %mul3A_1143, %add3A_1144 : i32
        %get3A_1146 = arith.constant 1 : i32
        %get3A_1147 = arith.index_cast %get3A_1146 : i32 to index
        %get3A_1148 = arith.index_cast %add3A_1145 : i32 to index
        %get3A_1149 = arith.constant 0 : index
        %get3A_1150 = tpu.vector_load %arg15[%get3A_1147, %get3A_1148, %get3A_1149] {strides = array<i32>} : memref<2x256x128xf32, #tpu.memory_space<vmem>>, vector<1x1x16xf32>,
        %get3A_1151 = vector.shape_cast %get3A_1150 : vector<1x1x16xf32> to vector<16xf32>
        %mul3A_1152 = arith.mulf %gather3A_1141, %get3A_1151 : vector<16xf32>
        %add3A_1153 = arith.addf %add3A_1107, %mul3A_1152 : vector<16xf32>
        %get3A_1154 = arith.constant 1 : i32
        %get3A_1155 = arith.index_cast %get3A_1154 : i32 to index
        %get3A_1156 = arith.index_cast %add3A_1145 : i32 to index
        %get3A_1157 = arith.constant 16 : index
        %get3A_1158 = tpu.vector_load %arg15[%get3A_1155, %get3A_1156, %get3A_1157] {strides = array<i32>} : memref<2x256x128xf32, #tpu.memory_space<vmem>>, vector<1x1x16xf32>,
        %get3A_1159 = vector.shape_cast %get3A_1158 : vector<1x1x16xf32> to vector<16xf32>
        %mul3A_1160 = arith.mulf %gather3A_1141, %get3A_1159 : vector<16xf32>
        %add3A_1161 = arith.addf %add3A_1115, %mul3A_1160 : vector<16xf32>
        %get3A_1162 = arith.constant 1 : i32
        %get3A_1163 = arith.index_cast %get3A_1162 : i32 to index
        %get3A_1164 = arith.index_cast %add3A_1145 : i32 to index
        %get3A_1165 = arith.constant 32 : index
        %get3A_1166 = tpu.vector_load %arg15[%get3A_1163, %get3A_1164, %get3A_1165] {strides = array<i32>} : memref<2x256x128xf32, #tpu.memory_space<vmem>>, vector<1x1x16xf32>,
        %get3A_1167 = vector.shape_cast %get3A_1166 : vector<1x1x16xf32> to vector<16xf32>
        %mul3A_1168 = arith.mulf %gather3A_1141, %get3A_1167 : vector<16xf32>
        %add3A_1169 = arith.addf %add3A_1123, %mul3A_1168 : vector<16xf32>
        %get3A_1170 = arith.constant 1 : i32
        %get3A_1171 = arith.index_cast %get3A_1170 : i32 to index
        %get3A_1172 = arith.index_cast %add3A_1145 : i32 to index
        %get3A_1173 = arith.constant 48 : index
        %get3A_1174 = tpu.vector_load %arg15[%get3A_1171, %get3A_1172, %get3A_1173] {strides = array<i32>} : memref<2x256x128xf32, #tpu.memory_space<vmem>>, vector<1x1x16xf32>,
        %get3A_1175 = vector.shape_cast %get3A_1174 : vector<1x1x16xf32> to vector<16xf32>
        %mul3A_1176 = arith.mulf %gather3A_1141, %get3A_1175 : vector<16xf32>
        %add3A_1177 = arith.addf %add3A_1131, %mul3A_1176 : vector<16xf32>
        %lt3A_1178 = arith.constant 0 : i32
        %lt3A_1179 = vector.broadcast %lt3A_1178 : i32 to vector<16xi32>
        %lt3A_1180 = arith.cmpi slt, %broadcast_in_dim3A_391, %lt3A_1179 : vector<16xi32>
        %add3A_1181 = arith.constant 16 : i32
        %add3A_1182 = vector.broadcast %add3A_1181 : i32 to vector<16xi32>
        %add3A_1183 = arith.addi %broadcast_in_dim3A_391, %add3A_1182 : vector<16xi32>
        %select_n3A_1184 = arith.select %lt3A_1180, %add3A_1183, %broadcast_in_dim3A_391 : vector<16xi1>, vector<16xi32>
        %broadcast_in_dim3A_1185 = vector.shape_cast %select_n3A_1184 : vector<16xi32> to vector<16x1xi32>
        %gather3A_1186 = vector.shape_cast %broadcast_in_dim3A_1185 : vector<16x1xi32> to vector<16xi32>
        %gather3A_1187 = tpu.dynamic_gather %select_n3A_488[%gather3A_1186] in [0] : vector<16xf32>, vector<16xi32> -> vector<16xf32>
        %mul3A_1188 = arith.constant 16 : i32
        %mul3A_1189 = arith.muli %scan3A_411, %mul3A_1188 : i32
        %add3A_1190 = arith.constant 15 : i32
        %add3A_1191 = arith.addi %mul3A_1189, %add3A_1190 : i32
        %get3A_1192 = arith.constant 1 : i32
        %get3A_1193 = arith.index_cast %get3A_1192 : i32 to index
        %get3A_1194 = arith.index_cast %add3A_1191 : i32 to index
        %get3A_1195 = arith.constant 0 : index
        %get3A_1196 = tpu.vector_load %arg15[%get3A_1193, %get3A_1194, %get3A_1195] {strides = array<i32>} : memref<2x256x128xf32, #tpu.memory_space<vmem>>, vector<1x1x16xf32>,
        %get3A_1197 = vector.shape_cast %get3A_1196 : vector<1x1x16xf32> to vector<16xf32>
        %mul3A_1198 = arith.mulf %gather3A_1187, %get3A_1197 : vector<16xf32>
        %add3A_1199 = arith.addf %add3A_1153, %mul3A_1198 : vector<16xf32>
        %get3A_1200 = arith.constant 1 : i32
        %get3A_1201 = arith.index_cast %get3A_1200 : i32 to index
        %get3A_1202 = arith.index_cast %add3A_1191 : i32 to index
        %get3A_1203 = arith.constant 16 : index
        %get3A_1204 = tpu.vector_load %arg15[%get3A_1201, %get3A_1202, %get3A_1203] {strides = array<i32>} : memref<2x256x128xf32, #tpu.memory_space<vmem>>, vector<1x1x16xf32>,
        %get3A_1205 = vector.shape_cast %get3A_1204 : vector<1x1x16xf32> to vector<16xf32>
        %mul3A_1206 = arith.mulf %gather3A_1187, %get3A_1205 : vector<16xf32>
        %add3A_1207 = arith.addf %add3A_1161, %mul3A_1206 : vector<16xf32>
        %get3A_1208 = arith.constant 1 : i32
        %get3A_1209 = arith.index_cast %get3A_1208 : i32 to index
        %get3A_1210 = arith.index_cast %add3A_1191 : i32 to index
        %get3A_1211 = arith.constant 32 : index
        %get3A_1212 = tpu.vector_load %arg15[%get3A_1209, %get3A_1210, %get3A_1211] {strides = array<i32>} : memref<2x256x128xf32, #tpu.memory_space<vmem>>, vector<1x1x16xf32>,
        %get3A_1213 = vector.shape_cast %get3A_1212 : vector<1x1x16xf32> to vector<16xf32>
        %mul3A_1214 = arith.mulf %gather3A_1187, %get3A_1213 : vector<16xf32>
        %add3A_1215 = arith.addf %add3A_1169, %mul3A_1214 : vector<16xf32>
        %get3A_1216 = arith.constant 1 : i32
        %get3A_1217 = arith.index_cast %get3A_1216 : i32 to index
        %get3A_1218 = arith.index_cast %add3A_1191 : i32 to index
        %get3A_1219 = arith.constant 48 : index
        %get3A_1220 = tpu.vector_load %arg15[%get3A_1217, %get3A_1218, %get3A_1219] {strides = array<i32>} : memref<2x256x128xf32, #tpu.memory_space<vmem>>, vector<1x1x16xf32>,
        %get3A_1221 = vector.shape_cast %get3A_1220 : vector<1x1x16xf32> to vector<16xf32>
        %mul3A_1222 = arith.mulf %gather3A_1187, %get3A_1221 : vector<16xf32>
        %add3A_1223 = arith.addf %add3A_1177, %mul3A_1222 : vector<16xf32>
        %mul3A_1224 = arith.mulf %add3A_1199, %add3A_1199 : vector<16xf32>
        %mul3A_1225 = arith.mulf %add3A_1207, %add3A_1207 : vector<16xf32>
        %add3A_1226 = arith.addf %mul3A_1224, %mul3A_1225 : vector<16xf32>
        %mul3A_1227 = arith.mulf %add3A_1215, %add3A_1215 : vector<16xf32>
        %add3A_1228 = arith.addf %add3A_1226, %mul3A_1227 : vector<16xf32>
        %mul3A_1229 = arith.mulf %add3A_1223, %add3A_1223 : vector<16xf32>
        %add3A_1230 = arith.addf %add3A_1228, %mul3A_1229 : vector<16xf32>
        %lt3A_1231 = arith.constant 0 : i32
        %lt3A_1232 = vector.broadcast %lt3A_1231 : i32 to vector<16xi32>
        %lt3A_1233 = arith.cmpi slt, %xor3A_350, %lt3A_1232 : vector<16xi32>
        %add3A_1234 = arith.constant 16 : i32
        %add3A_1235 = vector.broadcast %add3A_1234 : i32 to vector<16xi32>
        %add3A_1236 = arith.addi %xor3A_350, %add3A_1235 : vector<16xi32>
        %select_n3A_1237 = arith.select %lt3A_1233, %add3A_1236, %xor3A_350 : vector<16xi1>, vector<16xi32>
        %broadcast_in_dim3A_1238 = vector.shape_cast %select_n3A_1237 : vector<16xi32> to vector<16x1xi32>
        %gather3A_1239 = vector.shape_cast %broadcast_in_dim3A_1238 : vector<16x1xi32> to vector<16xi32>
        %gather3A_1240 = tpu.dynamic_gather %add3A_1230[%gather3A_1239] in [0] : vector<16xf32>, vector<16xi32> -> vector<16xf32>
        %add3A_1241 = arith.addf %add3A_1230, %gather3A_1240 : vector<16xf32>
        %lt3A_1242 = arith.constant 0 : i32
        %lt3A_1243 = vector.broadcast %lt3A_1242 : i32 to vector<16xi32>
        %lt3A_1244 = arith.cmpi slt, %xor3A_353, %lt3A_1243 : vector<16xi32>
        %add3A_1245 = arith.constant 16 : i32
        %add3A_1246 = vector.broadcast %add3A_1245 : i32 to vector<16xi32>
        %add3A_1247 = arith.addi %xor3A_353, %add3A_1246 : vector<16xi32>
        %select_n3A_1248 = arith.select %lt3A_1244, %add3A_1247, %xor3A_353 : vector<16xi1>, vector<16xi32>
        %broadcast_in_dim3A_1249 = vector.shape_cast %select_n3A_1248 : vector<16xi32> to vector<16x1xi32>
        %gather3A_1250 = vector.shape_cast %broadcast_in_dim3A_1249 : vector<16x1xi32> to vector<16xi32>
        %gather3A_1251 = tpu.dynamic_gather %add3A_1241[%gather3A_1250] in [0] : vector<16xf32>, vector<16xi32> -> vector<16xf32>
        %add3A_1252 = arith.addf %add3A_1241, %gather3A_1251 : vector<16xf32>
        %lt3A_1253 = arith.constant 0 : i32
        %lt3A_1254 = vector.broadcast %lt3A_1253 : i32 to vector<16xi32>
        %lt3A_1255 = arith.cmpi slt, %xor3A_356, %lt3A_1254 : vector<16xi32>
        %add3A_1256 = arith.constant 16 : i32
        %add3A_1257 = vector.broadcast %add3A_1256 : i32 to vector<16xi32>
        %add3A_1258 = arith.addi %xor3A_356, %add3A_1257 : vector<16xi32>
        %select_n3A_1259 = arith.select %lt3A_1255, %add3A_1258, %xor3A_356 : vector<16xi1>, vector<16xi32>
        %broadcast_in_dim3A_1260 = vector.shape_cast %select_n3A_1259 : vector<16xi32> to vector<16x1xi32>
        %gather3A_1261 = vector.shape_cast %broadcast_in_dim3A_1260 : vector<16x1xi32> to vector<16xi32>
        %gather3A_1262 = tpu.dynamic_gather %add3A_1252[%gather3A_1261] in [0] : vector<16xf32>, vector<16xi32> -> vector<16xf32>
        %add3A_1263 = arith.addf %add3A_1252, %gather3A_1262 : vector<16xf32>
        %lt3A_1264 = arith.constant 0 : i32
        %lt3A_1265 = vector.broadcast %lt3A_1264 : i32 to vector<16xi32>
        %lt3A_1266 = arith.cmpi slt, %xor3A_359, %lt3A_1265 : vector<16xi32>
        %add3A_1267 = arith.constant 16 : i32
        %add3A_1268 = vector.broadcast %add3A_1267 : i32 to vector<16xi32>
        %add3A_1269 = arith.addi %xor3A_359, %add3A_1268 : vector<16xi32>
        %select_n3A_1270 = arith.select %lt3A_1266, %add3A_1269, %xor3A_359 : vector<16xi1>, vector<16xi32>
        %broadcast_in_dim3A_1271 = vector.shape_cast %select_n3A_1270 : vector<16xi32> to vector<16x1xi32>
        %gather3A_1272 = vector.shape_cast %broadcast_in_dim3A_1271 : vector<16x1xi32> to vector<16xi32>
        %gather3A_1273 = tpu.dynamic_gather %add3A_1263[%gather3A_1272] in [0] : vector<16xf32>, vector<16xi32> -> vector<16xf32>
        %add3A_1274 = arith.addf %add3A_1263, %gather3A_1273 : vector<16xf32>
        %max3A_1275 = arith.constant 1.000000e-24 : f32
        %max3A_1276 = vector.broadcast %max3A_1275 : f32 to vector<16xf32>
        %max3A_1277 = arith.maximumf %add3A_1274, %max3A_1276 : vector<16xf32>
        %bitcast_convert_type3A = tpu.bitcast %max3A_1277 : vector<16xf32> -> vector<16xi32>
        %shift_right_logical3A = arith.constant 1 : i32
        %shift_right_logical3A_1278 = vector.broadcast %shift_right_logical3A : i32 to vector<16xi32>
        %shift_right_logical3A_1279 = arith.shrui %bitcast_convert_type3A, %shift_right_logical3A_1278 : vector<16xi32>
        %sub3A_1280 = arith.constant 1597463007 : i32
        %sub3A_1281 = vector.broadcast %sub3A_1280 : i32 to vector<16xi32>
        %sub3A_1282 = arith.subi %sub3A_1281, %shift_right_logical3A_1279 : vector<16xi32>
        %bitcast_convert_type3A_1283 = tpu.bitcast %sub3A_1282 : vector<16xi32> -> vector<16xf32>
        %mul3A_1284 = arith.constant 5.000000e-01 : f32
        %mul3A_1285 = vector.broadcast %mul3A_1284 : f32 to vector<16xf32>
        %mul3A_1286 = arith.mulf %mul3A_1285, %max3A_1277 : vector<16xf32>
        %mul3A_1287 = arith.mulf %mul3A_1286, %bitcast_convert_type3A_1283 : vector<16xf32>
        %mul3A_1288 = arith.mulf %mul3A_1287, %bitcast_convert_type3A_1283 : vector<16xf32>
        %sub3A_1289 = arith.constant 1.500000e+00 : f32
        %sub3A_1290 = vector.broadcast %sub3A_1289 : f32 to vector<16xf32>
        %sub3A_1291 = arith.subf %sub3A_1290, %mul3A_1288 : vector<16xf32>
        %mul3A_1292 = arith.mulf %bitcast_convert_type3A_1283, %sub3A_1291 : vector<16xf32>
        %mul3A_1293 = arith.constant 5.000000e-01 : f32
        %mul3A_1294 = vector.broadcast %mul3A_1293 : f32 to vector<16xf32>
        %mul3A_1295 = arith.mulf %mul3A_1294, %max3A_1277 : vector<16xf32>
        %mul3A_1296 = arith.mulf %mul3A_1295, %mul3A_1292 : vector<16xf32>
        %mul3A_1297 = arith.mulf %mul3A_1296, %mul3A_1292 : vector<16xf32>
        %sub3A_1298 = arith.constant 1.500000e+00 : f32
        %sub3A_1299 = vector.broadcast %sub3A_1298 : f32 to vector<16xf32>
        %sub3A_1300 = arith.subf %sub3A_1299, %mul3A_1297 : vector<16xf32>
        %mul3A_1301 = arith.mulf %mul3A_1292, %sub3A_1300 : vector<16xf32>
        %mul3A_1302 = arith.constant 5.000000e-01 : f32
        %mul3A_1303 = vector.broadcast %mul3A_1302 : f32 to vector<16xf32>
        %mul3A_1304 = arith.mulf %mul3A_1303, %max3A_1277 : vector<16xf32>
        %mul3A_1305 = arith.mulf %mul3A_1304, %mul3A_1301 : vector<16xf32>
        %mul3A_1306 = arith.mulf %mul3A_1305, %mul3A_1301 : vector<16xf32>
        %sub3A_1307 = arith.constant 1.500000e+00 : f32
        %sub3A_1308 = vector.broadcast %sub3A_1307 : f32 to vector<16xf32>
        %sub3A_1309 = arith.subf %sub3A_1308, %mul3A_1306 : vector<16xf32>
        %mul3A_1310 = arith.mulf %mul3A_1301, %sub3A_1309 : vector<16xf32>
        %mul3A_1311 = arith.mulf %add3A_1199, %mul3A_1310 : vector<16xf32>
        %swap3A = arith.constant 1 : i32
        %swap3A_1312 = arith.index_cast %swap3A : i32 to index
        %swap3A_1313 = arith.index_cast %scan3A_411 : i32 to index
        %swap3A_1314 = arith.constant 0 : index
        %swap3A_1315 = tpu.vector_load %arg16[%swap3A_1312, %swap3A_1313, %swap3A_1314] {strides = array<i32>} : memref<2x16x128xf32, #tpu.memory_space<vmem>>, vector<1x1x16xf32>,
        %swap3A_1316 = vector.shape_cast %swap3A_1315 : vector<1x1x16xf32> to vector<16xf32>
        %swap3A_1317 = vector.shape_cast %mul3A_1311 : vector<16xf32> to vector<1x1x16xf32>
        tpu.vector_store %arg16[%swap3A_1312, %swap3A_1313, %swap3A_1314], %swap3A_1317 {strides = array<i32>} : memref<2x16x128xf32, #tpu.memory_space<vmem>>, vector<1x1x16xf32>,
        %mul3A_1318 = arith.mulf %add3A_1207, %mul3A_1310 : vector<16xf32>
        %swap3A_1319 = arith.constant 1 : i32
        %swap3A_1320 = arith.index_cast %swap3A_1319 : i32 to index
        %swap3A_1321 = arith.index_cast %scan3A_411 : i32 to index
        %swap3A_1322 = arith.constant 16 : index
        %swap3A_1323 = tpu.vector_load %arg16[%swap3A_1320, %swap3A_1321, %swap3A_1322] {strides = array<i32>} : memref<2x16x128xf32, #tpu.memory_space<vmem>>, vector<1x1x16xf32>,
        %swap3A_1324 = vector.shape_cast %swap3A_1323 : vector<1x1x16xf32> to vector<16xf32>
        %swap3A_1325 = vector.shape_cast %mul3A_1318 : vector<16xf32> to vector<1x1x16xf32>
        tpu.vector_store %arg16[%swap3A_1320, %swap3A_1321, %swap3A_1322], %swap3A_1325 {strides = array<i32>} : memref<2x16x128xf32, #tpu.memory_space<vmem>>, vector<1x1x16xf32>,
        %mul3A_1326 = arith.mulf %add3A_1215, %mul3A_1310 : vector<16xf32>
        %swap3A_1327 = arith.constant 1 : i32
        %swap3A_1328 = arith.index_cast %swap3A_1327 : i32 to index
        %swap3A_1329 = arith.index_cast %scan3A_411 : i32 to index
        %swap3A_1330 = arith.constant 32 : index
        %swap3A_1331 = tpu.vector_load %arg16[%swap3A_1328, %swap3A_1329, %swap3A_1330] {strides = array<i32>} : memref<2x16x128xf32, #tpu.memory_space<vmem>>, vector<1x1x16xf32>,
        %swap3A_1332 = vector.shape_cast %swap3A_1331 : vector<1x1x16xf32> to vector<16xf32>
        %swap3A_1333 = vector.shape_cast %mul3A_1326 : vector<16xf32> to vector<1x1x16xf32>
        tpu.vector_store %arg16[%swap3A_1328, %swap3A_1329, %swap3A_1330], %swap3A_1333 {strides = array<i32>} : memref<2x16x128xf32, #tpu.memory_space<vmem>>, vector<1x1x16xf32>,
        %mul3A_1334 = arith.mulf %add3A_1223, %mul3A_1310 : vector<16xf32>
        %swap3A_1335 = arith.constant 1 : i32
        %swap3A_1336 = arith.index_cast %swap3A_1335 : i32 to index
        %swap3A_1337 = arith.index_cast %scan3A_411 : i32 to index
        %swap3A_1338 = arith.constant 48 : index
        %swap3A_1339 = tpu.vector_load %arg16[%swap3A_1336, %swap3A_1337, %swap3A_1338] {strides = array<i32>} : memref<2x16x128xf32, #tpu.memory_space<vmem>>, vector<1x1x16xf32>,
        %swap3A_1340 = vector.shape_cast %swap3A_1339 : vector<1x1x16xf32> to vector<16xf32>
        %swap3A_1341 = vector.shape_cast %mul3A_1334 : vector<16xf32> to vector<1x1x16xf32>
        tpu.vector_store %arg16[%swap3A_1336, %swap3A_1337, %swap3A_1338], %swap3A_1341 {strides = array<i32>} : memref<2x16x128xf32, #tpu.memory_space<vmem>>, vector<1x1x16xf32>,
      }
      %scan3A_397 = arith.constant 16 : i32
      %dma_start3A_398 = arith.constant 1 : i32
      %dma_start3A_399 = arith.constant 0 : i32
      %dma_start3A_400 = arith.constant 0 : i32
      %dma_start3A_401 = tpu.memref_slice %arg16[%dma_start3A_398, %dma_start3A_399, %dma_start3A_400] : memref<2x16x128xf32, #tpu.memory_space<vmem>> -> memref<1x16x128xf32, #tpu.memory_space<vmem>>
      %dma_start3A_402 = tpu.memref_squeeze %dma_start3A_401 : memref<1x16x128xf32, #tpu.memory_space<vmem>> -> memref<16x128xf32, #tpu.memory_space<vmem>>
      %dma_start3A_403 = arith.constant 0 : i32
      %dma_start3A_404 = tpu.memref_slice %arg8[%add3A_300, %dma_start3A_403] : memref<51200x128xf32, #tpu.memory_space<hbm>> -> memref<16x128xf32, #tpu.memory_space<hbm>>
      %dma_start3A_405 = arith.constant 0 : i32
      %dma_start3A_406 = tpu.memref_slice %arg8[%add3A_300, %dma_start3A_405] : memref<51200x128xf32, #tpu.memory_space<hbm>> -> memref<16x128xf32, #tpu.memory_space<hbm>>
      %dma_start3A_407 = arith.constant 0 : i32
      %dma_start3A_408 = arith.constant 0 : i32
      %dma_start3A_409 = tpu.memref_slice %arg16[%dma_start3A_398, %dma_start3A_407, %dma_start3A_408] : memref<2x16x128xf32, #tpu.memory_space<vmem>> -> memref<1x16x128xf32, #tpu.memory_space<vmem>>
      %dma_start3A_410 = tpu.memref_squeeze %dma_start3A_409 : memref<1x16x128xf32, #tpu.memory_space<vmem>> -> memref<16x128xf32, #tpu.memory_space<vmem>>
      tpu.enqueue_dma source(%dma_start3A_410 : memref<16x128xf32, #tpu.memory_space<vmem>>) target(%dma_start3A_406 : memref<16x128xf32, #tpu.memory_space<hbm>>) target_semaphore(%arg20 : memref<!tpu.dma_semaphore, #tpu.memory_space<semaphore_mem>>)
    }
    %scan3A_103 = arith.constant 50 : i32
    %dma_wait3A = arith.constant 0 : i32
    %dma_wait3A_104 = arith.constant 0 : i32
    %dma_wait3A_105 = arith.constant 0 : i32
    %dma_wait3A_106 = tpu.memref_slice %arg16[%dma_wait3A, %dma_wait3A_104, %dma_wait3A_105] : memref<2x16x128xf32, #tpu.memory_space<vmem>> -> memref<1x16x128xf32, #tpu.memory_space<vmem>>
    %dma_wait3A_107 = tpu.memref_squeeze %dma_wait3A_106 : memref<1x16x128xf32, #tpu.memory_space<vmem>> -> memref<16x128xf32, #tpu.memory_space<vmem>>
    %dma_wait3A_108 = arith.constant 0 : i32
    %dma_wait3A_109 = arith.constant 0 : i32
    %dma_wait3A_110 = tpu.memref_slice %arg8[%dma_wait3A_108, %dma_wait3A_109] : memref<51200x128xf32, #tpu.memory_space<hbm>> -> memref<16x128xf32, #tpu.memory_space<hbm>>
    %dma_wait3A_111 = arith.constant 0 : i32
    %dma_wait3A_112 = arith.constant 0 : i32
    %dma_wait3A_113 = tpu.memref_slice %arg8[%dma_wait3A_111, %dma_wait3A_112] : memref<51200x128xf32, #tpu.memory_space<hbm>> -> memref<16x128xf32, #tpu.memory_space<hbm>>
    %dma_wait3A_114 = arith.constant 0 : i32
    %dma_wait3A_115 = arith.constant 0 : i32
    %dma_wait3A_116 = tpu.memref_slice %arg16[%dma_wait3A, %dma_wait3A_114, %dma_wait3A_115] : memref<2x16x128xf32, #tpu.memory_space<vmem>> -> memref<1x16x128xf32, #tpu.memory_space<vmem>>
    %dma_wait3A_117 = tpu.memref_squeeze %dma_wait3A_116 : memref<1x16x128xf32, #tpu.memory_space<vmem>> -> memref<16x128xf32, #tpu.memory_space<vmem>>
    tpu.wait_dma2 semaphore(%arg19 : memref<!tpu.dma_semaphore, #tpu.memory_space<semaphore_mem>>) src(%dma_wait3A_117 : memref<16x128xf32, #tpu.memory_space<vmem>>) dst(%dma_wait3A_113 : memref<16x128xf32, #tpu.memory_space<hbm>>)
    %dma_wait3A_118 = arith.constant 1 : i32
    %dma_wait3A_119 = arith.constant 0 : i32
    %dma_wait3A_120 = arith.constant 0 : i32
    %dma_wait3A_121 = tpu.memref_slice %arg16[%dma_wait3A_118, %dma_wait3A_119, %dma_wait3A_120] : memref<2x16x128xf32, #tpu.memory_space<vmem>> -> memref<1x16x128xf32, #tpu.memory_space<vmem>>
    %dma_wait3A_122 = tpu.memref_squeeze %dma_wait3A_121 : memref<1x16x128xf32, #tpu.memory_space<vmem>> -> memref<16x128xf32, #tpu.memory_space<vmem>>
    %dma_wait3A_123 = arith.constant 0 : i32
    %dma_wait3A_124 = arith.constant 0 : i32
    %dma_wait3A_125 = tpu.memref_slice %arg8[%dma_wait3A_123, %dma_wait3A_124] : memref<51200x128xf32, #tpu.memory_space<hbm>> -> memref<16x128xf32, #tpu.memory_space<hbm>>
    %dma_wait3A_126 = arith.constant 0 : i32
    %dma_wait3A_127 = arith.constant 0 : i32
    %dma_wait3A_128 = tpu.memref_slice %arg8[%dma_wait3A_126, %dma_wait3A_127] : memref<51200x128xf32, #tpu.memory_space<hbm>> -> memref<16x128xf32, #tpu.memory_space<hbm>>
    %dma_wait3A_129 = arith.constant 0 : i32
    %dma_wait3A_130 = arith.constant 0 : i32
    %dma_wait3A_131 = tpu.memref_slice %arg16[%dma_wait3A_118, %dma_wait3A_129, %dma_wait3A_130] : memref<2x16x128xf32, #tpu.memory_space<vmem>> -> memref<1x16x128xf32, #tpu.memory_space<vmem>>
    %dma_wait3A_132 = tpu.memref_squeeze %dma_wait3A_131 : memref<1x16x128xf32, #tpu.memory_space<vmem>> -> memref<16x128xf32, #tpu.memory_space<vmem>>
    tpu.wait_dma2 semaphore(%arg20 : memref<!tpu.dma_semaphore, #tpu.memory_space<semaphore_mem>>) src(%dma_wait3A_132 : memref<16x128xf32, #tpu.memory_space<vmem>>) dst(%dma_wait3A_128 : memref<16x128xf32, #tpu.memory_space<hbm>>)
    return
  }
}

</mosaic_0001>

<sc_bundles>
// kernel: _run.3.cloned.1.call-start
scs
__scs_entry_jumppad:
0x0: {  	(pc) =	sbr.rel $0x88, $3  }
0x1: {  	(tag) =	ssettag $0x0;
	lr =	simm.s32 $0x1  }
0x2: {  	[smem:$0x3F9B] =	sst lr;
	_ =	strace $0xD0000000  }
0x3: {  	_ = 	snop  }
0x4: {  	_ = 	snop  }
0x5: {  	_ = 	snop  }
0x6: {  	_ = 	snop  }
0x7: {  	_ = 	snop  }
__scs_overlays_trampoline_lowered:
0x8: {  	[smem:$0x3FAA] =	sst s0  }
0x9: {  	[smem:$0x3FAB] =	sst s1  }
0xa: {  	[smem:$0x3FAC] =	sst s2  }
0xb: {  	[smem:$0x3FAD] =	sst s3  }
0xc: {  	[smem:$0x3FAE] =	sst s4  }
0xd: {  	[smem:$0x3FAF] =	sst s5  }
0xe: {  	[smem:$0x3FB0] =	sst s6  }
0xf: {  	[smem:$0x3FB1] =	sst s7  }
0x10: {  	[smem:$0x3FB2] =	sst s8  }
0x11: {  	[smem:$0x3FB3] =	sst s9;
	s0 =	simm.s32 @!p0 $0x0  }
0x12: {  	s1 =	sld [smem:$0x3F99];
	s0 =	simm.s32 @p0 $0x1  }
0x13: {  	[smem:$0x3FB4] =	sst s0;
	s0 =	simm.s32 @!p1 $0x0  }
0x14: {  	s2 =	sld [smem:$0x3F98];
	s0 =	simm.s32 @p1 $0x1  }
0x15: {  	[smem:$0x3FB5] =	sst s0;
	s0 =	simm.s32 @!p2 $0x0  }
0x16: {  	s3 =	sld [smem:$0x3FDB];
	s0 =	simm.s32 @p2 $0x1  }
0x17: {  	s4 =	simm.s32 $0x1BF5;
	[smem:$0x3FB7] =	sst s0  }
0x18: {  	s0 =	sld [smem:$0x3F9A];
	_ =	swait.ge [sflag:s4], $0x0  }
0x19: {  	s7 =	sld [smem:$0x3F9B]  }
0x1a: {  	s8 =	sadd.s32 $0xFFFFE003, lr  }
0x1b: {  	s9 =	sadd.s32 $0xFFFFFEF7, lr;
	s5 =	simm.s32 $0xFFFFFFFF;
	p2 =	slt.u32 s8, $0xFFFFF086  }
0x1c: {  	p1 =	slt.u32 s9, $0xF7A;
	s5 =	simm.s32 @!p2 $0x0  }
0x1d: {  	s5 =	simm.s32 @p1 $0x1;
	p0 =	seq.s32 s7, s2  }
0x1e: {  	s7 =	smul.u32 @!p0 $0xF7A, s2;
	p2 =	seq.s32 @!p0 s5, $0x0  }
0x1f: {  	s9 =	smul.u32 $0xF7A, s1;
	s8 =	simm.s32 @!p0 $0x1BF5;
	p2 =	por !p2, p0  }
0x20: {  	[sflag:s8] =	ssyncset.s32 @!p0 $0xFFFFF086;
	s6 =	sadd.s32 @!p0 s3, s7;
	s7 =	simm.s32 @!p0 $0x108  }
0x21: {  	s3 =	sadd.s32 s3, s9;
	s6 =	sadd.s32 @!p0 $0x88, s6;
	s7 =	simm.s32 @p2 $0x1082  }
0x22: {  	[simem:s7], [sflag:s8] =	dma.local @!p0 [hbm:s6], $0xF7A  }
0x23: {  	s9 =	sor.u32 $0xD0000000, s2;
	s6 =	simm.s32 $0x108;
	_ =	swait.ge @!p0 [sflag:s8], $0x0  }
0x24: {  	s3 =	sadd.s32 $0x88, s3;
	s6 =	simm.s32 @!p1 $0x1082;
	[sflag:s4] =	ssyncset.s32 $0xFFFFF086  }
0x25: {  	[simem:s6], [sflag:s4] =	dma.local [hbm:s3], $0xF7A  }
0x26: {  	[smem:$0x3F9B] =	sst s1;
	(tag) =	ssettag s2;
	_ =	strace s9  }
0x27: {  	s1 =	sld [smem:$0x3FAB]  }
0x28: {  	s2 =	sld [smem:$0x3FAC]  }
0x29: {  	s4 =	sld [smem:$0x3FAE]  }
0x2a: {  	p0 =	seq.s32 s5, $0x0;
	s5 =	sld [smem:$0x3FAF]  }
0x2b: {  	s6 =	sld [smem:$0x3FB0]  }
0x2c: {  	s7 =	sld [smem:$0x3FB1]  }
0x2d: {  	s3 =	simm.s32 $0x108;
	s8 =	sld [smem:$0x3FB2]  }
0x2e: {  	s3 =	simm.s32 @!p0 $0x1082;
	s9 =	sld [smem:$0x3FB3]  }
0x2f: {  	lr =	sadd.s32 s0, s3;
	s0 =	sld [smem:$0x3FAA]  }
0x30: {  	s3 =	sld [smem:$0x3FAD]  }
0x31: {  	[smem:$0x3FB6] =	sst s10  }
0x32: {  	s10 =	sld [smem:$0x3FB4];
	_ =	sdelay $0x3  }
0x33: {  	p0 =	seq.s32 s10, $0x1;
	s10 =	sld [smem:$0x3FB6];
	_ =	sdelay $0x3  }
0x34: {  	[smem:$0x3FB6] =	sst s10  }
0x35: {  	s10 =	sld [smem:$0x3FB5];
	_ =	sdelay $0x3  }
0x36: {  	p1 =	seq.s32 s10, $0x1;
	s10 =	sld [smem:$0x3FB6];
	_ =	sdelay $0x3  }
0x37: {  	[smem:$0x3FB6] =	sst s10  }
0x38: {  	s10 =	sld [smem:$0x3FB7]  }
0x39: {  	_ = 	snop;
	(pc) =	sbr.ind lr, $3  }
0x3a: {  	_ = 	snop  }
0x3b: {  	_ = 	snop  }
0x3c: {  	p2 =	seq.s32 s10, $0x1;
	s10 =	sld [smem:$0x3FB6]  }
0x3d: {  	_ =	shalt  }
0x3e: {  	_ =	shalt  }
0x3f: {  	_ =	shalt  }
0x40: {  	_ =	shalt  }
0x41: {  	_ =	shalt  }
0x42: {  	_ =	shalt  }
0x43: {  	_ =	shalt  }
0x44: {  	_ =	shalt  }
0x45: {  	_ =	shalt  }
0x46: {  	_ =	shalt  }
0x47: {  	_ =	shalt  }
0x48: {  	_ =	shalt  }
0x49: {  	_ =	shalt  }
0x4a: {  	_ =	shalt  }
0x4b: {  	_ =	shalt  }
0x4c: {  	_ =	shalt  }
0x4d: {  	_ =	shalt  }
0x4e: {  	_ =	shalt  }
0x4f: {  	_ =	shalt  }
0x50: {  	_ =	shalt  }
0x51: {  	_ =	shalt  }
0x52: {  	_ =	shalt  }
0x53: {  	_ =	shalt  }
0x54: {  	_ =	shalt  }
0x55: {  	_ =	shalt  }
0x56: {  	_ =	shalt  }
0x57: {  	_ =	shalt  }
0x58: {  	_ =	shalt  }
0x59: {  	_ =	shalt  }
0x5a: {  	_ =	shalt  }
0x5b: {  	_ =	shalt  }
0x5c: {  	_ =	shalt  }
0x5d: {  	_ =	shalt  }
0x5e: {  	_ =	shalt  }
0x5f: {  	_ =	shalt  }
0x60: {  	_ =	shalt  }
0x61: {  	_ =	shalt  }
0x62: {  	_ =	shalt  }
0x63: {  	_ =	shalt  }
0x64: {  	_ =	shalt  }
0x65: {  	_ =	shalt  }
0x66: {  	_ =	shalt  }
0x67: {  	_ =	shalt  }
0x68: {  	_ =	shalt  }
0x69: {  	_ =	shalt  }
0x6a: {  	_ =	shalt  }
0x6b: {  	_ =	shalt  }
0x6c: {  	_ =	shalt  }
0x6d: {  	_ =	shalt  }
0x6e: {  	_ =	shalt  }
0x6f: {  	_ =	shalt  }
0x70: {  	_ =	shalt  }
0x71: {  	_ =	shalt  }
0x72: {  	_ =	shalt  }
0x73: {  	_ =	shalt  }
0x74: {  	_ =	shalt  }
0x75: {  	_ =	shalt  }
0x76: {  	_ =	shalt  }
0x77: {  	_ =	shalt  }
0x78: {  	_ =	shalt  }
0x79: {  	_ =	shalt  }
0x7a: {  	_ =	shalt  }
0x7b: {  	_ =	shalt  }
0x7c: {  	_ =	shalt  }
0x7d: {  	_ =	shalt  }
0x7e: {  	_ =	shalt  }
0x7f: {  	_ =	shalt  }
0x80: {  	_ =	shalt  }
0x81: {  	_ =	shalt  }
0x82: {  	_ =	shalt  }
0x83: {  	_ =	shalt  }
0x84: {  	_ =	shalt  }
0x85: {  	_ =	shalt  }
0x86: {  	_ =	shalt  }
0x87: {  	_ =	shalt  }
.Lfunc_end0:
.L_simem_size_0:
called_computation_lowered:
.L_overlay_start_0:
0x88: {  	s2 =	sld [smem:$0x3FD9]  }
0x89: {  	s3 =	sld [smem:$0x3FFE];
	_ =	sdelay $0x1  }
0x8a: {  	s1 =	srdreg.scid  }
0x8b: {  	s0 =	sand.u32 $0x1, s1  }
0x8c: {  	s18 =	sshll.u32 s0, $0xA;
	s2 =	sadd.s32 s3, s2  }
0x8d: {  	s2 =	sadd.s32 s2, s18  }
0x8e: {  	[smem:$0x3FC2] =	sst s2  }
0x8f: {  	_ = 	snop  }
0x90: {  	s2 =	sld [smem:$0x3FC9]  }
0x91: {  	s19 =	sld [smem:$0x3FC8]  }
0x92: {  	s4 =	sld [smem:$0x3FC7]  }
0x93: {  	s5 =	sld [smem:$0x3FC6]  }
0x94: {  	s6 =	sld [smem:$0x3FC5]  }
0x95: {  	s7 =	sld [smem:$0x3FC4]  }
0x96: {  	s8 =	sld [smem:$0x3FD0];
	(tm) =	ssettm $0x1  }
0x97: {  	s9 =	sld [smem:$0x3FFB];
	_ =	sdelay $0x3  }
0x98: {  	_ =	strace s9  }
0x99: {  	s9 =	sld [smem:$0x3FFC];
	_ =	sdelay $0x3  }
0x9a: {  	_ =	strace s9  }
0x9b: {  	s9 =	sld [smem:$0x3FFD];
	_ =	sdelay $0x3  }
0x9c: {  	_ =	strace s9  }
0x9d: {  	_ =	strace $0x8FFFFFFF  }
0x9e: {  	s20 =	sld [smem:$0x3FDB];
	_ =	sdelay $0x1  }
0x9f: {  	s10 =	simm.s32 $_scs_section_size  }
0xa0: {  	s11 =	simm.s32 $_size__tile_overlayer_lowered;
	s12 =	simm.s32 $_tile_overlayer_lowered  }
0xa1: {  	s23 =	simm.s32 $0x1BFF;
	s22 =	sshll.u32 s12, $0x1;
	s9 =	sadd.s32 s10, s20  }
0xa2: {  	s13 =	simm.s32 $0x0;
	s21 =	sshll.u32 s11, $0x1;
	s11 =	sadd.s32 s22, s9  }
0xa3: {  	[timem:s13], [sflag:s23] =	dma.local [hbm:s11], s21  }
0xa4: {  	_ =	swait.ge [sflag:s23], s21  }
0xa5: {  	s10 =	ssub.s32 $0x0, s21;
	[sflag:s23] =	ssyncset.done $0x0  }
0xa6: {  	[sflag:s23] =	ssyncadd.s32 s10;
	_ =	sdelay $0x1  }
0xa7: {  	s24 =	simm.s32 $0x1B8B  }
0xa8: {  	_ =	swait.ge [sflag:s24], $0x1  }
0xa9: {  	[sflag:s24] =	ssyncset.done $0x0  }
0xaa: {  	s25 =	simm.s32 $0x1B8E;
	[sflag:s24] =	ssyncadd.s32 $0xFFFFFFFF  }
0xab: {  	s26 =	simm.s32 $execute0_lowered;
	[smem:$0x3FD2] =	sst s25  }
0xac: {  	s10 =	sshll.u32 s26, $0x1;
	_ =	strace $0x80000046;
	[dreg:$0x1] =	wrdreg $0xFFFFFFFF  }
0xad: {  	s28 =	simm.s32 $_size_execute0_lowered;
	s9 =	sadd.s32 s9, s10;
	[dreg:$0x0] =	wrdreg $0x0  }
0xae: {  	s10 =	sshll.u32 s28, $0x1;
	[dreg:$0x2] =	wrdreg s9  }
0xaf: {  	[dreg:$0x3] =	wrdreg s10  }
0xb0: {  	[dreg:$0x4] =	wrdreg $0xC0  }
0xb1: {  	_ =	task [dreg:s13], $0x5FFFF  }
0xb2: {  	[dreg:$0x1] =	wrdreg $0xFFFFFFFF  }
0xb3: {  	[dreg:$0x0] =	wrdreg $0x60  }
0xb4: {  	[dreg:$0x2] =	wrdreg s2  }
0xb5: {  	[dreg:$0x3] =	wrdreg s19  }
0xb6: {  	[dreg:$0x4] =	wrdreg s4  }
0xb7: {  	[dreg:$0x5] =	wrdreg s5  }
0xb8: {  	[dreg:$0x6] =	wrdreg s6  }
0xb9: {  	[dreg:$0x7] =	wrdreg s7  }
0xba: {  	[dreg:$0x8] =	wrdreg s8  }
0xbb: {  	[dreg:$0x9] =	wrdreg $0x9  }
0xbc: {  	_ =	task.clear_ibuf [dreg:s13], $0xAFFFF;
	_ =	strace $0x90000046  }
0xbd: {  	s29 =	simm.s32 $0x9;
	_ =	strace $0x80000048  }
0xbe: {  	_ =	swait.ge [sflag:s29], $0x1  }
0xbf: {  	[sflag:s29] =	ssyncadd.s32 $0xFFFFFFFF  }
0xc0: {  	_ =	strace $0x90000048  }
0xc1: {  	_ =	sfence  }
0xc2: {  	s30 =	sld [smem:$0x0];
	_ =	sdelay $0x2  }
0xc3: {  	s31 =	sshll.u32 s1, $0xD;
	s1 =	sshrl.u32 s1, $0x2  }
0xc4: {  	s3 =	sand.u32 $0x4000, s31;
	s1 =	sadd.s32 s1, s30  }
0xc5: {  	s0 =	sor.u32 s3, s0;
	s1 =	sshll.u32 s1, $0x11  }
0xc6: {  	s0 =	sor.u32 s1, s0  }
0xc7: {  	s0 =	sadd.s32 $0x8F2B, s0  }
0xc8: {  	[sflag:s0] =	ssyncadd.remote.s32 $0x1  }
0xc9: {  	_ =	sfence.sel $0xFFFF  }
0xca: {  	[dreg:$0x0] =	wrdreg $0xFFFFFFFF;
	(pc) =	sbr.abs _section_cstart, $3  }
0xcb: {  	[dreg:$0x1] =	wrdreg $0xFFFFFFFF  }
0xcc: {  	_ =	task.clear_ibuf [dreg:s13], $0x2FFFF;
	_ =	strace $0x9FFFFFFF  }
0xcd: {  	(tm) =	ssettm $0x7FFFFFFF  }
tec
execute0_lowered:
.L_overlay_start_1:
0x0: {  	(tag) =	ssettag $0x1  }
0x1: {  	s1 =	rddreg [dreg:$0x0]  }
0x2: {  	s2 =	rddreg [dreg:$0x1]  }
0x3: {  	s4 =	rddreg [dreg:$0x2];
	v58 =	vimm.s32 $0x0;
	v63 =	vimm.s32 $0x1;
	v3 =	vimm.s32 $0xFEDCBA98  }
0x4: {  	s0 =	rddreg [dreg:$0x3];
	v59 =	vimm.s32 $0x2;
	v5 =	vimm.s32 $0x76543210;
	v4 =	vimm.s32 $0x4  }
0x5: {  	s3 =	rddreg [dreg:$0x6];
	v6 =	vimm.s32 $0x6;
	v8 =	vimm.s32 $0x8;
	v10 =	vimm.s32 $0xA  }
0x6: {  	s5 =	srdreg.scid;
	s6 =	stileid.u32;
	v12 =	vimm.s32 $0xC;
	v15 =	vimm.s32 $0x32107654;
	v16 =	vimm.s32 $0xDCFE98BA;
	s17 =	simm.s32 $0x5  }
0x7: {  	s18 =	simm.s32 $0x10;
	v17 =	vimm.s32 $0x54761032;
	v18 =	vimm.s32 $0xEFCDAB89;
	s20 =	simm.s32 $0x80;
	s28 =	simm.s32 $0x1;
	v7 =	vunpack.c.l.s4.s8 v3  }
0x8: {  	v19 =	vimm.s32 $0x67452301;
	s29 =	simm.s32 $0x1E300;
	s5 =	sand.u32 $0x1, s5;
	s7 =	sshll.u32 s6, $0x1;
	v3 =	vimm.s32 $0x3;
	v9 =	vunpack.c.l.s4.s8 v5  }
0x9: {  	s30 =	simm.s32 $0x2;
	v5 =	vimm.s32 $0x5;
	v15 =	vunpack.c.l.s4.s8 v15;
	s8 =	ssub.s32 $0x2, s5;
	s5 =	sor.u32 s5, s7;
	v11 =	vunpack.c.0.s8.s32 v7  }
0xa: {  	s31 =	simm.s32 $0x1EB00;
	s6 =	simm.s32 $0x0;
	v16 =	vunpack.c.l.s4.s8 v16;
	v17 =	vunpack.c.l.s4.s8 v17;
	s7 =	smul.u32 $0x640, s5;
	v13 =	vunpack.c.0.s8.s32 v9  }
0xb: {  	v18 =	vunpack.c.l.s4.s8 v18;
	v19 =	vunpack.c.l.s4.s8 v19;
	[smem:$0x7FF] =	sst s6;
	s9 =	sshrl.u32 s8, $0x1;
	s10 =	smul.u32 $0xC80, s5;
	v14 =	vand.u32 $0xF, v11  }
0xc: {  	v7 =	vimm.s32 $0x7;
	_ =	strace $0x80000047;
	s9 =	ssub.s32 s8, s9;
	s8 =	smul.u32 $0x32000, s5;
	v13 =	vcombine.low v14, v13;
	v14 =	vimm.s32 $0xBA98FEDC  }
0xd: {  	v9 =	vimm.s32 $0x9;
	v15 =	vunpack.c.0.s8.s32 v15;
	s5 =	simm.s32 $0x3;
	s11 =	sshrl.u32 s7, $0x3;
	s24 =	sadd.s32 s2, s10;
	v14 =	vunpack.c.l.s4.s8 v14  }
0xe: {  	v21 =	vunpack.c.0.s8.s32 v16;
	v17 =	vunpack.c.0.s8.s32 v17;
	v22 =	vunpack.c.0.s8.s32 v18;
	s25 =	sadd.s32 s4, s10;
	s26 =	smax.u32 s9, $0x1;
	[dreg:$0x9] =	wrdreg s24  }
0xf: {  	v19 =	vunpack.c.0.s8.s32 v19;
	v16 =	vimm.s32 $0xE;
	s4 =	simm.s32 $0x4;
	s1 =	sadd.s32 s1, s11;
	[dreg:$0xa] =	wrdreg s25;
	v20 =	vunpack.c.0.s8.s32 v14  }
0x10: {  	v18 =	vimm.s32 $0xF;
	v11 =	vimm.s32 $0xB;
	v17 =	vcombine.low v17, v21;
	[dreg:$0xb] =	wrdreg s26;
	s24 =	simm.s32 $0xDB00;
	s25 =	simm.s32 $0x16300  }
0x11: {  	v19 =	vcombine.low v19, v22;
	s26 =	simm.s32 $0x1A300;
	[dreg:$0x8] =	wrdreg s1;
	s1 =	simm.s32 $0x0;
	v14 =	vimm.s32 $0xD;
	v15 =	vcombine.low v15, v20  }
.LBB2_1:
0x12: {  	s2 =	rddreg [dreg:$0x4];
	s9 =	simm.s32 $0xCE80  }
0x13: {  	[tilespmem:s9], [sflag:$0x5] =	stream.linear.gather [hbm4b:s2+s6], $0x80, $0x38;
	[tilespmem:$0x1F300] =	vst v63  }
0x14: {  	_ =	swait.ge [sflag:s17], $0x80  }
0x15: {  	[sflag:s17] =	ssyncset.done $0x0  }
0x16: {  	[sflag:s17] =	ssyncadd.s32 $0xFFFFFF80  }
0x17: {  	s14 =	simm.s32 $0xCF00;
	s13 =	rddreg [dreg:$0x5]  }
0x18: {  	[tilespmem:s14], [sflag:$0x5] =	stream.linear.gather [hbm4b:s13+s6], $0x400, $0x38;
	[tilespmem:$0x1F300] =	vst v63  }
0x19: {  	_ =	swait.ge [sflag:s17], $0x400  }
0x1a: {  	[sflag:s17] =	ssyncset.done $0x0  }
0x1b: {  	[sflag:s17] =	ssyncadd.s32 $0xFFFFFC00  }
0x1c: {  	v20 =	vld [tilespmem:$0xCE80];
	_ =	sdelay $0x4  }
0x1d: {  	(v2sf) =	vpush v20, $0x0  }
0x1e: {  	(v2sf) =	vpush v20, $0x1  }
0x1f: {  	(v2sf) =	vpush v20, $0x2;
	_ =	sdelay $0xc  }
0x20: {  	s15 =	spop (v2sf)  }
0x21: {  	s16 =	spop (v2sf)  }
0x22: {  	s2 =	smax.f32 s15, s16;
	s19 =	spop (v2sf)  }
0x23: {  	s2 =	smax.f32 s2, s19  }
0x24: {  	v21 =	vmov s2  }
0x25: {  	v20 =	vsub.f32 v20, v21;
	_ =	sdelay $0x1  }
0x26: {  	v20 =	vmul.f32 $1.442695020e+00, v20;
	_ =	sdelay $0x1  }
0x27: {  	(erf) = vpow2.f32 v20;
	_ =	sdelay $0x8  }
0x28: {  	v20 =	vpop (erf)  }
0x29: {  	(v2sf) =	vpush v20, $0x0  }
0x2a: {  	(v2sf) =	vpush v20, $0x1;
	_ =	sdelay $0x1  }
0x2b: {  	(v2sf) =	vpush v20, $0x2;
	_ =	sdelay $0xb  }
0x2c: {  	s21 =	spop (v2sf)  }
0x2d: {  	s22 =	spop (v2sf)  }
0x2e: {  	s2 =	sadd.f32 s22, s21  }
0x2f: {  	s23 =	spop (v2sf)  }
0x30: {  	s2 =	sadd.f32 s2, s23;
	_ =	sdelay $0x1  }
0x31: {  	v21 =	vmov s2  }
0x32: {  	(erf) = vrcp.f32 v21;
	_ =	sdelay $0x6  }
0x33: {  	v21 =	vld [tilespmem:$0xCF00];
	_ =	sdelay $0x1  }
0x34: {  	v22 =	vpop (erf)  }
0x35: {  	v20 =	vmul.f32 v22, v20;
	v22 =	vld [tilespmem:$0xCF80];
	_ =	sdelay $0x1  }
0x36: {  	v21 =	vmul.f32 v20, v21  }
0x37: {  	v23 =	vld [tilespmem:$0xD000]  }
0x38: {  	(v2sf) =	vpush v21, $0x0  }
0x39: {  	(v2sf) =	vpush v21, $0x1;
	v22 =	vmul.f32 v20, v22  }
0x3a: {  	(v2sf) =	vpush v21, $0x2  }
0x3b: {  	(v2sf) =	vpush v22, $0x0  }
0x3c: {  	v20 =	vmul.f32 v20, v23;
	(v2sf) =	vpush v22, $0x1  }
0x3d: {  	(v2sf) =	vpush v22, $0x2  }
0x3e: {  	(v2sf) =	vpush v20, $0x0  }
0x3f: {  	(v2sf) =	vpush v20, $0x1  }
0x40: {  	(v2sf) =	vpush v20, $0x2;
	_ =	sdelay $0x4  }
0x41: {  	s12 =	rddreg [dreg:$0x8]  }
0x42: {  	[tilespmem:s6], [sflag:$0x5] =	stream.linear.gather [hbm4b:s12+s6], $0x640, $0x38;
	[tilespmem:$0x1F300] =	vst v63  }
0x43: {  	s9 =	spop (v2sf)  }
0x44: {  	s22 =	spop (v2sf)  }
0x45: {  	s10 =	spop (v2sf)  }
0x46: {  	s11 =	spop (v2sf)  }
0x47: {  	s13 =	spop (v2sf)  }
0x48: {  	s14 =	spop (v2sf)  }
0x49: {  	s15 =	spop (v2sf)  }
0x4a: {  	s19 =	spop (v2sf)  }
0x4b: {  	s21 =	spop (v2sf)  }
0x4c: {  	_ =	swait.ge [sflag:s17], $0x640  }
0x4d: {  	[sflag:s17] =	ssyncset.done $0x0  }
0x4e: {  	s16 =	simm.s32 $0x680;
	s23 =	rddreg [dreg:$0x9];
	[sflag:s17] =	ssyncadd.s32 $0xFFFFF9C0  }
0x4f: {  	[tilespmem:s16], [sflag:$0x5] =	stream.linear.gather [hbm4b:s23+s6], $0x6400, $0x38;
	[tilespmem:$0x1F300] =	vst v63  }
0x50: {  	s2 =	sadd.f32 s22, s9;
	_ =	swait.ge [sflag:s17], $0x6400  }
0x51: {  	s13 =	sadd.f32 s13, s11;
	[sflag:s17] =	ssyncset.done $0x0  }
0x52: {  	s23 =	simm.s32 $0x6A80;
	s22 =	rddreg [dreg:$0xa];
	[sflag:s17] =	ssyncadd.s32 $0xFFFF9C00  }
0x53: {  	[tilespmem:s23], [sflag:$0x5] =	stream.linear.gather [hbm4b:s22+s6], $0x6400, $0x38;
	[tilespmem:$0x1F300] =	vst v63  }
0x54: {  	s2 =	sadd.f32 s2, s10;
	_ =	swait.ge [sflag:s17], $0x6400  }
0x55: {  	s9 =	sadd.f32 s13, s14;
	[sflag:s17] =	ssyncset.done $0x0  }
0x56: {  	s14 =	simm.s32 $0xD300;
	s15 =	sadd.f32 s19, s15;
	[sflag:s17] =	ssyncadd.s32 $0xFFFF9C00  }
0x57: {  	[tilespmem:s14], [sflag:$0x1] =	stream.indirect.gather [hbm4b:s0+s18], $0x80, s6, s18, $0xb8;
	[tilespmem:$0x1F300] =	vst v63  }
0x58: {  	s19 =	simm.s32 $0xE300;
	s10 =	sadd.f32 s15, s21  }
0x59: {  	[tilespmem:s19], [sflag:$0x1] =	stream.indirect.gather [hbm4b:s0+s20], $0x80, s16, s20, $0xb8;
	[tilespmem:$0x1F300] =	vst v63  }
0x5a: {  	v22 =	vmov s2;
	s2 =	simm.s32 $0x0;
	s22 =	simm.s32 $0x700;
	s23 =	simm.s32 $0x12300  }
0x5b: {  	v20 =	vmov s9;
	v21 =	vmov s10;
	[tilespmem:s23], [sflag:$0x1] =	stream.indirect.gather [hbm4b:s0+s20], $0x80, s22, s20, $0xb8;
	[tilespmem:$0x1F300] =	vst v63  }
.LBB2_2:
0x5c: {  	s10 =	sshllo.u32 s2, $0x1  }
0x5d: {  	s9 =	sshll.u32 s10, $0x4;
	s10 =	sshll.u32 s10, $0xA  }
0x5e: {  	[tilespmem:s24], [sflag:$0x2] =	stream.indirect.gather [hbm4b:s0+s18], $0x80, s9, s18, $0xb8;
	[tilespmem:$0x1F300] =	vst v63  }
0x5f: {  	s13 =	sshrl.u32 s10, $0x2  }
0x60: {  	s10 =	sadd.s32 $0x680, s13  }
0x61: {  	[tilespmem:s25], [sflag:$0x2] =	stream.indirect.gather [hbm4b:s0+s20], $0x80, s10, s20, $0xb8;
	[tilespmem:$0x1F300] =	vst v63  }
0x62: {  	s12 =	sadd.s32 $0x700, s13  }
0x63: {  	[tilespmem:s26], [sflag:$0x2] =	stream.indirect.gather [hbm4b:s0+s20], $0x80, s12, s20, $0xb8;
	[tilespmem:$0x1F300] =	vst v63  }
0x64: {  	_ =	swait.ge [sflag:s28], $0x800  }
0x65: {  	[sflag:s28] =	ssyncset.done $0x0  }
0x66: {  	[sflag:s28] =	ssyncadd.s32 $0xFFFFF800  }
0x67: {  	_ =	swait.ge [sflag:s28], $0x4000  }
0x68: {  	[sflag:s28] =	ssyncset.done $0x0  }
0x69: {  	[sflag:s28] =	ssyncadd.s32 $0xFFFFC000  }
0x6a: {  	_ =	swait.ge [sflag:s28], $0x4000  }
0x6b: {  	p0 =	seq.s32 s2, $0x0;
	[sflag:s28] =	ssyncset.done $0x0  }
0x6c: {  	s10 =	simm.s32 @!p0 $0x3;
	[sflag:s28] =	ssyncadd.s32 $0xFFFFC000  }
0x6d: {  	_ =	swait.ge @!p0 [sflag:s10], $0x800  }
0x6e: {  	[sflag:s10] =	ssyncset.done @!p0 $0x0  }
0x6f: {  	s15 =	simm.s32 $0xE700;
	[sflag:s10] =	ssyncadd.s32 @!p0 $0xFFFFF800  }
0x70: {  	v26 =	vld [tilespmem:s15+$0xFFFFFC90]  }
0x71: {  	v27 =	vld [tilespmem:s15+$0xFFFFFD90]  }
0x72: {  	v28 =	vld [tilespmem:s15+$0xFFFFFD20]  }
0x73: {  	v29 =	vld [tilespmem:s15+$0xFFFFFE30]  }
0x74: {  	v30 =	vld [tilespmem:s15+$0x10]  }
0x75: {  	v31 =	vld [tilespmem:s15+$0xFFFFFC30]  }
0x76: {  	v25 =	vld [tilespmem:s15+$0x100]  }
0x77: {  	v32 =	vld [tilespmem:s15+$0xFFFFFC10]  }
0x78: {  	v33 =	vld [tilespmem:s15+$0xFFFFFD80]  }
0x79: {  	s14 =	sshll.u32 s2, $0x9;
	s19 =	simm.s32 $0x0;
	v34 =	vld [tilespmem:s15+$0xFFFFFD30]  }
0x7a: {  	s11 =	sand.u32 $0x200, s19;
	s10 =	sand.u32 $0x3FFFFE00, s14;
	v35 =	vld [tilespmem:s15+$0xFFFFFE20]  }
0x7b: {  	s16 =	sshrl.u32 s11, $0x2;
	s21 =	sadd.s32 $0x6A80, s10;
	v24 =	vld [tilespmem:s15+$0x210]  }
0x7c: {  	s22 =	sand.u32 $0x70, s19;
	v36 =	vld [tilespmem:s15+$0xFFFFFDA0];
	s10 =	sadd.s32 s16, s21  }
0x7d: {  	v37 =	vld [tilespmem:s15+$0x30];
	s10 =	sadd.s32 s22, s10  }
0x7e: {  	v23 =	vld [tilespmem:s10+$0x0]  }
0x7f: {  	v38 =	vld [tilespmem:s15+$0xFFFFFC00]  }
0x80: {  	s23 =	simm.s32 $0xD320;
	v39 =	vld [tilespmem:s15+$0xFFFFFC20]  }
0x81: {  	v40 =	vld [tilespmem:s23+$0xFFFFFFE0]  }
0x82: {  	v41 =	vld [tilespmem:s23+$0x0]  }
0x83: {  	v42 =	vld [tilespmem:s15+$0xFFFFFD00];
	vm0 =	veq.s32 v23, $0x1  }
0x84: {  	v43 =	vld [tilespmem:s23+$0x10];
	vm1 =	veq.s32 v23, $0x0;
	v23 =	vsel vm0, v20, v21  }
0x85: {  	v44 =	vld [tilespmem:s23+$0xFFFFFFF0];
	v23 =	vsel vm1, v22, v23  }
0x86: {  	v45 =	vld [tilespmem:s15+$0xFFFFFCB0];
	v46 =	vperm.xlane v23, v58  }
0x87: {  	v48 =	vld [tilespmem:s15+$0xFFFFFD10];
	v47 =	vperm.xlane v23, v59;
	v52 =	vperm.xlane v23, v3  }
0x88: {  	v49 =	vld [tilespmem:s15+$0xFFFFFCA0];
	v57 =	vperm.xlane v23, v63;
	v38 =	vmul.f32 v38, v46  }
0x89: {  	v50 =	vld [tilespmem:s15+$0xFFFFFC80];
	v42 =	vmul.f32 v42, v47;
	v34 =	vmul.f32 v34, v47  }
0x8a: {  	v51 =	vld [tilespmem:s15+$0xFFFFFDB0];
	v31 =	vmul.f32 v31, v46;
	v32 =	vmul.f32 v32, v46  }
0x8b: {  	v53 =	vld [tilespmem:s15+$0xFFFFFE10];
	v39 =	vmul.f32 v39, v46;
	v46 =	vperm.xlane v23, v4  }
0x8c: {  	v54 =	vld [tilespmem:s15+$0xFFFFFEA0];
	v48 =	vmul.f32 v48, v47;
	v27 =	vmul.f32 v27, v52  }
0x8d: {  	v55 =	vld [tilespmem:s15+$0xFFFFFE90];
	v33 =	vmul.f32 v33, v52;
	v28 =	vmul.f32 v28, v47  }
0x8e: {  	v56 =	vld [tilespmem:s15+$0xFFFFFF20];
	v60 =	vmul.f32 v50, v57;
	v45 =	vmul.f32 v45, v57  }
0x8f: {  	v62 =	vld [tilespmem:s15+$0xFFFFFE80];
	v26 =	vmul.f32 v26, v57;
	v61 =	vmul.f32 v49, v57  }
0x90: {  	v36 =	vmul.f32 v36, v52;
	v50 =	vld [tilespmem:s15+$0xFFFFFF30];
	v57 =	vperm.xlane v23, v5  }
0x91: {  	v49 =	vld [tilespmem:s15+$0x2B0];
	v38 =	vadd.f32 v38, v40;
	v35 =	vmul.f32 v35, v46;
	v31 =	vadd.f32 v31, v43  }
0x92: {  	v40 =	vld [tilespmem:s15+$0xFFFFFEB0];
	v32 =	vadd.f32 v32, v44;
	v39 =	vadd.f32 v39, v41;
	v41 =	vmul.f32 v51, v52  }
0x93: {  	v43 =	vld [tilespmem:s15+$0xFFFFFE00];
	v51 =	vmul.f32 v53, v46;
	v29 =	vmul.f32 v29, v46  }
0x94: {  	v44 =	vld [tilespmem:s15+$0x20];
	v52 =	vmul.f32 v54, v57;
	v26 =	vadd.f32 v26, v32;
	v31 =	vadd.f32 v45, v31  }
0x95: {  	v53 =	vld [tilespmem:s15+$0xFFFFFFB0];
	v38 =	vadd.f32 v60, v38;
	v39 =	vadd.f32 v61, v39;
	v61 =	vperm.xlane v23, v6  }
0x96: {  	v60 =	vld [tilespmem:s15+$0xFFFFFF00];
	v45 =	vmul.f32 v55, v57;
	v26 =	vadd.f32 v48, v26;
	v48 =	vmul.f32 v62, v57  }
0x97: {  	v32 =	vld [tilespmem:s15+$0xFFFFFF90];
	v31 =	vadd.f32 v34, v31;
	v54 =	vmul.f32 v50, v61;
	v50 =	vmul.f32 v56, v61  }
0x98: {  	v55 =	vld [tilespmem:s15+$0xFFFFFF80];
	v28 =	vadd.f32 v28, v39;
	v56 =	vperm.xlane v23, v7;
	v43 =	vmul.f32 v43, v46  }
0x99: {  	v62 =	vld [tilespmem:s15+$0xFFFFFF10];
	v38 =	vadd.f32 v42, v38;
	v40 =	vmul.f32 v40, v57;
	v57 =	vperm.xlane v23, v8  }
0x9a: {  	v39 =	vld [tilespmem:s15+$0x290];
	v46 =	vperm.xlane v23, v12;
	v26 =	vadd.f32 v27, v26;
	v31 =	vadd.f32 v41, v31  }
0x9b: {  	v27 =	vld [tilespmem:s15+$0x190];
	v33 =	vadd.f32 v33, v38;
	v42 =	vmul.f32 v53, v56;
	v41 =	vmul.f32 v60, v61  }
0x9c: {  	v28 =	vadd.f32 v36, v28;
	v36 =	vld [tilespmem:s15+$0x120];
	v32 =	vmul.f32 v32, v56;
	v30 =	vmul.f32 v30, v57  }
0x9d: {  	v60 =	vld [tilespmem:s15+$0x130];
	v38 =	vmul.f32 v55, v56;
	v26 =	vadd.f32 v51, v26;
	v29 =	vadd.f32 v29, v31  }
0x9e: {  	v37 =	vmul.f32 v37, v57;
	v31 =	vld [tilespmem:s15+$0xFFFFFFA0];
	v33 =	vadd.f32 v43, v33;
	v28 =	vadd.f32 v35, v28  }
0x9f: {  	v51 =	vld [tilespmem:s15+$0x110];
	v34 =	vmul.f32 v62, v61;
	v26 =	vadd.f32 v45, v26;
	v29 =	vadd.f32 v40, v29  }
0xa0: {  	v61 =	vld [tilespmem:s15+$0x0];
	v33 =	vadd.f32 v48, v33;
	v28 =	vadd.f32 v52, v28;
	v52 =	vperm.xlane v23, v10  }
0xa1: {  	v44 =	vmul.f32 v44, v57;
	v24 =	vmul.f32 v24, v46;
	v62 =	vld [tilespmem:s15+$0x90];
	v26 =	vadd.f32 v34, v26  }
0xa2: {  	v55 =	vld [tilespmem:s15+$0x80];
	v29 =	vadd.f32 v54, v29;
	v33 =	vadd.f32 v41, v33;
	v25 =	vmul.f32 v25, v52  }
0xa3: {  	v48 =	vld [tilespmem:s15+$0xB0];
	v28 =	vadd.f32 v50, v28;
	v36 =	vmul.f32 v36, v52;
	v34 =	vmul.f32 v60, v52  }
0xa4: {  	v53 =	vld [tilespmem:s15+$0xA0];
	v31 =	vmul.f32 v31, v56;
	v26 =	vadd.f32 v32, v26;
	v32 =	vperm.xlane v23, v9  }
0xa5: {  	v54 =	vld [tilespmem:s15+$0x1B0];
	v29 =	vadd.f32 v42, v29;
	v35 =	vmul.f32 v61, v57;
	v33 =	vadd.f32 v38, v33  }
0xa6: {  	v56 =	vld [tilespmem:s15+$0x1A0];
	v42 =	vmul.f32 v51, v52;
	v26 =	vadd.f32 v30, v26;
	v45 =	vmul.f32 v62, v32  }
0xa7: {  	v57 =	vld [tilespmem:s15+$0x230];
	v28 =	vadd.f32 v31, v28;
	v30 =	vperm.xlane v23, v11;
	v29 =	vadd.f32 v37, v29  }
0xa8: {  	v60 =	vld [tilespmem:s15+$0x220];
	v40 =	vmul.f32 v48, v32;
	v62 =	vmul.f32 v55, v32;
	v26 =	vadd.f32 v45, v26  }
0xa9: {  	v61 =	vld [tilespmem:s15+$0x180];
	v31 =	vadd.f32 v35, v33;
	v32 =	vmul.f32 v53, v32;
	v55 =	vperm.xlane v23, v16  }
0xaa: {  	v50 =	vld [tilespmem:s15+$0x200];
	v28 =	vadd.f32 v44, v28;
	v27 =	vmul.f32 v27, v30;
	v26 =	vadd.f32 v42, v26  }
0xab: {  	v51 =	vld [tilespmem:s15+$0x390];
	v29 =	vadd.f32 v40, v29;
	v48 =	vmul.f32 v54, v30;
	v31 =	vadd.f32 v62, v31  }
0xac: {  	v53 =	vld [tilespmem:s15+$0x280];
	v52 =	vmul.f32 v56, v30;
	v38 =	vmul.f32 v57, v46;
	v26 =	vadd.f32 v27, v26  }
0xad: {  	v45 =	vld [tilespmem:s15+$0x310];
	v28 =	vadd.f32 v32, v28;
	v29 =	vadd.f32 v34, v29;
	v27 =	vperm.xlane v23, v14  }
0xae: {  	v30 =	vmul.f32 v61, v30;
	v25 =	vadd.f32 v25, v31;
	v24 =	vadd.f32 v24, v26;
	v26 =	vld [tilespmem:s15+$0x2A0]  }
0xaf: {  	v54 =	vld [tilespmem:s15+$0x300];
	v34 =	vmul.f32 v60, v46;
	v28 =	vadd.f32 v36, v28;
	v31 =	vmul.f32 v39, v27  }
0xb0: {  	v56 =	vld [tilespmem:s15+$0x320];
	v29 =	vadd.f32 v48, v29;
	v25 =	vadd.f32 v30, v25;
	v30 =	vmul.f32 v50, v46  }
0xb1: {  	v60 =	vperm.xlane v23, v18;
	v28 =	vadd.f32 v52, v28;
	v24 =	vadd.f32 v31, v24;
	v31 =	vld [tilespmem:s15+$0x380]  }
0xb2: {  	v37 =	vmul.f32 v45, v55;
	v25 =	vadd.f32 v30, v25;
	v30 =	vld [tilespmem:s15+$0x330];
	v32 =	vmul.f32 v53, v27  }
0xb3: {  	v57 =	vmul.f32 v49, v27;
	v28 =	vadd.f32 v34, v28;
	v26 =	vmul.f32 v26, v27;
	v27 =	vld [tilespmem:s15+$0x3A0]  }
0xb4: {  	v61 =	vld [tilespmem:s15+$0x3B0];
	v29 =	vadd.f32 v38, v29;
	v23 =	vadd.f32 v32, v25;
	v25 =	vmul.f32 v54, v55  }
0xb5: {  	v62 =	vadd.f32 v37, v24;
	v24 =	vadd.f32 v26, v28;
	v26 =	vmul.f32 v56, v55  }
0xb6: {  	v23 =	vadd.f32 v25, v23;
	v25 =	vmul.f32 v31, v60;
	v28 =	vmul.f32 v51, v60  }
0xb7: {  	v29 =	vadd.f32 v57, v29;
	v30 =	vmul.f32 v30, v55;
	v26 =	vadd.f32 v26, v24  }
0xb8: {  	v24 =	vadd.f32 v25, v23;
	v23 =	vadd.f32 v28, v62;
	v25 =	vmul.f32 v27, v60  }
0xb9: {  	v28 =	vmul.f32 v61, v60;
	v27 =	vadd.f32 v30, v29  }
0xba: {  	v29 =	vmul.f32 v24, v24;
	v30 =	vmul.f32 v23, v23;
	v25 =	vadd.f32 v25, v26;
	_ =	sdelay $0x1  }
0xbb: {  	v26 =	vadd.f32 v28, v27;
	v27 =	vadd.f32 v30, v29;
	v28 =	vmul.f32 v25, v25;
	_ =	sdelay $0x1  }
0xbc: {  	v27 =	vadd.f32 v28, v27;
	v28 =	vmul.f32 v26, v26;
	_ =	sdelay $0x1  }
0xbd: {  	v27 =	vadd.f32 v28, v27;
	_ =	sdelay $0x1  }
0xbe: {  	v28 =	vperm.xlane v27, v13;
	_ =	sdelay $0x1  }
0xbf: {  	v27 =	vadd.f32 v27, v28;
	_ =	sdelay $0x1  }
0xc0: {  	v28 =	vperm.xlane v27, v15;
	_ =	sdelay $0x1  }
0xc1: {  	v27 =	vadd.f32 v27, v28;
	_ =	sdelay $0x1  }
0xc2: {  	v28 =	vperm.xlane v27, v17;
	_ =	sdelay $0x1  }
0xc3: {  	v27 =	vadd.f32 v27, v28;
	_ =	sdelay $0x1  }
0xc4: {  	v28 =	vperm.xlane v27, v19;
	_ =	sdelay $0x1  }
0xc5: {  	v27 =	vadd.f32 v27, v28;
	_ =	sdelay $0x1  }
0xc6: {  	v27 =	vmax.f32 v27, $1.000000020e-24  }
0xc7: {  	v28 =	vshrl.u32 v27, $0x1;
	v27 =	vmul.f32 $5.000000000e-01, v27  }
0xc8: {  	v28 =	vsub.s32 $0x5F3759DF, v28  }
0xc9: {  	v29 =	vmul.f32 v28, v27;
	_ =	sdelay $0x1  }
0xca: {  	v29 =	vmul.f32 v28, v29  }
0xcb: {  	s11 =	simm.s32 $0xD3A0;
	s14 =	simm.s32 $0x1E320  }
0xcc: {  	s23 =	simm.s32 $0x1E320;
	s22 =	sshll.u32 s2, $0x1;
	s10 =	simm.s32 $0x40;
	v29 =	vsub.f32 $1.500000000e+00, v29  }
.LBB2_3:
0xcd: {  	s15 =	sadd.s32 $0x800, s15;
	s19 =	sadd.s32 $0x10, s19;
	s14 =	sadd.s32 $0x80, s14  }
0xce: {  	p1 =	sne.s32 s10, $0x3C0;
	s12 =	smov.u32 s10;
	s10 =	sadd.s32 $0x40, s10;
	v28 =	vmul.f32 v28, v29  }
0xcf: {  	_ = 	snop  }
0xd0: {  	v29 =	vmul.f32 v28, v27;
	_ =	sdelay $0x1  }
0xd1: {  	v29 =	vmul.f32 v29, v28;
	_ =	sdelay $0x1  }
0xd2: {  	v29 =	vsub.f32 $1.500000000e+00, v29;
	_ =	sdelay $0x1  }
0xd3: {  	v28 =	vmul.f32 v29, v28;
	_ =	sdelay $0x1  }
0xd4: {  	v27 =	vmul.f32 v28, v27;
	_ =	sdelay $0x1  }
0xd5: {  	v27 =	vmul.f32 v27, v28;
	_ =	sdelay $0x1  }
0xd6: {  	v27 =	vsub.f32 $1.500000000e+00, v27;
	_ =	sdelay $0x1  }
0xd7: {  	v27 =	vmul.f32 v27, v28;
	_ =	sdelay $0x1  }
0xd8: {  	v24 =	vmul.f32 v27, v24;
	v23 =	vmul.f32 v27, v23  }
0xd9: {  	v25 =	vmul.f32 v27, v25;
	v26 =	vmul.f32 v27, v26  }
0xda: {  	[tilespmem:s23+$0xFFFFFFE0] =	vst v24  }
0xdb: {  	[tilespmem:s23+$0x0] =	vst v25  }
0xdc: {  	[tilespmem:s23+$0xFFFFFFF0] =	vst v23  }
0xdd: {  	[tilespmem:s23+$0x10] =	vst v26;
	s23 =	smov.u32 s14;
	_ =	sdelay $0x1  }
0xde: {  	v30 =	vld [tilespmem:s15+$0xFFFFFC90]  }
0xdf: {  	v27 =	vld [tilespmem:s15+$0xFFFFFD90]  }
0xe0: {  	v31 =	vld [tilespmem:s15+$0xFFFFFD20]  }
0xe1: {  	v32 =	vld [tilespmem:s15+$0xFFFFFE30]  }
0xe2: {  	v28 =	vld [tilespmem:s15+$0x10]  }
0xe3: {  	v29 =	vld [tilespmem:s15+$0xFFFFFC30]  }
0xe4: {  	s12 =	sand.u32 $0x200, s12;
	v33 =	vld [tilespmem:s15+$0x100]  }
0xe5: {  	s12 =	sshrl.u32 s12, $0x2;
	v34 =	vld [tilespmem:s15+$0xFFFFFC10]  }
0xe6: {  	s16 =	sand.u32 $0x70, s19;
	s12 =	sadd.s32 s12, s21;
	v35 =	vld [tilespmem:s15+$0xFFFFFD80]  }
0xe7: {  	s12 =	sadd.s32 s16, s12;
	v36 =	vld [tilespmem:s15+$0xFFFFFD30]  }
0xe8: {  	v37 =	vld [tilespmem:s15+$0xFFFFFE20]  }
0xe9: {  	v38 =	vld [tilespmem:s15+$0x210]  }
0xea: {  	v39 =	vld [tilespmem:s15+$0xFFFFFDA0]  }
0xeb: {  	v23 =	vld [tilespmem:s12+$0x0];
	_ =	sdelay $0x1  }
0xec: {  	v40 =	vld [tilespmem:s15+$0x30]  }
0xed: {  	v25 =	vld [tilespmem:s15+$0xFFFFFC00]  }
0xee: {  	v41 =	vld [tilespmem:s15+$0xFFFFFC20]  }
0xef: {  	v42 =	vld [tilespmem:s11+$0xFFFFFFE0];
	vm0 =	veq.s32 v23, $0x1  }
0xf0: {  	v43 =	vld [tilespmem:s11+$0x0];
	vm1 =	veq.s32 v23, $0x0;
	v23 =	vsel vm0, v20, v21  }
0xf1: {  	v44 =	vld [tilespmem:s15+$0xFFFFFD00];
	v24 =	vsel vm1, v22, v23  }
0xf2: {  	v45 =	vld [tilespmem:s11+$0x10];
	v47 =	vperm.xlane v24, v58;
	v23 =	vperm.xlane v24, v14  }
0xf3: {  	v46 =	vld [tilespmem:s11+$0xFFFFFFF0];
	v49 =	vperm.xlane v24, v59;
	v26 =	vperm.xlane v24, v8  }
0xf4: {  	v54 =	vperm.xlane v24, v3;
	v58 =	vperm.xlane v24, v9;
	v48 =	vld [tilespmem:s15+$0xFFFFFCB0]  }
0xf5: {  	v50 =	vmul.f32 v25, v47;
	v51 =	vld [tilespmem:s15+$0xFFFFFD10];
	v25 =	vperm.xlane v24, v12  }
0xf6: {  	v36 =	vmul.f32 v36, v49;
	v52 =	vld [tilespmem:s15+$0xFFFFFCA0];
	v44 =	vmul.f32 v44, v49  }
0xf7: {  	v42 =	vadd.f32 v50, v42;
	v50 =	vmul.f32 v29, v47;
	v53 =	vld [tilespmem:s15+$0xFFFFFC80];
	v29 =	vmul.f32 v28, v26  }
0xf8: {  	v59 =	vperm.xlane v24, v10;
	v34 =	vmul.f32 v34, v47;
	v28 =	vld [tilespmem:s15+$0xFFFFFDB0]  }
0xf9: {  	v41 =	vmul.f32 v41, v47;
	v47 =	vperm.xlane v24, v4;
	v45 =	vadd.f32 v50, v45;
	v50 =	vld [tilespmem:s15+$0xFFFFFE10]  }
0xfa: {  	v55 =	vmul.f32 v27, v54;
	v51 =	vmul.f32 v51, v49;
	v56 =	vld [tilespmem:s15+$0xFFFFFEA0]  }
0xfb: {  	v35 =	vmul.f32 v35, v54;
	v41 =	vadd.f32 v41, v43;
	v37 =	vmul.f32 v37, v47;
	v43 =	vld [tilespmem:s15+$0xFFFFFE90]  }
0xfc: {  	v27 =	vmul.f32 v33, v59;
	v33 =	vperm.xlane v24, v63;
	v57 =	vld [tilespmem:s15+$0xFFFFFF20]  }
0xfd: {  	v60 =	vmul.f32 v28, v54;
	v61 =	vld [tilespmem:s15+$0xFFFFFEB0];
	v28 =	vperm.xlane v24, v11  }
0xfe: {  	v62 =	vld [tilespmem:s15+$0xFFFFFE00];
	v50 =	vmul.f32 v50, v47  }
0xff: {  	v0 =	vperm.xlane v24, v7;
	v30 =	vmul.f32 v30, v33;
	v63 =	vld [tilespmem:s15+$0xFFFFFF30]  }
0x100: {  	v34 =	vadd.f32 v34, v46;
	v46 =	vperm.xlane v24, v5;
	v32 =	vmul.f32 v32, v47;
	v1 =	vld [tilespmem:s15+$0xFFFFFE80]  }
0x101: {  	v48 =	vmul.f32 v48, v33;
	v53 =	vmul.f32 v53, v33;
	v2 =	vld [tilespmem:s15+$0xFFFFFF90]  }
0x102: {  	v31 =	vmul.f32 v31, v49;
	v39 =	vmul.f32 v39, v54;
	v30 =	vadd.f32 v30, v34;
	v49 =	vld [tilespmem:s15+$0xFFFFFF00]  }
0x103: {  	v38 =	vmul.f32 v38, v25;
	v45 =	vadd.f32 v48, v45;
	v33 =	vmul.f32 v52, v33;
	v52 =	vld [tilespmem:s15+$0x20]  }
0x104: {  	v48 =	vperm.xlane v24, v6;
	v30 =	vadd.f32 v51, v30;
	v47 =	vmul.f32 v62, v47;
	v54 =	vld [tilespmem:s15+$0x190]  }
0x105: {  	v36 =	vadd.f32 v36, v45;
	v34 =	vmul.f32 v56, v46;
	v1 =	vmul.f32 v1, v46;
	v56 =	vld [tilespmem:s15+$0x290]  }
0x106: {  	v42 =	vadd.f32 v53, v42;
	v33 =	vadd.f32 v33, v41;
	v53 =	vmul.f32 v61, v46;
	v61 =	vld [tilespmem:s15+$0xFFFFFF10]  }
0x107: {  	v30 =	vadd.f32 v55, v30;
	v41 =	vmul.f32 v43, v46;
	v43 =	vmul.f32 v49, v48;
	v46 =	vld [tilespmem:s15+$0x120]  }
0x108: {  	v49 =	vmul.f32 v63, v48;
	v63 =	vimm.s32 $0x1;
	v51 =	vmul.f32 v52, v26;
	v52 =	vld [tilespmem:s15+$0x130]  }
0x109: {  	v36 =	vadd.f32 v60, v36;
	v2 =	vmul.f32 v2, v0;
	v45 =	vld [tilespmem:s15+$0xFFFFFFB0];
	v54 =	vmul.f32 v54, v28  }
0x10a: {  	v31 =	vadd.f32 v31, v33;
	v42 =	vadd.f32 v44, v42;
	v33 =	vmul.f32 v57, v48;
	v55 =	vld [tilespmem:s15+$0x110]  }
0x10b: {  	v40 =	vmul.f32 v40, v26;
	v30 =	vadd.f32 v50, v30;
	v48 =	vmul.f32 v61, v48;
	v57 =	vld [tilespmem:s15+$0xFFFFFFA0]  }
0x10c: {  	v32 =	vadd.f32 v32, v36;
	v35 =	vadd.f32 v35, v42;
	v44 =	vld [tilespmem:s15+$0x90];
	v46 =	vmul.f32 v46, v59  }
0x10d: {  	v30 =	vadd.f32 v41, v30;
	v36 =	vld [tilespmem:s15+$0xB0];
	v50 =	vmul.f32 v52, v59;
	v52 =	vperm.xlane v24, v16  }
0x10e: {  	v31 =	vadd.f32 v39, v31;
	v32 =	vadd.f32 v53, v32;
	v41 =	vld [tilespmem:s15+$0xFFFFFF80];
	v42 =	vmul.f32 v45, v0  }
0x10f: {  	v45 =	vld [tilespmem:s15+$0xA0];
	v53 =	vmul.f32 v55, v59;
	v59 =	vimm.s32 $0x2;
	v55 =	vmul.f32 v56, v23  }
0x110: {  	v35 =	vadd.f32 v47, v35;
	v30 =	vadd.f32 v48, v30;
	v39 =	vmul.f32 v57, v0;
	v47 =	vld [tilespmem:s15+$0x0]  }
0x111: {  	v31 =	vadd.f32 v37, v31;
	v32 =	vadd.f32 v49, v32;
	v44 =	vmul.f32 v44, v58;
	v48 =	vld [tilespmem:s15+$0x1B0]  }
0x112: {  	v1 =	vadd.f32 v1, v35;
	v2 =	vadd.f32 v2, v30;
	v35 =	vld [tilespmem:s15+$0x80];
	v36 =	vmul.f32 v36, v58  }
0x113: {  	v31 =	vadd.f32 v34, v31;
	v30 =	vadd.f32 v42, v32;
	v0 =	vmul.f32 v41, v0;
	v32 =	vld [tilespmem:s15+$0x1A0]  }
0x114: {  	v1 =	vadd.f32 v43, v1;
	v2 =	vadd.f32 v29, v2;
	v34 =	vmul.f32 v45, v58;
	v37 =	vld [tilespmem:s15+$0x230]  }
0x115: {  	v31 =	vadd.f32 v33, v31;
	v29 =	vadd.f32 v40, v30;
	v26 =	vmul.f32 v47, v26;
	v30 =	vld [tilespmem:s15+$0x220]  }
0x116: {  	v2 =	vadd.f32 v44, v2;
	v0 =	vadd.f32 v0, v1;
	v1 =	vld [tilespmem:s15+$0x180];
	v33 =	vmul.f32 v48, v28  }
0x117: {  	v29 =	vadd.f32 v36, v29;
	v35 =	vmul.f32 v35, v58;
	v58 =	vimm.s32 $0x0;
	v36 =	vld [tilespmem:s15+$0x310]  }
0x118: {  	v31 =	vadd.f32 v39, v31;
	v0 =	vadd.f32 v26, v0;
	v26 =	vmul.f32 v32, v28;
	v32 =	vld [tilespmem:s15+$0x2B0]  }
0x119: {  	v2 =	vadd.f32 v53, v2;
	v29 =	vadd.f32 v50, v29;
	v37 =	vmul.f32 v37, v25;
	v39 =	vld [tilespmem:s15+$0x330]  }
0x11a: {  	v31 =	vadd.f32 v51, v31;
	v0 =	vadd.f32 v35, v0;
	v35 =	vld [tilespmem:s15+$0x200];
	v30 =	vmul.f32 v30, v25  }
0x11b: {  	v2 =	vadd.f32 v54, v2;
	v1 =	vmul.f32 v1, v28;
	v28 =	vadd.f32 v33, v29;
	v29 =	vld [tilespmem:s15+$0x390]  }
0x11c: {  	v31 =	vadd.f32 v34, v31;
	v0 =	vadd.f32 v27, v0;
	v27 =	vld [tilespmem:s15+$0x280];
	v33 =	vmul.f32 v36, v52  }
0x11d: {  	v2 =	vadd.f32 v38, v2;
	v28 =	vadd.f32 v37, v28;
	v34 =	vld [tilespmem:s15+$0x2A0];
	v32 =	vmul.f32 v32, v23  }
0x11e: {  	v31 =	vadd.f32 v46, v31;
	v0 =	vadd.f32 v1, v0;
	v1 =	vld [tilespmem:s15+$0x300];
	v36 =	vmul.f32 v39, v52  }
0x11f: {  	v2 =	vadd.f32 v55, v2;
	v25 =	vmul.f32 v35, v25;
	v28 =	vadd.f32 v32, v28;
	v32 =	vld [tilespmem:s15+$0x320]  }
0x120: {  	v26 =	vadd.f32 v26, v31;
	v31 =	vperm.xlane v24, v18;
	v24 =	vld [tilespmem:s15+$0x380]  }
0x121: {  	v0 =	vadd.f32 v25, v0;
	v25 =	vmul.f32 v27, v23;
	v27 =	vadd.f32 v36, v28;
	v28 =	vld [tilespmem:s15+$0x3A0]  }
0x122: {  	v26 =	vadd.f32 v30, v26;
	v2 =	vadd.f32 v33, v2;
	v23 =	vmul.f32 v34, v23  }
0x123: {  	v0 =	vadd.f32 v25, v0;
	v1 =	vmul.f32 v1, v52;
	v30 =	vld [tilespmem:s15+$0x3B0]  }
0x124: {  	v23 =	vadd.f32 v23, v26;
	v25 =	vmul.f32 v32, v52  }
0x125: {  	v26 =	vmul.f32 v29, v31;
	v0 =	vadd.f32 v1, v0;
	v1 =	vmul.f32 v24, v31  }
0x126: {  	v25 =	vadd.f32 v25, v23;
	v28 =	vmul.f32 v28, v31  }
0x127: {  	v23 =	vadd.f32 v26, v2;
	v24 =	vadd.f32 v1, v0  }
0x128: {  	v25 =	vadd.f32 v28, v25;
	v0 =	vmul.f32 v30, v31  }
0x129: {  	v2 =	vmul.f32 v23, v23;
	v1 =	vmul.f32 v24, v24;
	_ =	sdelay $0x1  }
0x12a: {  	v26 =	vadd.f32 v0, v27;
	v0 =	vadd.f32 v2, v1;
	v1 =	vmul.f32 v25, v25;
	_ =	sdelay $0x1  }
0x12b: {  	v0 =	vadd.f32 v1, v0;
	v1 =	vmul.f32 v26, v26;
	_ =	sdelay $0x1  }
0x12c: {  	v0 =	vadd.f32 v1, v0;
	_ =	sdelay $0x1  }
0x12d: {  	v1 =	vperm.xlane v0, v13;
	_ =	sdelay $0x1  }
0x12e: {  	v0 =	vadd.f32 v0, v1;
	_ =	sdelay $0x1  }
0x12f: {  	v1 =	vperm.xlane v0, v15;
	_ =	sdelay $0x1  }
0x130: {  	v0 =	vadd.f32 v0, v1;
	_ =	sdelay $0x1  }
0x131: {  	v1 =	vperm.xlane v0, v17;
	_ =	sdelay $0x1  }
0x132: {  	v0 =	vadd.f32 v0, v1;
	_ =	sdelay $0x1  }
0x133: {  	v1 =	vperm.xlane v0, v19;
	_ =	sdelay $0x1  }
0x134: {  	v0 =	vadd.f32 v0, v1;
	_ =	sdelay $0x1  }
0x135: {  	v0 =	vmax.f32 v0, $1.000000020e-24  }
0x136: {  	v1 =	vshrl.u32 v0, $0x1;
	v27 =	vmul.f32 $5.000000000e-01, v0  }
0x137: {  	v28 =	vsub.s32 $0x5F3759DF, v1  }
.Ltmp0:
0x138: {  	v0 =	vmul.f32 v28, v27;
	(pc) =	sbr.rel @p1 .LBB2_3-.Ltmp0, $3  }
0x139: {  	_ = 	snop  }
0x13a: {  	v0 =	vmul.f32 v28, v0;
	_ =	sdelay $0x1  }
0x13b: {  	s11 =	sadd.s32 $0x80, s11;
	v29 =	vsub.f32 $1.500000000e+00, v0  }
0x13c: {  	_ = 	snop  }
0x13d: {  	v0 =	vmul.f32 v28, v29;
	_ =	sdelay $0x1  }
0x13e: {  	v1 =	vmul.f32 v0, v27;
	_ =	sdelay $0x1  }
0x13f: {  	v1 =	vmul.f32 v1, v0;
	_ =	sdelay $0x1  }
0x140: {  	v1 =	vsub.f32 $1.500000000e+00, v1;
	_ =	sdelay $0x1  }
0x141: {  	v0 =	vmul.f32 v1, v0;
	_ =	sdelay $0x1  }
0x142: {  	v1 =	vmul.f32 v0, v27;
	_ =	sdelay $0x1  }
0x143: {  	v1 =	vmul.f32 v1, v0;
	_ =	sdelay $0x1  }
0x144: {  	v1 =	vsub.f32 $1.500000000e+00, v1;
	_ =	sdelay $0x1  }
0x145: {  	v0 =	vmul.f32 v1, v0;
	_ =	sdelay $0x1  }
0x146: {  	v1 =	vmul.f32 v0, v24  }
0x147: {  	v2 =	vmul.f32 v0, v25  }
0x148: {  	s10 =	sshll.u32 s2, $0xC;
	v23 =	vmul.f32 v0, v23;
	[tilespmem:s23+$0xFFFFFFE0] =	vst v1  }
0x149: {  	s10 =	sadd.s32 s8, s10;
	v0 =	vmul.f32 v0, v26;
	[tilespmem:s23+$0x0] =	vst v2  }
0x14a: {  	s10 =	sshrl.u32 s10, $0x3;
	[tilespmem:s23+$0xFFFFFFF0] =	vst v23  }
0x14b: {  	p1 =	seq.s32 s2, $0x31;
	s10 =	sadd.s32 s3, s10;
	[tilespmem:s23+$0x10] =	vst v0  }
0x14c: {  	[hbm4b:s10+s6] =	stream.linear.scatter [tilespmem:s29], [sflag:$0x3], $0x800, $0x38;
	[tilespmem:$0x1F300] =	vst v63  }
0x14d: {  	s10 =	sadd.s32 @!p1 $0x2, s22  }
0x14e: {  	s14 =	simm.s32 @!p1 $0xD300;
	s11 =	sshll.u32 @!p1 s10, $0x4;
	s10 =	sshll.u32 @!p1 s10, $0x8  }
0x14f: {  	s12 =	simm.s32 @!p1 $0x10;
	s11 =	sand.u32 @!p1 $0x3FFFFFF0, s11;
	s10 =	sand.u32 @!p1 $0x3FFFFF00, s10  }
0x150: {  	[tilespmem:s14], [sflag:$0x1] =	stream.indirect.gather @!p1 [hbm4b:s0+s12], $0x80, s11, s12, $0xb8;
	[tilespmem:$0x1F300] =	vst v63  }
0x151: {  	s11 =	sadd.s32 @!p1 $0x680, s10;
	s12 =	simm.s32 @!p1 $0x80;
	s14 =	simm.s32 @!p1 $0xE300  }
0x152: {  	[tilespmem:s14], [sflag:$0x1] =	stream.indirect.gather @!p1 [hbm4b:s0+s12], $0x80, s11, s12, $0xb8;
	[tilespmem:$0x1F300] =	vst v63  }
0x153: {  	s10 =	sadd.s32 @!p1 $0x700, s10;
	s11 =	simm.s32 @!p1 $0x12300  }
0x154: {  	[tilespmem:s11], [sflag:$0x1] =	stream.indirect.gather @!p1 [hbm4b:s0+s12], $0x80, s10, s12, $0xb8;
	[tilespmem:$0x1F300] =	vst v63  }
0x155: {  	_ =	swait.ge [sflag:s30], $0x800  }
0x156: {  	[sflag:s30] =	ssyncset.done $0x0  }
0x157: {  	[sflag:s30] =	ssyncadd.s32 $0xFFFFF800  }
0x158: {  	_ =	swait.ge [sflag:s30], $0x4000  }
0x159: {  	[sflag:s30] =	ssyncset.done $0x0  }
0x15a: {  	[sflag:s30] =	ssyncadd.s32 $0xFFFFC000  }
0x15b: {  	_ =	swait.ge [sflag:s30], $0x4000  }
0x15c: {  	[sflag:s30] =	ssyncset.done $0x0  }
0x15d: {  	s9 =	sadd.s32 s7, s9;
	s10 =	simm.s32 @!p0 $0x4;
	[sflag:s30] =	ssyncadd.s32 $0xFFFFC000  }
0x15e: {  	s15 =	simm.s32 $0x0;
	s19 =	simm.s32 $0x0;
	_ =	swait.ge @!p0 [sflag:s10], $0x800  }
0x15f: {  	s14 =	simm.s32 $0x0;
	s11 =	simm.s32 $0xDB30;
	[sflag:s10] =	ssyncset.done @!p0 $0x0  }
0x160: {  	[sflag:s10] =	ssyncadd.s32 @!p0 $0xFFFFF800;
	s10 =	sadd.s32 $0x6A80, s13;
	s13 =	simm.s32 $0x1EB30  }
.LBB2_5:
0x161: {  	v0 =	vld [tilespmem:s11+$0xFFFFFFD0]  }
0x162: {  	v1 =	vld [tilespmem:s11+$0xFFFFFFE0]  }
0x163: {  	v2 =	vld [tilespmem:s11+$0xFFFFFFF0]  }
0x164: {  	v24 =	vld [tilespmem:s11+$0x0];
	s21 =	sshra.s32 s19, $0x2  }
0x165: {  	v25 =	vld [tilespmem:s21+$0x16300]  }
0x166: {  	v26 =	vld [tilespmem:s21+$0x16310]  }
0x167: {  	v27 =	vld [tilespmem:s21+$0x16320]  }
0x168: {  	v28 =	vld [tilespmem:s21+$0x16330]  }
0x169: {  	v29 =	vld [tilespmem:s21+$0x16380]  }
0x16a: {  	v30 =	vld [tilespmem:s21+$0x16390]  }
0x16b: {  	v31 =	vld [tilespmem:s21+$0x163A0]  }
0x16c: {  	s12 =	sand.u32 $0x200, s14;
	v32 =	vld [tilespmem:s21+$0x163B0]  }
0x16d: {  	s12 =	sshrl.u32 s12, $0x2;
	v33 =	vld [tilespmem:s21+$0x16400]  }
0x16e: {  	s16 =	sand.u32 $0x70, s15;
	v34 =	vld [tilespmem:s21+$0x16410];
	s12 =	sadd.s32 s12, s10  }
0x16f: {  	v35 =	vld [tilespmem:s21+$0x16420];
	s12 =	sadd.s32 s16, s12  }
0x170: {  	v23 =	vld [tilespmem:s12+$0x0]  }
0x171: {  	v36 =	vld [tilespmem:s21+$0x16430]  }
0x172: {  	v37 =	vld [tilespmem:s21+$0x16480]  }
0x173: {  	v38 =	vld [tilespmem:s21+$0x16490]  }
0x174: {  	v39 =	vld [tilespmem:s21+$0x164A0]  }
0x175: {  	v40 =	vld [tilespmem:s21+$0x164B0];
	vm0 =	veq.s32 v23, $0x1  }
0x176: {  	v41 =	vld [tilespmem:s21+$0x16500];
	vm1 =	veq.s32 v23, $0x0;
	v23 =	vsel vm0, v20, v21  }
0x177: {  	v42 =	vld [tilespmem:s21+$0x16510];
	v23 =	vsel vm1, v22, v23  }
0x178: {  	v43 =	vld [tilespmem:s21+$0x16520];
	v44 =	vperm.xlane v23, v58  }
0x179: {  	v45 =	vld [tilespmem:s21+$0x16530];
	v48 =	vperm.xlane v23, v63  }
0x17a: {  	v46 =	vld [tilespmem:s21+$0x16580];
	v56 =	vperm.xlane v23, v59;
	v25 =	vmul.f32 v25, v44  }
0x17b: {  	v47 =	vld [tilespmem:s21+$0x16590];
	v26 =	vmul.f32 v26, v44;
	v27 =	vmul.f32 v27, v44  }
0x17c: {  	v49 =	vld [tilespmem:s21+$0x165A0];
	v52 =	vmul.f32 v28, v44;
	v53 =	vmul.f32 v29, v48  }
0x17d: {  	v54 =	vmul.f32 v30, v48;
	v29 =	vld [tilespmem:s21+$0x16600];
	v55 =	vmul.f32 v31, v48  }
0x17e: {  	v31 =	vld [tilespmem:s21+$0x16610];
	v57 =	vmul.f32 v32, v48;
	v60 =	vmul.f32 v33, v56  }
0x17f: {  	v28 =	vld [tilespmem:s21+$0x16620];
	v61 =	vmul.f32 v34, v56;
	v44 =	vperm.xlane v23, v3  }
0x180: {  	v33 =	vld [tilespmem:s21+$0x16630];
	v62 =	vmul.f32 v35, v56;
	v48 =	vmul.f32 v36, v56;
	v0 =	vadd.f32 v25, v0  }
0x181: {  	v35 =	vld [tilespmem:s21+$0x16680];
	v1 =	vadd.f32 v26, v1;
	v2 =	vadd.f32 v27, v2;
	v50 =	vmul.f32 v37, v44  }
0x182: {  	v30 =	vld [tilespmem:s21+$0x16690];
	v24 =	vadd.f32 v52, v24;
	v51 =	vmul.f32 v38, v44;
	v52 =	vmul.f32 v39, v44  }
0x183: {  	v36 =	vld [tilespmem:s21+$0x166A0];
	v0 =	vadd.f32 v53, v0;
	v1 =	vadd.f32 v54, v1;
	v53 =	vperm.xlane v23, v4  }
0x184: {  	v32 =	vld [tilespmem:s21+$0x16700];
	v2 =	vadd.f32 v55, v2;
	v24 =	vadd.f32 v57, v24;
	v54 =	vmul.f32 v40, v44  }
0x185: {  	v26 =	vld [tilespmem:s21+$0x165B0];
	v0 =	vadd.f32 v60, v0;
	v1 =	vadd.f32 v61, v1;
	v55 =	vmul.f32 v41, v53  }
0x186: {  	v34 =	vld [tilespmem:s21+$0x16730];
	v2 =	vadd.f32 v62, v2;
	v56 =	vmul.f32 v42, v53;
	v60 =	vperm.xlane v23, v5  }
0x187: {  	v38 =	vld [tilespmem:s21+$0x166B0];
	v24 =	vadd.f32 v48, v24;
	v57 =	vmul.f32 v43, v53;
	v61 =	vmul.f32 v45, v53  }
0x188: {  	v39 =	vld [tilespmem:s21+$0x16710];
	v0 =	vadd.f32 v50, v0;
	v1 =	vadd.f32 v51, v1;
	v62 =	vmul.f32 v46, v60  }
0x189: {  	v27 =	vld [tilespmem:s21+$0x167A0];
	v2 =	vadd.f32 v52, v2;
	v48 =	vmul.f32 v47, v60;
	v51 =	vperm.xlane v23, v6  }
0x18a: {  	v37 =	vld [tilespmem:s21+$0x16800];
	v24 =	vadd.f32 v54, v24;
	v50 =	vmul.f32 v49, v60;
	v26 =	vmul.f32 v26, v60  }
0x18b: {  	v44 =	vld [tilespmem:s21+$0x16990];
	v0 =	vadd.f32 v55, v0;
	v1 =	vadd.f32 v56, v1;
	v53 =	vmul.f32 v29, v51  }
0x18c: {  	v41 =	vld [tilespmem:s21+$0x16720];
	v2 =	vadd.f32 v57, v2;
	v54 =	vmul.f32 v31, v51;
	v56 =	vperm.xlane v23, v7  }
0x18d: {  	v42 =	vld [tilespmem:s21+$0x16780];
	v24 =	vadd.f32 v61, v24;
	v55 =	vmul.f32 v28, v51;
	v57 =	vmul.f32 v33, v51  }
0x18e: {  	v52 =	vld [tilespmem:s21+$0x16790];
	v0 =	vadd.f32 v62, v0;
	v60 =	vmul.f32 v35, v56;
	v30 =	vmul.f32 v30, v56  }
0x18f: {  	v46 =	vld [tilespmem:s21+$0x16890];
	v1 =	vadd.f32 v48, v1;
	v61 =	vmul.f32 v36, v56;
	v62 =	vperm.xlane v23, v8  }
0x190: {  	v31 =	vld [tilespmem:s21+$0x167B0];
	v2 =	vadd.f32 v50, v2;
	v40 =	vmul.f32 v38, v56;
	v48 =	vperm.xlane v23, v9  }
0x191: {  	v29 =	vld [tilespmem:s21+$0x16810];
	v24 =	vadd.f32 v26, v24;
	v43 =	vmul.f32 v32, v62;
	v45 =	vmul.f32 v39, v62  }
0x192: {  	v33 =	vld [tilespmem:s21+$0x16820];
	v0 =	vadd.f32 v53, v0;
	v47 =	vmul.f32 v41, v62;
	v50 =	vmul.f32 v34, v62  }
0x193: {  	v49 =	vld [tilespmem:s21+$0x168A0];
	v1 =	vadd.f32 v54, v1;
	v51 =	vmul.f32 v42, v48;
	v52 =	vmul.f32 v52, v48  }
0x194: {  	v28 =	vld [tilespmem:s21+$0x16880];
	v2 =	vadd.f32 v55, v2;
	v54 =	vmul.f32 v27, v48;
	v55 =	vperm.xlane v23, v10  }
0x195: {  	v36 =	vld [tilespmem:s21+$0x16830];
	v24 =	vadd.f32 v57, v24;
	v41 =	vperm.xlane v23, v11;
	v56 =	vmul.f32 v31, v48  }
0x196: {  	v53 =	vld [tilespmem:s21+$0x16900];
	v0 =	vadd.f32 v60, v0;
	v1 =	vadd.f32 v30, v1;
	v60 =	vmul.f32 v37, v55  }
0x197: {  	v57 =	vld [tilespmem:s21+$0x16920];
	v2 =	vadd.f32 v61, v2;
	v29 =	vmul.f32 v29, v55;
	v62 =	vmul.f32 v33, v55  }
0x198: {  	v24 =	vadd.f32 v40, v24;
	v30 =	vld [tilespmem:s21+$0x168B0];
	v46 =	vmul.f32 v46, v41;
	v48 =	vmul.f32 v49, v41  }
0x199: {  	v40 =	vld [tilespmem:s21+$0x16910];
	v49 =	vperm.xlane v23, v12;
	v0 =	vadd.f32 v43, v0;
	v1 =	vadd.f32 v45, v1  }
0x19a: {  	v42 =	vld [tilespmem:s21+$0x16980];
	v2 =	vadd.f32 v47, v2;
	v24 =	vadd.f32 v50, v24;
	v43 =	vmul.f32 v36, v55  }
0x19b: {  	v61 =	vld [tilespmem:s21+$0x16930];
	v45 =	vmul.f32 v28, v41;
	v53 =	vmul.f32 v53, v49;
	v0 =	vadd.f32 v51, v0  }
0x19c: {  	v47 =	vld [tilespmem:s21+$0x169A0];
	v31 =	vmul.f32 v57, v49;
	v1 =	vadd.f32 v52, v1;
	v2 =	vadd.f32 v54, v2  }
0x19d: {  	v55 =	vld [tilespmem:s21+$0x16A10];
	v24 =	vadd.f32 v56, v24;
	v54 =	vperm.xlane v23, v14;
	v51 =	vmul.f32 v30, v41  }
0x19e: {  	v50 =	vld [tilespmem:s21+$0x169B0];
	v56 =	vmul.f32 v40, v49;
	v41 =	vperm.xlane v23, v16;
	v0 =	vadd.f32 v60, v0  }
0x19f: {  	v57 =	vld [tilespmem:s21+$0x16A20];
	v23 =	vperm.xlane v23, v18;
	v1 =	vadd.f32 v29, v1;
	v2 =	vadd.f32 v62, v2  }
0x1a0: {  	v52 =	vld [tilespmem:s21+$0x16A00];
	v24 =	vadd.f32 v43, v24;
	v60 =	vmul.f32 v61, v49;
	v61 =	vmul.f32 v42, v54  }
0x1a1: {  	v62 =	vld [tilespmem:s21+$0x16A80];
	v40 =	vmul.f32 v44, v54;
	v0 =	vadd.f32 v45, v0;
	v1 =	vadd.f32 v46, v1  }
0x1a2: {  	v42 =	vld [tilespmem:s21+$0x16A90];
	v43 =	vmul.f32 v47, v54;
	v47 =	vmul.f32 v55, v41;
	v2 =	vadd.f32 v48, v2  }
0x1a3: {  	v44 =	vld [tilespmem:s21+$0x16A30];
	v30 =	vmul.f32 v50, v54;
	v0 =	vadd.f32 v53, v0;
	v1 =	vadd.f32 v56, v1  }
0x1a4: {  	v24 =	vadd.f32 v51, v24;
	v46 =	vld [tilespmem:s21+$0x16AA0];
	v49 =	vmul.f32 v57, v41;
	v2 =	vadd.f32 v31, v2  }
0x1a5: {  	v48 =	vld [tilespmem:s21+$0x16AB0];
	v45 =	vmul.f32 v52, v41;
	v0 =	vadd.f32 v61, v0;
	v1 =	vadd.f32 v40, v1  }
0x1a6: {  	v24 =	vadd.f32 v60, v24;
	v50 =	vmul.f32 v62, v23;
	v2 =	vadd.f32 v43, v2  }
0x1a7: {  	v51 =	vmul.f32 v42, v23;
	v0 =	vadd.f32 v45, v0;
	v1 =	vadd.f32 v47, v1  }
0x1a8: {  	v52 =	vmul.f32 v44, v41;
	v24 =	vadd.f32 v30, v24;
	v2 =	vadd.f32 v49, v2  }
0x1a9: {  	v53 =	vmul.f32 v46, v23;
	v0 =	vadd.f32 v50, v0;
	v1 =	vadd.f32 v51, v1  }
0x1aa: {  	v23 =	vmul.f32 v48, v23;
	v24 =	vadd.f32 v52, v24  }
0x1ab: {  	v2 =	vadd.f32 v53, v2;
	v54 =	vmul.f32 v0, v0;
	v55 =	vmul.f32 v1, v1;
	_ =	sdelay $0x1  }
0x1ac: {  	v23 =	vadd.f32 v23, v24;
	v57 =	vmul.f32 v2, v2;
	v56 =	vadd.f32 v55, v54;
	_ =	sdelay $0x1  }
0x1ad: {  	v60 =	vmul.f32 v23, v23;
	v24 =	vadd.f32 v57, v56;
	_ =	sdelay $0x1  }
0x1ae: {  	v24 =	vadd.f32 v60, v24;
	_ =	sdelay $0x1  }
0x1af: {  	v25 =	vperm.xlane v24, v13;
	_ =	sdelay $0x1  }
0x1b0: {  	v24 =	vadd.f32 v24, v25;
	_ =	sdelay $0x1  }
0x1b1: {  	v25 =	vperm.xlane v24, v15;
	_ =	sdelay $0x1  }
0x1b2: {  	v24 =	vadd.f32 v24, v25;
	_ =	sdelay $0x1  }
0x1b3: {  	v25 =	vperm.xlane v24, v17;
	_ =	sdelay $0x1  }
0x1b4: {  	v24 =	vadd.f32 v24, v25;
	_ =	sdelay $0x1  }
0x1b5: {  	v25 =	vperm.xlane v24, v19;
	_ =	sdelay $0x1  }
0x1b6: {  	v24 =	vadd.f32 v24, v25;
	_ =	sdelay $0x1  }
0x1b7: {  	v24 =	vmax.f32 v24, $1.000000020e-24  }
0x1b8: {  	v61 =	vshrl.u32 v24, $0x1;
	v24 =	vmul.f32 $5.000000000e-01, v24  }
0x1b9: {  	v25 =	vsub.s32 $0x5F3759DF, v61  }
0x1ba: {  	v62 =	vmul.f32 v25, v24;
	_ =	sdelay $0x1  }
0x1bb: {  	v26 =	vmul.f32 v25, v62;
	_ =	sdelay $0x1  }
0x1bc: {  	v26 =	vsub.f32 $1.500000000e+00, v26;
	_ =	sdelay $0x1  }
0x1bd: {  	v25 =	vmul.f32 v25, v26;
	_ =	sdelay $0x1  }
0x1be: {  	v26 =	vmul.f32 v25, v24;
	_ =	sdelay $0x1  }
0x1bf: {  	v26 =	vmul.f32 v26, v25;
	_ =	sdelay $0x1  }
0x1c0: {  	v26 =	vsub.f32 $1.500000000e+00, v26;
	_ =	sdelay $0x1  }
0x1c1: {  	v25 =	vmul.f32 v26, v25;
	_ =	sdelay $0x1  }
0x1c2: {  	v24 =	vmul.f32 v25, v24;
	_ =	sdelay $0x1  }
0x1c3: {  	v24 =	vmul.f32 v24, v25;
	_ =	sdelay $0x1  }
0x1c4: {  	v24 =	vsub.f32 $1.500000000e+00, v24;
	_ =	sdelay $0x1  }
0x1c5: {  	v24 =	vmul.f32 v24, v25;
	_ =	sdelay $0x1  }
0x1c6: {  	p0 =	sne.s32 s19, $0x1E000;
	v0 =	vmul.f32 v24, v0  }
.Ltmp1:
0x1c7: {  	v1 =	vmul.f32 v24, v1;
	(pc) =	sbr.rel @p0 .LBB2_5-.Ltmp1, $4  }
0x1c8: {  	[tilespmem:s13+$0xFFFFFFD0] =	vst v0;
	v0 =	vmul.f32 v24, v2  }
0x1c9: {  	[tilespmem:s13+$0xFFFFFFE0] =	vst v1;
	v1 =	vmul.f32 v24, v23  }
0x1ca: {  	s11 =	sadd.s32 $0x80, s11;
	s15 =	sadd.s32 $0x10, s15;
	[tilespmem:s13+$0xFFFFFFF0] =	vst v0  }
0x1cb: {  	s14 =	sadd.s32 $0x40, s14;
	s19 =	sadd.s32 $0x2000, s19;
	[tilespmem:s13+$0x0] =	vst v1;
	s13 =	sadd.s32 $0x80, s13  }
0x1cc: {  	s2 =	sadd.s32 $0x1, s2  }
0x1cd: {  	p0 =	sne.s32 s2, $0x32  }
.Ltmp2:
0x1ce: {  	_ = 	snop;
	(pc) =	sbr.rel @p0 .LBB2_2-.Ltmp2, $4  }
0x1cf: {  	_ = 	snop  }
0x1d0: {  	s9 =	sshll.u32 s9, $0x4  }
0x1d1: {  	s9 =	sadd.s32 s3, s9  }
0x1d2: {  	[hbm4b:s9+s6] =	stream.linear.scatter [tilespmem:s31], [sflag:$0x4], $0x800, $0x38;
	[tilespmem:$0x1F300] =	vst v63  }
0x1d3: {  	_ =	swait.ge [sflag:s5], $0x800  }
0x1d4: {  	[sflag:s5] =	ssyncset.done $0x0  }
0x1d5: {  	[sflag:s5] =	ssyncadd.s32 $0xFFFFF800  }
0x1d6: {  	_ =	swait.ge [sflag:s4], $0x800  }
0x1d7: {  	s1 =	sadd.s32 $0x1, s1;
	s2 =	rddreg [dreg:$0xb]  }
0x1d8: {  	p0 =	sne.s32 s1, s2  }
.Ltmp3:
0x1d9: {  	_ = 	snop;
	(pc) =	sbr.rel @p0 .LBB2_1-.Ltmp3, $3  }
0x1da: {  	_ =	sdelay $0x1  }
0x1db: {  	[sflag:s4] =	ssyncset.done $0x0  }
0x1dc: {  	[sflag:s4] =	ssyncadd.s32 $0xFFFFF800  }
0x1dd: {  	_ =	sfence.sel $0x180000  }
0x1de: {  	[bflag:$0x0] =	sbarrier.arrive $0xFFFF  }
0x1df: {  	_ =	strace $0x90000047  }
0x1e0: {  	s0 =	stileid.u32;
	[bflag:$0x2] =	sbarrier.arrive $0xFFFF  }
0x1e1: {  	p0 =	sne.s32 s0, $0x0;
	s0 =	rddreg [dreg:$0x7]  }
0x1e2: {  	s0 =	sadd.s32 @!p0 $0x100000, s0  }
0x1e3: {  	[sflag:s0] =	ssyncadd.tile.s32 @!p0 $0x1;
	_ =	shalt  }
.Lfunc_end2:
_tile_overlayer_lowered:
.L_overlay_start_2:
0x1e4: {  	(tag) =	ssettag $0x2  }
0x1e5: {  	s0 =	rddreg [dreg:$0x0];
	s2 =	stileid.u32  }
0x1e6: {  	s1 =	rddreg [dreg:$0x1];
	p0 =	sne.s32 s2, $0x0  }
0x1e7: {  	s3 =	rddreg [dreg:$0x2];
	[bflag:$0x3] =	sbarrier.arrive $0xFFFF;
	s2 =	simm.s32 @!p0 $0x1C05  }
0x1e8: {  	[timem:s3], [sflag:s2] =	dma.local @!p0 [hbm:s0], s1  }
0x1e9: {  	s0 =	simm.s32 @!p0 $0x5  }
0x1ea: {  	_ =	swait.ge @!p0 [sflag:s0], s1  }
0x1eb: {  	s1 =	ssub.s32 @!p0 $0x0, s1;
	[sflag:s0] =	ssyncset.done @!p0 $0x0  }
0x1ec: {  	[sflag:s0] =	ssyncadd.s32 @!p0 s1  }
0x1ed: {  	[bflag:$0x3] =	sbarrier.arrive $0xFFFF  }
0x1ee: {  	_ =	shalt  }

</sc_bundles>
